<compile_context>
chip_gen: v7x
topology: tpu7x:2x2x1
jax: 0.10.2.dev20260603
libtpu: 0.0.44.dev20260713+nightly
codegen_flags: <defaults>
</compile_context>

<pallas_src>
import functools

import jax
import jax.numpy as jnp
from jax import lax
from jax.experimental import pallas as pl
from jax.experimental.pallas import tpu as pltpu
from jax.experimental.pallas import tpu_sc as plsc

N_NODES = 10000
N_EDGES = 320000
IN_D = 128
HID = 64

NC = 2
NS = 16
NW = NC * NS

NP = 10240
NPH = NP // 2
RPT = NP // NS
PPT = NPH // NS
K = 128
NCHUNK = 80
EPT = NCHUNK * K
EPAD = NW * EPT
NBUF = 8
NGRP = NCHUNK // NBUF

_mesh = plsc.VectorSubcoreMesh(core_axis_name="c", subcore_axis_name="s")
_sc_params = pltpu.CompilerParams(use_tc_tiling_on_sc=False)



@functools.partial(
    pl.kernel,
    out_type=jax.ShapeDtypeStruct((NC * NPH, 2 * HID), jnp.float32),
    mesh=_mesh,
    compiler_params=_sc_params,
    scratch_types=[
        pltpu.VMEM((NCHUNK, K), jnp.int32),
        pltpu.VMEM((RPT,), jnp.float32),
        pltpu.VMEM((K,), jnp.float32),
        pltpu.VMEM((PPT, 2 * HID), jnp.float32),
        pltpu.VMEM_SHARED((NP,), jnp.float32),
        pltpu.SemaphoreType.DMA,
    ],
)
def _deg_kernel(ei_hbm, degb_hbm, didx_v, dv, ones_v, pbuf, deg_sh, sem):
    c = lax.axis_index("c")
    s = lax.axis_index("s")
    wid = c * NS + s

    def fill_z(i, _):
        dv[pl.ds(i * 16, 16)] = jnp.zeros((16,), jnp.float32)
        return 0

    lax.fori_loop(0, RPT // 16, fill_z, 0)

    def fill_o(i, _):
        ones_v[pl.ds(i * 16, 16)] = jnp.ones((16,), jnp.float32)
        return 0

    lax.fori_loop(0, K // 16, fill_o, 0)

    pltpu.sync_copy(dv, deg_sh.at[pl.ds(s * RPT, RPT)])
    pltpu.sync_copy(ei_hbm.at[1, wid], didx_v)
    plsc.subcore_barrier()

    def body(ci, _):
        pltpu.async_copy(ones_v, deg_sh.at[didx_v.at[ci]], sem, add=True)
        return 0

    lax.fori_loop(0, NCHUNK, body, 0)

    def drain(ci, _):
        pltpu.make_async_copy(ei_hbm.at[1, wid, ci], didx_v.at[0], sem).wait()
        return 0

    lax.fori_loop(0, NCHUNK, drain, 0)
    plsc.subcore_barrier()

    pltpu.sync_copy(deg_sh.at[pl.ds(s * RPT, RPT)], dv)

    def bc(j16, _):
        v = dv[pl.ds(j16 * 16, 16)]
        for l in range(16):
            row = 8 * j16 + l // 2
            col0 = (l % 2) * HID
            sp = jnp.full((16,), 1.0, jnp.float32) * v[l]
            for q in range(HID // 16):
                pbuf[row, pl.ds(col0 + q * 16, 16)] = sp
        return 0

    lax.fori_loop(0, RPT // 16, bc, 0)
    pltpu.sync_copy(pbuf, degb_hbm.at[pl.ds(c * NPH + s * PPT, PPT)])


@functools.partial(
    pl.kernel,
    out_type=jax.ShapeDtypeStruct((NC * NP, HID), jnp.float32),
    mesh=_mesh,
    compiler_params=_sc_params,
    scratch_types=[
        pltpu.VMEM((NCHUNK, K), jnp.int32),
        pltpu.VMEM((NCHUNK, K), jnp.int32),
    ] + [pltpu.VMEM((K, HID), jnp.float32) for _ in range(NBUF)] + [
        pltpu.VMEM_SHARED((NP, HID), jnp.float32),
        pltpu.SemaphoreType.DMA,
        pltpu.SemaphoreType.DMA,
    ],
)
def _edge_kernel(ht_hbm, ei_hbm, aggp_hbm,
                 sidx_v, didx_v, r0, r1, r2, r3, r4, r5, r6, r7,
                 agg_sh, sem_g, sem_s):
    rows = (r0, r1, r2, r3, r4, r5, r6, r7)
    c = lax.axis_index("c")
    s = lax.axis_index("s")
    wid = c * NS + s

    def fill_z(j, _):
        for l in range(HID // 16):
            r0[j, pl.ds(l * 16, 16)] = jnp.zeros((16,), jnp.float32)
        return 0

    lax.fori_loop(0, K, fill_z, 0)

    def zcp(j, _):
        pltpu.sync_copy(r0, agg_sh.at[pl.ds(s * RPT + j * K, K)])
        return 0

    lax.fori_loop(0, RPT // K, zcp, 0)

    pltpu.sync_copy(ei_hbm.at[0, wid], sidx_v)
    pltpu.sync_copy(ei_hbm.at[1, wid], didx_v)
    plsc.subcore_barrier()

    def grp(g, _):
        @pl.when(g > 0)
        def _drain():
            for b in range(NBUF):
                pltpu.make_async_copy(ht_hbm.at[sidx_v.at[0]], rows[b],
                                      sem_s).wait()

        cps = []
        for b in range(NBUF):
            ci = g * NBUF + b
            cps.append(pltpu.async_copy(
                ht_hbm.at[sidx_v.at[ci]], rows[b], sem_g))
        for b in range(NBUF):
            cps[b].wait()
            pltpu.async_copy(rows[b], agg_sh.at[didx_v.at[g * NBUF + b]],
                             sem_s, add=True)
        return 0

    lax.fori_loop(0, NGRP, grp, 0)
    for b in range(NBUF):
        pltpu.make_async_copy(ht_hbm.at[sidx_v.at[0]], rows[b], sem_s).wait()
    plsc.subcore_barrier()
    pltpu.sync_copy(agg_sh.at[pl.ds(s * RPT, RPT)],
                    aggp_hbm.at[pl.ds(c * NP + s * RPT, RPT)])



PB = 640


def _mm1_body(x_ref, w_ref, d0_ref, d1_ref, z_ref, ht_ref, dis_ref):
    dis = lax.rsqrt(d0_ref[...] + d1_ref[...] + 1.0)
    z = jnp.dot(x_ref[...], w_ref[...], preferred_element_type=jnp.float32)
    z_ref[...] = z
    ht_ref[...] = z * dis
    dis_ref[...] = dis


def _mm2_body(a0_ref, a1_ref, z1_ref, dis_ref, b1_ref, w2_ref,
              z2_ref, ht2_ref):
    dis = dis_ref[...]
    h = jnp.maximum(dis * (a0_ref[...] + a1_ref[...])
                    + (dis * dis) * z1_ref[...] + b1_ref[...], 0.0)
    z2 = jnp.dot(h, w2_ref[...], preferred_element_type=jnp.float32)
    z2_ref[...] = z2
    ht2_ref[...] = z2 * dis


def _fin_body(a_ref, z2_ref, dis_ref, b2_ref, o_ref):
    dis = dis_ref[...]
    o_ref[...] = (dis * (a_ref[0] + a_ref[1])
                  + (dis * dis) * z2_ref[...] + b2_ref[...])


def _pk(d=128, nb=PB):
    return pl.BlockSpec((nb, d), lambda i: (i, 0))


def _pk1(nb=PB):
    return pl.BlockSpec((nb, 128), lambda i: (i + NPH // nb, 0))


def _full_spec(a, b):
    return pl.BlockSpec((a, b), lambda i: (0, 0))


def _dup_w(w, d):
    wp = jnp.zeros((2 * d, 128), jnp.float32)
    wp = wp.at[:d, :HID].set(w)
    return wp.at[d:, HID:].set(w)


def kernel(x, edge_index, W1, b1, W2, b2):
    fill = (jnp.arange(EPAD - N_EDGES, dtype=jnp.int32) % (NP - N_NODES)
            + N_NODES)
    ei = jnp.concatenate(
        [edge_index, jnp.stack([fill, fill])], axis=1
    ).reshape(2, NW, NCHUNK, K)
    x_p = jnp.pad(x, ((0, NP - N_NODES), (0, 0)))
    xp = x_p.reshape(NPH, 2 * IN_D)
    W1p = _dup_w(W1, IN_D)
    W2p = _dup_w(W2, HID)
    b1p = jnp.concatenate([b1, b1]).reshape(1, 2 * HID)
    b2p = jnp.concatenate([b2, b2]).reshape(1, 2 * HID)

    degb = _deg_kernel(ei)

    z1p, ht1p, disp = pl.pallas_call(
        _mm1_body,
        grid=(NPH // PB,),
        in_specs=[_pk(2 * IN_D), _full_spec(2 * IN_D, 128), _pk(), _pk1()],
        out_specs=[_pk(), _pk(), _pk()],
        out_shape=[jax.ShapeDtypeStruct((NPH, 128), jnp.float32),
                   jax.ShapeDtypeStruct((NPH, 128), jnp.float32),
                   jax.ShapeDtypeStruct((NPH, 128), jnp.float32)],
    )(xp, W1p, degb, degb)

    aggp1 = _edge_kernel(ht1p.reshape(NP, HID), ei).reshape(NC * NPH, 128)

    z2p, ht2p = pl.pallas_call(
        _mm2_body,
        grid=(NPH // PB,),
        in_specs=[_pk(), _pk1(), _pk(), _pk(),
                  _full_spec(1, 128), _full_spec(128, 128)],
        out_specs=[_pk(), _pk()],
        out_shape=[jax.ShapeDtypeStruct((NPH, 128), jnp.float32),
                   jax.ShapeDtypeStruct((NPH, 128), jnp.float32)],
    )(aggp1, aggp1, z1p, disp, b1p, W2p)

    aggp2 = _edge_kernel(ht2p.reshape(NP, HID), ei).reshape(NC * NPH, 128)

    FB = 1000
    aggp2_3 = aggp2.reshape(NC, NPH, 128)
    out = pl.pallas_call(
        _fin_body,
        grid=(N_NODES // (2 * FB),),
        in_specs=[pl.BlockSpec((NC, FB, 128), lambda i: (0, i, 0)),
                  pl.BlockSpec((FB, 128), lambda i: (i, 0)),
                  pl.BlockSpec((FB, 128), lambda i: (i, 0)),
                  _full_spec(1, 128)],
        out_specs=pl.BlockSpec((FB, 128), lambda i: (i, 0)),
        out_shape=jax.ShapeDtypeStruct((N_NODES // 2, 128), jnp.float32),
    )(aggp2_3, z2p, disp, b2p)

    return out.reshape(N_NODES, HID)

# --- scband reference (transcript-rebuilt; emitter-appended) ---
"""Pipeline reference for scband-qaoa-gnn-router-69148973466104 (READ-ONLY COPY).

The authoritative reference and input builder live on the scoring server;
editing this copy changes nothing except your own understanding.
"""

import jax, jax.numpy as jnp
import numpy as np

N = 10000
E = 320000
IN_D = 128
HID = 64
OUT_D = 64


def setup_inputs(seed: int = 0) -> dict:
    key = jax.random.key(seed)
    k1, k2, k3, k4, k5 = jax.random.split(key, 5)
    x = jax.random.normal(k1, (N, IN_D), dtype=jnp.float32)
    edge_index = jax.random.randint(k2, (2, E), 0, N, dtype=jnp.int32)
    W1 = jax.random.normal(k3, (IN_D, HID), dtype=jnp.float32) * (1.0 / np.sqrt(IN_D))
    b1 = jnp.zeros((HID,), dtype=jnp.float32)
    W2 = jax.random.normal(k4, (HID, OUT_D), dtype=jnp.float32) * (1.0 / np.sqrt(HID))
    b2 = jnp.zeros((OUT_D,), dtype=jnp.float32)
    return {"x": x, "edge_index": edge_index, "W1": W1, "b1": b1, "W2": W2, "b2": b2}


def _gcn_conv(x, src, dst, W, b, n):
    # PyG-style GCNConv: linear transform, add self-loops, symmetric normalization, scatter-add aggregate.
    h = x @ W
    loop = jnp.arange(n, dtype=src.dtype)
    s = jnp.concatenate([src, loop])
    d = jnp.concatenate([dst, loop])
    deg = jax.ops.segment_sum(jnp.ones(s.shape[0], dtype=h.dtype), d, num_segments=n)
    deg_inv_sqrt = jnp.where(deg > 0, jax.lax.rsqrt(jnp.maximum(deg, 1e-12)), 0.0)
    norm = deg_inv_sqrt[s] * deg_inv_sqrt[d]
    msg = h[s] * norm[:, None]
    out = jax.ops.segment_sum(msg, d, num_segments=n)
    return out + b


def reference(x, edge_index, W1, b1, W2, b2):
    src = edge_index[0]
    dst = edge_index[1]
    h = jax.nn.relu(_gcn_conv(x, src, dst, W1, b1, N))
    out = _gcn_conv(h, src, dst, W2, b2, N)
    return out

if __name__ == "__main__":
    import jax
    _d = setup_inputs()
    print(jax.jit(kernel)(*tuple(_d.values())))

</pallas_src>

<mosaic_0001>
#map = affine_map<(d0, d1) -> (0, 0)>
#map1 = affine_map<(d0, d1) -> (0, 0, 0, 0)>
module attributes {stable_mosaic.version = 14 : i64} {
  func.func @_edge_kernel(%arg0: i32, %arg1: i32, %arg2: memref<10240x64xf32, #tpu.memory_space<hbm>>, %arg3: memref<2x32x80x128xi32, #tpu.memory_space<hbm>>, %arg4: memref<20480x64xf32, #tpu.memory_space<hbm>>, %arg5: memref<80x128xi32, #tpu.memory_space<vmem>>, %arg6: memref<80x128xi32, #tpu.memory_space<vmem>>, %arg7: memref<128x64xf32, #tpu.memory_space<vmem>>, %arg8: memref<128x64xf32, #tpu.memory_space<vmem>>, %arg9: memref<128x64xf32, #tpu.memory_space<vmem>>, %arg10: memref<128x64xf32, #tpu.memory_space<vmem>>, %arg11: memref<128x64xf32, #tpu.memory_space<vmem>>, %arg12: memref<128x64xf32, #tpu.memory_space<vmem>>, %arg13: memref<128x64xf32, #tpu.memory_space<vmem>>, %arg14: memref<128x64xf32, #tpu.memory_space<vmem>>, %arg15: memref<10240x64xf32, #tpu.memory_space<vmem_shared>>, %arg16: memref<!tpu.dma_semaphore, #tpu.memory_space<semaphore_mem>>, %arg17: memref<!tpu.dma_semaphore, #tpu.memory_space<semaphore_mem>>) attributes {dimension_semantics = [#tpu.dimension_semantics<core_parallel>, #tpu.dimension_semantics<subcore_parallel>], iteration_bounds = array<i64: 2, 16>, scalar_prefetch = 0 : i64, scratch_operands = 13 : i64, tpu.core_type = #tpu.core_type<sc_vector_subcore>, window_params = [{transform_indices = #map}, {transform_indices = #map1}, {transform_indices = #map}]} {
    %mul3A = arith.constant 16 : i32
    %mul3A_0 = arith.muli %arg0, %mul3A : i32
    %add3A = arith.addi %mul3A_0, %arg1 : i32
    %scan3A = arith.constant 0 : i32
    %scan3A_1 = arith.constant 0 : i32
    %scan3A_2 = arith.constant 128 : i32
    %scan3A_3 = arith.addi %scan3A_1, %scan3A_2 : i32
    %scan3A_4 = arith.constant 1 : i32
    %scan3A_5 = scf.for %scan3A_85 = %scan3A_1 to %scan3A_3 step %scan3A_4 iter_args(%scan3A_86 = %scan3A) -> (i32)  : i32 {
      %broadcast_in_dim3A = arith.constant 0.000000e+00 : f32
      %broadcast_in_dim3A_87 = vector.broadcast %broadcast_in_dim3A : f32 to vector<16xf32>
      %swap3A = arith.index_cast %scan3A_85 : i32 to index
      %swap3A_88 = arith.constant 0 : index
      %swap3A_89 = tpu.vector_load %arg7[%swap3A, %swap3A_88] {strides = array<i32>} : memref<128x64xf32, #tpu.memory_space<vmem>>, vector<1x16xf32>,
      %swap3A_90 = vector.shape_cast %swap3A_89 : vector<1x16xf32> to vector<16xf32>
      %swap3A_91 = vector.shape_cast %broadcast_in_dim3A_87 : vector<16xf32> to vector<1x16xf32>
      tpu.vector_store %arg7[%swap3A, %swap3A_88], %swap3A_91 {strides = array<i32>} : memref<128x64xf32, #tpu.memory_space<vmem>>, vector<1x16xf32>,
      %broadcast_in_dim3A_92 = arith.constant 0.000000e+00 : f32
      %broadcast_in_dim3A_93 = vector.broadcast %broadcast_in_dim3A_92 : f32 to vector<16xf32>
      %swap3A_94 = arith.index_cast %scan3A_85 : i32 to index
      %swap3A_95 = arith.constant 16 : index
      %swap3A_96 = tpu.vector_load %arg7[%swap3A_94, %swap3A_95] {strides = array<i32>} : memref<128x64xf32, #tpu.memory_space<vmem>>, vector<1x16xf32>,
      %swap3A_97 = vector.shape_cast %swap3A_96 : vector<1x16xf32> to vector<16xf32>
      %swap3A_98 = vector.shape_cast %broadcast_in_dim3A_93 : vector<16xf32> to vector<1x16xf32>
      tpu.vector_store %arg7[%swap3A_94, %swap3A_95], %swap3A_98 {strides = array<i32>} : memref<128x64xf32, #tpu.memory_space<vmem>>, vector<1x16xf32>,
      %broadcast_in_dim3A_99 = arith.constant 0.000000e+00 : f32
      %broadcast_in_dim3A_100 = vector.broadcast %broadcast_in_dim3A_99 : f32 to vector<16xf32>
      %swap3A_101 = arith.index_cast %scan3A_85 : i32 to index
      %swap3A_102 = arith.constant 32 : index
      %swap3A_103 = tpu.vector_load %arg7[%swap3A_101, %swap3A_102] {strides = array<i32>} : memref<128x64xf32, #tpu.memory_space<vmem>>, vector<1x16xf32>,
      %swap3A_104 = vector.shape_cast %swap3A_103 : vector<1x16xf32> to vector<16xf32>
      %swap3A_105 = vector.shape_cast %broadcast_in_dim3A_100 : vector<16xf32> to vector<1x16xf32>
      tpu.vector_store %arg7[%swap3A_101, %swap3A_102], %swap3A_105 {strides = array<i32>} : memref<128x64xf32, #tpu.memory_space<vmem>>, vector<1x16xf32>,
      %broadcast_in_dim3A_106 = arith.constant 0.000000e+00 : f32
      %broadcast_in_dim3A_107 = vector.broadcast %broadcast_in_dim3A_106 : f32 to vector<16xf32>
      %swap3A_108 = arith.index_cast %scan3A_85 : i32 to index
      %swap3A_109 = arith.constant 48 : index
      %swap3A_110 = tpu.vector_load %arg7[%swap3A_108, %swap3A_109] {strides = array<i32>} : memref<128x64xf32, #tpu.memory_space<vmem>>, vector<1x16xf32>,
      %swap3A_111 = vector.shape_cast %swap3A_110 : vector<1x16xf32> to vector<16xf32>
      %swap3A_112 = vector.shape_cast %broadcast_in_dim3A_107 : vector<16xf32> to vector<1x16xf32>
      tpu.vector_store %arg7[%swap3A_108, %swap3A_109], %swap3A_112 {strides = array<i32>} : memref<128x64xf32, #tpu.memory_space<vmem>>, vector<1x16xf32>,
      %scan3A_113 = arith.constant 0 : i32
      scf.yield %scan3A_113 : i32
    }
    %scan3A_6 = arith.constant 128 : i32
    %scan3A_7 = arith.constant 0 : i32
    %scan3A_8 = arith.constant 0 : i32
    %scan3A_9 = arith.constant 5 : i32
    %scan3A_10 = arith.addi %scan3A_8, %scan3A_9 : i32
    %scan3A_11 = arith.constant 1 : i32
    %scan3A_12 = scf.for %scan3A_85 = %scan3A_8 to %scan3A_10 step %scan3A_11 iter_args(%scan3A_86 = %scan3A_7) -> (i32)  : i32 {
      %mul3A_87 = arith.constant 640 : i32
      %mul3A_88 = arith.muli %arg1, %mul3A_87 : i32
      %mul3A_89 = arith.constant 128 : i32
      %mul3A_90 = arith.muli %scan3A_85, %mul3A_89 : i32
      %add3A_91 = arith.addi %mul3A_88, %mul3A_90 : i32
      "tpu.region"() ({
        %run_scoped3A_93 = tpu.sem_alloc : memref<!tpu.dma_semaphore, #tpu.memory_space<semaphore_mem>>
        %dma_start3A = arith.constant 0 : i32
        %dma_start3A_94 = tpu.memref_slice %arg15[%add3A_91, %dma_start3A] : memref<10240x64xf32, #tpu.memory_space<vmem_shared>> -> memref<128x64xf32, #tpu.memory_space<vmem_shared>>
        %dma_start3A_95 = arith.constant 0 : i32
        %dma_start3A_96 = tpu.memref_slice %arg15[%add3A_91, %dma_start3A_95] : memref<10240x64xf32, #tpu.memory_space<vmem_shared>> -> memref<128x64xf32, #tpu.memory_space<vmem_shared>>
        tpu.enqueue_dma source(%arg7 : memref<128x64xf32, #tpu.memory_space<vmem>>) target(%dma_start3A_96 : memref<128x64xf32, #tpu.memory_space<vmem_shared>>) target_semaphore(%run_scoped3A_93 : memref<!tpu.dma_semaphore, #tpu.memory_space<semaphore_mem>>)
        %dma_wait3A_97 = arith.constant 0 : i32
        %dma_wait3A_98 = tpu.memref_slice %arg15[%add3A_91, %dma_wait3A_97] : memref<10240x64xf32, #tpu.memory_space<vmem_shared>> -> memref<128x64xf32, #tpu.memory_space<vmem_shared>>
        %dma_wait3A_99 = arith.constant 0 : i32
        %dma_wait3A_100 = tpu.memref_slice %arg15[%add3A_91, %dma_wait3A_99] : memref<10240x64xf32, #tpu.memory_space<vmem_shared>> -> memref<128x64xf32, #tpu.memory_space<vmem_shared>>
        tpu.wait_dma2 semaphore(%run_scoped3A_93 : memref<!tpu.dma_semaphore, #tpu.memory_space<semaphore_mem>>) src(%arg7 : memref<128x64xf32, #tpu.memory_space<vmem>>) dst(%dma_wait3A_100 : memref<128x64xf32, #tpu.memory_space<vmem_shared>>)
        tpu.yield
      }) : () -> ()
      %scan3A_92 = arith.constant 0 : i32
      scf.yield %scan3A_92 : i32
    }
    %scan3A_13 = arith.constant 5 : i32
    %run_scoped3A = arith.constant 0 : i32
    "tpu.region"() ({
      %run_scoped3A_85 = tpu.sem_alloc : memref<!tpu.dma_semaphore, #tpu.memory_space<semaphore_mem>>
      %dma_start3A = arith.constant 0 : i32
      %dma_start3A_86 = arith.constant 0 : i32
      %dma_start3A_87 = tpu.memref_slice %arg3[%run_scoped3A, %add3A, %dma_start3A, %dma_start3A_86] : memref<2x32x80x128xi32, #tpu.memory_space<hbm>> -> memref<1x1x80x128xi32, #tpu.memory_space<hbm>>
      %dma_start3A_88 = tpu.memref_squeeze %dma_start3A_87 : memref<1x1x80x128xi32, #tpu.memory_space<hbm>> -> memref<80x128xi32, #tpu.memory_space<hbm>>
      %dma_start3A_89 = arith.constant 0 : i32
      %dma_start3A_90 = arith.constant 0 : i32
      %dma_start3A_91 = tpu.memref_slice %arg3[%run_scoped3A, %add3A, %dma_start3A_89, %dma_start3A_90] : memref<2x32x80x128xi32, #tpu.memory_space<hbm>> -> memref<1x1x80x128xi32, #tpu.memory_space<hbm>>
      %dma_start3A_92 = tpu.memref_squeeze %dma_start3A_91 : memref<1x1x80x128xi32, #tpu.memory_space<hbm>> -> memref<80x128xi32, #tpu.memory_space<hbm>>
      tpu.enqueue_dma source(%dma_start3A_92 : memref<80x128xi32, #tpu.memory_space<hbm>>) target(%arg5 : memref<80x128xi32, #tpu.memory_space<vmem>>) target_semaphore(%run_scoped3A_85 : memref<!tpu.dma_semaphore, #tpu.memory_space<semaphore_mem>>)
      %dma_wait3A_93 = arith.constant 0 : i32
      %dma_wait3A_94 = arith.constant 0 : i32
      %dma_wait3A_95 = tpu.memref_slice %arg3[%run_scoped3A, %add3A, %dma_wait3A_93, %dma_wait3A_94] : memref<2x32x80x128xi32, #tpu.memory_space<hbm>> -> memref<1x1x80x128xi32, #tpu.memory_space<hbm>>
      %dma_wait3A_96 = tpu.memref_squeeze %dma_wait3A_95 : memref<1x1x80x128xi32, #tpu.memory_space<hbm>> -> memref<80x128xi32, #tpu.memory_space<hbm>>
      %dma_wait3A_97 = arith.constant 0 : i32
      %dma_wait3A_98 = arith.constant 0 : i32
      %dma_wait3A_99 = tpu.memref_slice %arg3[%run_scoped3A, %add3A, %dma_wait3A_97, %dma_wait3A_98] : memref<2x32x80x128xi32, #tpu.memory_space<hbm>> -> memref<1x1x80x128xi32, #tpu.memory_space<hbm>>
      %dma_wait3A_100 = tpu.memref_squeeze %dma_wait3A_99 : memref<1x1x80x128xi32, #tpu.memory_space<hbm>> -> memref<80x128xi32, #tpu.memory_space<hbm>>
      tpu.wait_dma2 semaphore(%run_scoped3A_85 : memref<!tpu.dma_semaphore, #tpu.memory_space<semaphore_mem>>) src(%dma_wait3A_100 : memref<80x128xi32, #tpu.memory_space<hbm>>) dst(%arg5 : memref<80x128xi32, #tpu.memory_space<vmem>>)
      tpu.yield
    }) : () -> ()
    %run_scoped3A_14 = arith.constant 1 : i32
    "tpu.region"() ({
      %run_scoped3A_85 = tpu.sem_alloc : memref<!tpu.dma_semaphore, #tpu.memory_space<semaphore_mem>>
      %dma_start3A = arith.constant 0 : i32
      %dma_start3A_86 = arith.constant 0 : i32
      %dma_start3A_87 = tpu.memref_slice %arg3[%run_scoped3A_14, %add3A, %dma_start3A, %dma_start3A_86] : memref<2x32x80x128xi32, #tpu.memory_space<hbm>> -> memref<1x1x80x128xi32, #tpu.memory_space<hbm>>
      %dma_start3A_88 = tpu.memref_squeeze %dma_start3A_87 : memref<1x1x80x128xi32, #tpu.memory_space<hbm>> -> memref<80x128xi32, #tpu.memory_space<hbm>>
      %dma_start3A_89 = arith.constant 0 : i32
      %dma_start3A_90 = arith.constant 0 : i32
      %dma_start3A_91 = tpu.memref_slice %arg3[%run_scoped3A_14, %add3A, %dma_start3A_89, %dma_start3A_90] : memref<2x32x80x128xi32, #tpu.memory_space<hbm>> -> memref<1x1x80x128xi32, #tpu.memory_space<hbm>>
      %dma_start3A_92 = tpu.memref_squeeze %dma_start3A_91 : memref<1x1x80x128xi32, #tpu.memory_space<hbm>> -> memref<80x128xi32, #tpu.memory_space<hbm>>
      tpu.enqueue_dma source(%dma_start3A_92 : memref<80x128xi32, #tpu.memory_space<hbm>>) target(%arg6 : memref<80x128xi32, #tpu.memory_space<vmem>>) target_semaphore(%run_scoped3A_85 : memref<!tpu.dma_semaphore, #tpu.memory_space<semaphore_mem>>)
      %dma_wait3A_93 = arith.constant 0 : i32
      %dma_wait3A_94 = arith.constant 0 : i32
      %dma_wait3A_95 = tpu.memref_slice %arg3[%run_scoped3A_14, %add3A, %dma_wait3A_93, %dma_wait3A_94] : memref<2x32x80x128xi32, #tpu.memory_space<hbm>> -> memref<1x1x80x128xi32, #tpu.memory_space<hbm>>
      %dma_wait3A_96 = tpu.memref_squeeze %dma_wait3A_95 : memref<1x1x80x128xi32, #tpu.memory_space<hbm>> -> memref<80x128xi32, #tpu.memory_space<hbm>>
      %dma_wait3A_97 = arith.constant 0 : i32
      %dma_wait3A_98 = arith.constant 0 : i32
      %dma_wait3A_99 = tpu.memref_slice %arg3[%run_scoped3A_14, %add3A, %dma_wait3A_97, %dma_wait3A_98] : memref<2x32x80x128xi32, #tpu.memory_space<hbm>> -> memref<1x1x80x128xi32, #tpu.memory_space<hbm>>
      %dma_wait3A_100 = tpu.memref_squeeze %dma_wait3A_99 : memref<1x1x80x128xi32, #tpu.memory_space<hbm>> -> memref<80x128xi32, #tpu.memory_space<hbm>>
      tpu.wait_dma2 semaphore(%run_scoped3A_85 : memref<!tpu.dma_semaphore, #tpu.memory_space<semaphore_mem>>) src(%dma_wait3A_100 : memref<80x128xi32, #tpu.memory_space<hbm>>) dst(%arg6 : memref<80x128xi32, #tpu.memory_space<vmem>>)
      tpu.yield
    }) : () -> ()
    %barrier3A = arith.constant 0 : index
    tpu.barrier barrier_id(%barrier3A)
    %scan3A_15 = arith.constant 0 : i32
    %scan3A_16 = arith.constant 0 : i32
    %scan3A_17 = arith.constant 10 : i32
    %scan3A_18 = arith.addi %scan3A_16, %scan3A_17 : i32
    %scan3A_19 = arith.constant 1 : i32
    %scan3A_20 = scf.for %scan3A_85 = %scan3A_16 to %scan3A_18 step %scan3A_19 iter_args(%scan3A_86 = %scan3A_15) -> (i32)  : i32 {
      %gt3A = arith.constant 0 : i32
      %gt3A_87 = arith.cmpi sgt, %scan3A_85, %gt3A : i32
      %convert_element_type3A = arith.extui %gt3A_87 : i1 to i32
      %cond3A = arith.constant 0 : i32
      %cond3A_88 = arith.cmpi ne, %convert_element_type3A, %cond3A : i32
      scf.if %cond3A_88 {
        %dma_wait3A_297 = arith.constant 0 : i32
        %dma_wait3A_298 = arith.constant 0 : i32
        %dma_wait3A_299 = tpu.memref_slice %arg5[%dma_wait3A_297, %dma_wait3A_298] : memref<80x128xi32, #tpu.memory_space<vmem>> -> memref<1x128xi32, #tpu.memory_space<vmem>>
        %dma_wait3A_300 = tpu.memref_squeeze %dma_wait3A_299 : memref<1x128xi32, #tpu.memory_space<vmem>> -> memref<128xi32, #tpu.memory_space<vmem>>
        %dma_wait3A_301 = arith.constant 0 : i32
        %dma_wait3A_302 = arith.constant 0 : i32
        %dma_wait3A_303 = tpu.memref_slice %arg2[%dma_wait3A_301, %dma_wait3A_302] : memref<10240x64xf32, #tpu.memory_space<hbm>> -> memref<10240x64xf32, #tpu.memory_space<hbm>>
        tpu.wait_indirect_dma semaphore(%arg17 : memref<!tpu.dma_semaphore, #tpu.memory_space<semaphore_mem>>) src(%dma_wait3A_303 : memref<10240x64xf32, #tpu.memory_space<hbm>>) dst(%arg7 : memref<128x64xf32, #tpu.memory_space<vmem>>)
        %dma_wait3A_304 = arith.constant 0 : i32
        %dma_wait3A_305 = arith.constant 0 : i32
        %dma_wait3A_306 = tpu.memref_slice %arg5[%dma_wait3A_304, %dma_wait3A_305] : memref<80x128xi32, #tpu.memory_space<vmem>> -> memref<1x128xi32, #tpu.memory_space<vmem>>
        %dma_wait3A_307 = tpu.memref_squeeze %dma_wait3A_306 : memref<1x128xi32, #tpu.memory_space<vmem>> -> memref<128xi32, #tpu.memory_space<vmem>>
        %dma_wait3A_308 = arith.constant 0 : i32
        %dma_wait3A_309 = arith.constant 0 : i32
        %dma_wait3A_310 = tpu.memref_slice %arg2[%dma_wait3A_308, %dma_wait3A_309] : memref<10240x64xf32, #tpu.memory_space<hbm>> -> memref<10240x64xf32, #tpu.memory_space<hbm>>
        tpu.wait_indirect_dma semaphore(%arg17 : memref<!tpu.dma_semaphore, #tpu.memory_space<semaphore_mem>>) src(%dma_wait3A_310 : memref<10240x64xf32, #tpu.memory_space<hbm>>) dst(%arg8 : memref<128x64xf32, #tpu.memory_space<vmem>>)
        %dma_wait3A_311 = arith.constant 0 : i32
        %dma_wait3A_312 = arith.constant 0 : i32
        %dma_wait3A_313 = tpu.memref_slice %arg5[%dma_wait3A_311, %dma_wait3A_312] : memref<80x128xi32, #tpu.memory_space<vmem>> -> memref<1x128xi32, #tpu.memory_space<vmem>>
        %dma_wait3A_314 = tpu.memref_squeeze %dma_wait3A_313 : memref<1x128xi32, #tpu.memory_space<vmem>> -> memref<128xi32, #tpu.memory_space<vmem>>
        %dma_wait3A_315 = arith.constant 0 : i32
        %dma_wait3A_316 = arith.constant 0 : i32
        %dma_wait3A_317 = tpu.memref_slice %arg2[%dma_wait3A_315, %dma_wait3A_316] : memref<10240x64xf32, #tpu.memory_space<hbm>> -> memref<10240x64xf32, #tpu.memory_space<hbm>>
        tpu.wait_indirect_dma semaphore(%arg17 : memref<!tpu.dma_semaphore, #tpu.memory_space<semaphore_mem>>) src(%dma_wait3A_317 : memref<10240x64xf32, #tpu.memory_space<hbm>>) dst(%arg9 : memref<128x64xf32, #tpu.memory_space<vmem>>)
        %dma_wait3A_318 = arith.constant 0 : i32
        %dma_wait3A_319 = arith.constant 0 : i32
        %dma_wait3A_320 = tpu.memref_slice %arg5[%dma_wait3A_318, %dma_wait3A_319] : memref<80x128xi32, #tpu.memory_space<vmem>> -> memref<1x128xi32, #tpu.memory_space<vmem>>
        %dma_wait3A_321 = tpu.memref_squeeze %dma_wait3A_320 : memref<1x128xi32, #tpu.memory_space<vmem>> -> memref<128xi32, #tpu.memory_space<vmem>>
        %dma_wait3A_322 = arith.constant 0 : i32
        %dma_wait3A_323 = arith.constant 0 : i32
        %dma_wait3A_324 = tpu.memref_slice %arg2[%dma_wait3A_322, %dma_wait3A_323] : memref<10240x64xf32, #tpu.memory_space<hbm>> -> memref<10240x64xf32, #tpu.memory_space<hbm>>
        tpu.wait_indirect_dma semaphore(%arg17 : memref<!tpu.dma_semaphore, #tpu.memory_space<semaphore_mem>>) src(%dma_wait3A_324 : memref<10240x64xf32, #tpu.memory_space<hbm>>) dst(%arg10 : memref<128x64xf32, #tpu.memory_space<vmem>>)
        %dma_wait3A_325 = arith.constant 0 : i32
        %dma_wait3A_326 = arith.constant 0 : i32
        %dma_wait3A_327 = tpu.memref_slice %arg5[%dma_wait3A_325, %dma_wait3A_326] : memref<80x128xi32, #tpu.memory_space<vmem>> -> memref<1x128xi32, #tpu.memory_space<vmem>>
        %dma_wait3A_328 = tpu.memref_squeeze %dma_wait3A_327 : memref<1x128xi32, #tpu.memory_space<vmem>> -> memref<128xi32, #tpu.memory_space<vmem>>
        %dma_wait3A_329 = arith.constant 0 : i32
        %dma_wait3A_330 = arith.constant 0 : i32
        %dma_wait3A_331 = tpu.memref_slice %arg2[%dma_wait3A_329, %dma_wait3A_330] : memref<10240x64xf32, #tpu.memory_space<hbm>> -> memref<10240x64xf32, #tpu.memory_space<hbm>>
        tpu.wait_indirect_dma semaphore(%arg17 : memref<!tpu.dma_semaphore, #tpu.memory_space<semaphore_mem>>) src(%dma_wait3A_331 : memref<10240x64xf32, #tpu.memory_space<hbm>>) dst(%arg11 : memref<128x64xf32, #tpu.memory_space<vmem>>)
        %dma_wait3A_332 = arith.constant 0 : i32
        %dma_wait3A_333 = arith.constant 0 : i32
        %dma_wait3A_334 = tpu.memref_slice %arg5[%dma_wait3A_332, %dma_wait3A_333] : memref<80x128xi32, #tpu.memory_space<vmem>> -> memref<1x128xi32, #tpu.memory_space<vmem>>
        %dma_wait3A_335 = tpu.memref_squeeze %dma_wait3A_334 : memref<1x128xi32, #tpu.memory_space<vmem>> -> memref<128xi32, #tpu.memory_space<vmem>>
        %dma_wait3A_336 = arith.constant 0 : i32
        %dma_wait3A_337 = arith.constant 0 : i32
        %dma_wait3A_338 = tpu.memref_slice %arg2[%dma_wait3A_336, %dma_wait3A_337] : memref<10240x64xf32, #tpu.memory_space<hbm>> -> memref<10240x64xf32, #tpu.memory_space<hbm>>
        tpu.wait_indirect_dma semaphore(%arg17 : memref<!tpu.dma_semaphore, #tpu.memory_space<semaphore_mem>>) src(%dma_wait3A_338 : memref<10240x64xf32, #tpu.memory_space<hbm>>) dst(%arg12 : memref<128x64xf32, #tpu.memory_space<vmem>>)
        %dma_wait3A_339 = arith.constant 0 : i32
        %dma_wait3A_340 = arith.constant 0 : i32
        %dma_wait3A_341 = tpu.memref_slice %arg5[%dma_wait3A_339, %dma_wait3A_340] : memref<80x128xi32, #tpu.memory_space<vmem>> -> memref<1x128xi32, #tpu.memory_space<vmem>>
        %dma_wait3A_342 = tpu.memref_squeeze %dma_wait3A_341 : memref<1x128xi32, #tpu.memory_space<vmem>> -> memref<128xi32, #tpu.memory_space<vmem>>
        %dma_wait3A_343 = arith.constant 0 : i32
        %dma_wait3A_344 = arith.constant 0 : i32
        %dma_wait3A_345 = tpu.memref_slice %arg2[%dma_wait3A_343, %dma_wait3A_344] : memref<10240x64xf32, #tpu.memory_space<hbm>> -> memref<10240x64xf32, #tpu.memory_space<hbm>>
        tpu.wait_indirect_dma semaphore(%arg17 : memref<!tpu.dma_semaphore, #tpu.memory_space<semaphore_mem>>) src(%dma_wait3A_345 : memref<10240x64xf32, #tpu.memory_space<hbm>>) dst(%arg13 : memref<128x64xf32, #tpu.memory_space<vmem>>)
        %dma_wait3A_346 = arith.constant 0 : i32
        %dma_wait3A_347 = arith.constant 0 : i32
        %dma_wait3A_348 = tpu.memref_slice %arg5[%dma_wait3A_346, %dma_wait3A_347] : memref<80x128xi32, #tpu.memory_space<vmem>> -> memref<1x128xi32, #tpu.memory_space<vmem>>
        %dma_wait3A_349 = tpu.memref_squeeze %dma_wait3A_348 : memref<1x128xi32, #tpu.memory_space<vmem>> -> memref<128xi32, #tpu.memory_space<vmem>>
        %dma_wait3A_350 = arith.constant 0 : i32
        %dma_wait3A_351 = arith.constant 0 : i32
        %dma_wait3A_352 = tpu.memref_slice %arg2[%dma_wait3A_350, %dma_wait3A_351] : memref<10240x64xf32, #tpu.memory_space<hbm>> -> memref<10240x64xf32, #tpu.memory_space<hbm>>
        tpu.wait_indirect_dma semaphore(%arg17 : memref<!tpu.dma_semaphore, #tpu.memory_space<semaphore_mem>>) src(%dma_wait3A_352 : memref<10240x64xf32, #tpu.memory_space<hbm>>) dst(%arg14 : memref<128x64xf32, #tpu.memory_space<vmem>>)
      } else {
      }
      %mul3A_89 = arith.constant 8 : i32
      %mul3A_90 = arith.muli %scan3A_85, %mul3A_89 : i32
      %add3A_91 = arith.constant 0 : i32
      %add3A_92 = arith.addi %mul3A_90, %add3A_91 : i32
      %dma_start3A = arith.constant 0 : i32
      %dma_start3A_93 = tpu.memref_slice %arg5[%add3A_92, %dma_start3A] : memref<80x128xi32, #tpu.memory_space<vmem>> -> memref<1x128xi32, #tpu.memory_space<vmem>>
      %dma_start3A_94 = tpu.memref_squeeze %dma_start3A_93 : memref<1x128xi32, #tpu.memory_space<vmem>> -> memref<128xi32, #tpu.memory_space<vmem>>
      %dma_start3A_95 = arith.constant 0 : i32
      %dma_start3A_96 = arith.constant 0 : i32
      %dma_start3A_97 = tpu.memref_slice %arg2[%dma_start3A_95, %dma_start3A_96] : memref<10240x64xf32, #tpu.memory_space<hbm>> -> memref<10240x64xf32, #tpu.memory_space<hbm>>
      tpu.enqueue_indirect_dma source(%dma_start3A_97 : memref<10240x64xf32, #tpu.memory_space<hbm>>) target(%arg7 : memref<128x64xf32, #tpu.memory_space<vmem>>) offsets(%dma_start3A_94 : memref<128xi32, #tpu.memory_space<vmem>>) semaphore(%arg16 : memref<!tpu.dma_semaphore, #tpu.memory_space<semaphore_mem>>)
      %mul3A_98 = arith.constant 8 : i32
      %mul3A_99 = arith.muli %scan3A_85, %mul3A_98 : i32
      %add3A_100 = arith.constant 1 : i32
      %add3A_101 = arith.addi %mul3A_99, %add3A_100 : i32
      %dma_start3A_102 = arith.constant 0 : i32
      %dma_start3A_103 = tpu.memref_slice %arg5[%add3A_101, %dma_start3A_102] : memref<80x128xi32, #tpu.memory_space<vmem>> -> memref<1x128xi32, #tpu.memory_space<vmem>>
      %dma_start3A_104 = tpu.memref_squeeze %dma_start3A_103 : memref<1x128xi32, #tpu.memory_space<vmem>> -> memref<128xi32, #tpu.memory_space<vmem>>
      %dma_start3A_105 = arith.constant 0 : i32
      %dma_start3A_106 = arith.constant 0 : i32
      %dma_start3A_107 = tpu.memref_slice %arg2[%dma_start3A_105, %dma_start3A_106] : memref<10240x64xf32, #tpu.memory_space<hbm>> -> memref<10240x64xf32, #tpu.memory_space<hbm>>
      tpu.enqueue_indirect_dma source(%dma_start3A_107 : memref<10240x64xf32, #tpu.memory_space<hbm>>) target(%arg8 : memref<128x64xf32, #tpu.memory_space<vmem>>) offsets(%dma_start3A_104 : memref<128xi32, #tpu.memory_space<vmem>>) semaphore(%arg16 : memref<!tpu.dma_semaphore, #tpu.memory_space<semaphore_mem>>)
      %mul3A_108 = arith.constant 8 : i32
      %mul3A_109 = arith.muli %scan3A_85, %mul3A_108 : i32
      %add3A_110 = arith.constant 2 : i32
      %add3A_111 = arith.addi %mul3A_109, %add3A_110 : i32
      %dma_start3A_112 = arith.constant 0 : i32
      %dma_start3A_113 = tpu.memref_slice %arg5[%add3A_111, %dma_start3A_112] : memref<80x128xi32, #tpu.memory_space<vmem>> -> memref<1x128xi32, #tpu.memory_space<vmem>>
      %dma_start3A_114 = tpu.memref_squeeze %dma_start3A_113 : memref<1x128xi32, #tpu.memory_space<vmem>> -> memref<128xi32, #tpu.memory_space<vmem>>
      %dma_start3A_115 = arith.constant 0 : i32
      %dma_start3A_116 = arith.constant 0 : i32
      %dma_start3A_117 = tpu.memref_slice %arg2[%dma_start3A_115, %dma_start3A_116] : memref<10240x64xf32, #tpu.memory_space<hbm>> -> memref<10240x64xf32, #tpu.memory_space<hbm>>
      tpu.enqueue_indirect_dma source(%dma_start3A_117 : memref<10240x64xf32, #tpu.memory_space<hbm>>) target(%arg9 : memref<128x64xf32, #tpu.memory_space<vmem>>) offsets(%dma_start3A_114 : memref<128xi32, #tpu.memory_space<vmem>>) semaphore(%arg16 : memref<!tpu.dma_semaphore, #tpu.memory_space<semaphore_mem>>)
      %mul3A_118 = arith.constant 8 : i32
      %mul3A_119 = arith.muli %scan3A_85, %mul3A_118 : i32
      %add3A_120 = arith.constant 3 : i32
      %add3A_121 = arith.addi %mul3A_119, %add3A_120 : i32
      %dma_start3A_122 = arith.constant 0 : i32
      %dma_start3A_123 = tpu.memref_slice %arg5[%add3A_121, %dma_start3A_122] : memref<80x128xi32, #tpu.memory_space<vmem>> -> memref<1x128xi32, #tpu.memory_space<vmem>>
      %dma_start3A_124 = tpu.memref_squeeze %dma_start3A_123 : memref<1x128xi32, #tpu.memory_space<vmem>> -> memref<128xi32, #tpu.memory_space<vmem>>
      %dma_start3A_125 = arith.constant 0 : i32
      %dma_start3A_126 = arith.constant 0 : i32
      %dma_start3A_127 = tpu.memref_slice %arg2[%dma_start3A_125, %dma_start3A_126] : memref<10240x64xf32, #tpu.memory_space<hbm>> -> memref<10240x64xf32, #tpu.memory_space<hbm>>
      tpu.enqueue_indirect_dma source(%dma_start3A_127 : memref<10240x64xf32, #tpu.memory_space<hbm>>) target(%arg10 : memref<128x64xf32, #tpu.memory_space<vmem>>) offsets(%dma_start3A_124 : memref<128xi32, #tpu.memory_space<vmem>>) semaphore(%arg16 : memref<!tpu.dma_semaphore, #tpu.memory_space<semaphore_mem>>)
      %mul3A_128 = arith.constant 8 : i32
      %mul3A_129 = arith.muli %scan3A_85, %mul3A_128 : i32
      %add3A_130 = arith.constant 4 : i32
      %add3A_131 = arith.addi %mul3A_129, %add3A_130 : i32
      %dma_start3A_132 = arith.constant 0 : i32
      %dma_start3A_133 = tpu.memref_slice %arg5[%add3A_131, %dma_start3A_132] : memref<80x128xi32, #tpu.memory_space<vmem>> -> memref<1x128xi32, #tpu.memory_space<vmem>>
      %dma_start3A_134 = tpu.memref_squeeze %dma_start3A_133 : memref<1x128xi32, #tpu.memory_space<vmem>> -> memref<128xi32, #tpu.memory_space<vmem>>
      %dma_start3A_135 = arith.constant 0 : i32
      %dma_start3A_136 = arith.constant 0 : i32
      %dma_start3A_137 = tpu.memref_slice %arg2[%dma_start3A_135, %dma_start3A_136] : memref<10240x64xf32, #tpu.memory_space<hbm>> -> memref<10240x64xf32, #tpu.memory_space<hbm>>
      tpu.enqueue_indirect_dma source(%dma_start3A_137 : memref<10240x64xf32, #tpu.memory_space<hbm>>) target(%arg11 : memref<128x64xf32, #tpu.memory_space<vmem>>) offsets(%dma_start3A_134 : memref<128xi32, #tpu.memory_space<vmem>>) semaphore(%arg16 : memref<!tpu.dma_semaphore, #tpu.memory_space<semaphore_mem>>)
      %mul3A_138 = arith.constant 8 : i32
      %mul3A_139 = arith.muli %scan3A_85, %mul3A_138 : i32
      %add3A_140 = arith.constant 5 : i32
      %add3A_141 = arith.addi %mul3A_139, %add3A_140 : i32
      %dma_start3A_142 = arith.constant 0 : i32
      %dma_start3A_143 = tpu.memref_slice %arg5[%add3A_141, %dma_start3A_142] : memref<80x128xi32, #tpu.memory_space<vmem>> -> memref<1x128xi32, #tpu.memory_space<vmem>>
      %dma_start3A_144 = tpu.memref_squeeze %dma_start3A_143 : memref<1x128xi32, #tpu.memory_space<vmem>> -> memref<128xi32, #tpu.memory_space<vmem>>
      %dma_start3A_145 = arith.constant 0 : i32
      %dma_start3A_146 = arith.constant 0 : i32
      %dma_start3A_147 = tpu.memref_slice %arg2[%dma_start3A_145, %dma_start3A_146] : memref<10240x64xf32, #tpu.memory_space<hbm>> -> memref<10240x64xf32, #tpu.memory_space<hbm>>
      tpu.enqueue_indirect_dma source(%dma_start3A_147 : memref<10240x64xf32, #tpu.memory_space<hbm>>) target(%arg12 : memref<128x64xf32, #tpu.memory_space<vmem>>) offsets(%dma_start3A_144 : memref<128xi32, #tpu.memory_space<vmem>>) semaphore(%arg16 : memref<!tpu.dma_semaphore, #tpu.memory_space<semaphore_mem>>)
      %mul3A_148 = arith.constant 8 : i32
      %mul3A_149 = arith.muli %scan3A_85, %mul3A_148 : i32
      %add3A_150 = arith.constant 6 : i32
      %add3A_151 = arith.addi %mul3A_149, %add3A_150 : i32
      %dma_start3A_152 = arith.constant 0 : i32
      %dma_start3A_153 = tpu.memref_slice %arg5[%add3A_151, %dma_start3A_152] : memref<80x128xi32, #tpu.memory_space<vmem>> -> memref<1x128xi32, #tpu.memory_space<vmem>>
      %dma_start3A_154 = tpu.memref_squeeze %dma_start3A_153 : memref<1x128xi32, #tpu.memory_space<vmem>> -> memref<128xi32, #tpu.memory_space<vmem>>
      %dma_start3A_155 = arith.constant 0 : i32
      %dma_start3A_156 = arith.constant 0 : i32
      %dma_start3A_157 = tpu.memref_slice %arg2[%dma_start3A_155, %dma_start3A_156] : memref<10240x64xf32, #tpu.memory_space<hbm>> -> memref<10240x64xf32, #tpu.memory_space<hbm>>
      tpu.enqueue_indirect_dma source(%dma_start3A_157 : memref<10240x64xf32, #tpu.memory_space<hbm>>) target(%arg13 : memref<128x64xf32, #tpu.memory_space<vmem>>) offsets(%dma_start3A_154 : memref<128xi32, #tpu.memory_space<vmem>>) semaphore(%arg16 : memref<!tpu.dma_semaphore, #tpu.memory_space<semaphore_mem>>)
      %mul3A_158 = arith.constant 8 : i32
      %mul3A_159 = arith.muli %scan3A_85, %mul3A_158 : i32
      %add3A_160 = arith.constant 7 : i32
      %add3A_161 = arith.addi %mul3A_159, %add3A_160 : i32
      %dma_start3A_162 = arith.constant 0 : i32
      %dma_start3A_163 = tpu.memref_slice %arg5[%add3A_161, %dma_start3A_162] : memref<80x128xi32, #tpu.memory_space<vmem>> -> memref<1x128xi32, #tpu.memory_space<vmem>>
      %dma_start3A_164 = tpu.memref_squeeze %dma_start3A_163 : memref<1x128xi32, #tpu.memory_space<vmem>> -> memref<128xi32, #tpu.memory_space<vmem>>
      %dma_start3A_165 = arith.constant 0 : i32
      %dma_start3A_166 = arith.constant 0 : i32
      %dma_start3A_167 = tpu.memref_slice %arg2[%dma_start3A_165, %dma_start3A_166] : memref<10240x64xf32, #tpu.memory_space<hbm>> -> memref<10240x64xf32, #tpu.memory_space<hbm>>
      tpu.enqueue_indirect_dma source(%dma_start3A_167 : memref<10240x64xf32, #tpu.memory_space<hbm>>) target(%arg14 : memref<128x64xf32, #tpu.memory_space<vmem>>) offsets(%dma_start3A_164 : memref<128xi32, #tpu.memory_space<vmem>>) semaphore(%arg16 : memref<!tpu.dma_semaphore, #tpu.memory_space<semaphore_mem>>)
      %dma_wait3A_168 = arith.constant 0 : i32
      %dma_wait3A_169 = tpu.memref_slice %arg5[%add3A_92, %dma_wait3A_168] : memref<80x128xi32, #tpu.memory_space<vmem>> -> memref<1x128xi32, #tpu.memory_space<vmem>>
      %dma_wait3A_170 = tpu.memref_squeeze %dma_wait3A_169 : memref<1x128xi32, #tpu.memory_space<vmem>> -> memref<128xi32, #tpu.memory_space<vmem>>
      %dma_wait3A_171 = arith.constant 0 : i32
      %dma_wait3A_172 = arith.constant 0 : i32
      %dma_wait3A_173 = tpu.memref_slice %arg2[%dma_wait3A_171, %dma_wait3A_172] : memref<10240x64xf32, #tpu.memory_space<hbm>> -> memref<10240x64xf32, #tpu.memory_space<hbm>>
      tpu.wait_indirect_dma semaphore(%arg16 : memref<!tpu.dma_semaphore, #tpu.memory_space<semaphore_mem>>) src(%dma_wait3A_173 : memref<10240x64xf32, #tpu.memory_space<hbm>>) dst(%arg7 : memref<128x64xf32, #tpu.memory_space<vmem>>)
      %mul3A_174 = arith.constant 8 : i32
      %mul3A_175 = arith.muli %scan3A_85, %mul3A_174 : i32
      %add3A_176 = arith.constant 0 : i32
      %add3A_177 = arith.addi %mul3A_175, %add3A_176 : i32
      %dma_start3A_178 = arith.constant 0 : i32
      %dma_start3A_179 = tpu.memref_slice %arg6[%add3A_177, %dma_start3A_178] : memref<80x128xi32, #tpu.memory_space<vmem>> -> memref<1x128xi32, #tpu.memory_space<vmem>>
      %dma_start3A_180 = tpu.memref_squeeze %dma_start3A_179 : memref<1x128xi32, #tpu.memory_space<vmem>> -> memref<128xi32, #tpu.memory_space<vmem>>
      %dma_start3A_181 = arith.constant 0 : i32
      %dma_start3A_182 = arith.constant 0 : i32
      %dma_start3A_183 = tpu.memref_slice %arg15[%dma_start3A_181, %dma_start3A_182] : memref<10240x64xf32, #tpu.memory_space<vmem_shared>> -> memref<10240x64xf32, #tpu.memory_space<vmem_shared>>
      tpu.enqueue_indirect_dma source(%arg7 : memref<128x64xf32, #tpu.memory_space<vmem>>) target(%dma_start3A_183 : memref<10240x64xf32, #tpu.memory_space<vmem_shared>>) offsets(%dma_start3A_180 : memref<128xi32, #tpu.memory_space<vmem>>) semaphore(%arg17 : memref<!tpu.dma_semaphore, #tpu.memory_space<semaphore_mem>>) {add = true}
      %dma_wait3A_184 = arith.constant 0 : i32
      %dma_wait3A_185 = tpu.memref_slice %arg5[%add3A_101, %dma_wait3A_184] : memref<80x128xi32, #tpu.memory_space<vmem>> -> memref<1x128xi32, #tpu.memory_space<vmem>>
      %dma_wait3A_186 = tpu.memref_squeeze %dma_wait3A_185 : memref<1x128xi32, #tpu.memory_space<vmem>> -> memref<128xi32, #tpu.memory_space<vmem>>
      %dma_wait3A_187 = arith.constant 0 : i32
      %dma_wait3A_188 = arith.constant 0 : i32
      %dma_wait3A_189 = tpu.memref_slice %arg2[%dma_wait3A_187, %dma_wait3A_188] : memref<10240x64xf32, #tpu.memory_space<hbm>> -> memref<10240x64xf32, #tpu.memory_space<hbm>>
      tpu.wait_indirect_dma semaphore(%arg16 : memref<!tpu.dma_semaphore, #tpu.memory_space<semaphore_mem>>) src(%dma_wait3A_189 : memref<10240x64xf32, #tpu.memory_space<hbm>>) dst(%arg8 : memref<128x64xf32, #tpu.memory_space<vmem>>)
      %mul3A_190 = arith.constant 8 : i32
      %mul3A_191 = arith.muli %scan3A_85, %mul3A_190 : i32
      %add3A_192 = arith.constant 1 : i32
      %add3A_193 = arith.addi %mul3A_191, %add3A_192 : i32
      %dma_start3A_194 = arith.constant 0 : i32
      %dma_start3A_195 = tpu.memref_slice %arg6[%add3A_193, %dma_start3A_194] : memref<80x128xi32, #tpu.memory_space<vmem>> -> memref<1x128xi32, #tpu.memory_space<vmem>>
      %dma_start3A_196 = tpu.memref_squeeze %dma_start3A_195 : memref<1x128xi32, #tpu.memory_space<vmem>> -> memref<128xi32, #tpu.memory_space<vmem>>
      %dma_start3A_197 = arith.constant 0 : i32
      %dma_start3A_198 = arith.constant 0 : i32
      %dma_start3A_199 = tpu.memref_slice %arg15[%dma_start3A_197, %dma_start3A_198] : memref<10240x64xf32, #tpu.memory_space<vmem_shared>> -> memref<10240x64xf32, #tpu.memory_space<vmem_shared>>
      tpu.enqueue_indirect_dma source(%arg8 : memref<128x64xf32, #tpu.memory_space<vmem>>) target(%dma_start3A_199 : memref<10240x64xf32, #tpu.memory_space<vmem_shared>>) offsets(%dma_start3A_196 : memref<128xi32, #tpu.memory_space<vmem>>) semaphore(%arg17 : memref<!tpu.dma_semaphore, #tpu.memory_space<semaphore_mem>>) {add = true}
      %dma_wait3A_200 = arith.constant 0 : i32
      %dma_wait3A_201 = tpu.memref_slice %arg5[%add3A_111, %dma_wait3A_200] : memref<80x128xi32, #tpu.memory_space<vmem>> -> memref<1x128xi32, #tpu.memory_space<vmem>>
      %dma_wait3A_202 = tpu.memref_squeeze %dma_wait3A_201 : memref<1x128xi32, #tpu.memory_space<vmem>> -> memref<128xi32, #tpu.memory_space<vmem>>
      %dma_wait3A_203 = arith.constant 0 : i32
      %dma_wait3A_204 = arith.constant 0 : i32
      %dma_wait3A_205 = tpu.memref_slice %arg2[%dma_wait3A_203, %dma_wait3A_204] : memref<10240x64xf32, #tpu.memory_space<hbm>> -> memref<10240x64xf32, #tpu.memory_space<hbm>>
      tpu.wait_indirect_dma semaphore(%arg16 : memref<!tpu.dma_semaphore, #tpu.memory_space<semaphore_mem>>) src(%dma_wait3A_205 : memref<10240x64xf32, #tpu.memory_space<hbm>>) dst(%arg9 : memref<128x64xf32, #tpu.memory_space<vmem>>)
      %mul3A_206 = arith.constant 8 : i32
      %mul3A_207 = arith.muli %scan3A_85, %mul3A_206 : i32
      %add3A_208 = arith.constant 2 : i32
      %add3A_209 = arith.addi %mul3A_207, %add3A_208 : i32
      %dma_start3A_210 = arith.constant 0 : i32
      %dma_start3A_211 = tpu.memref_slice %arg6[%add3A_209, %dma_start3A_210] : memref<80x128xi32, #tpu.memory_space<vmem>> -> memref<1x128xi32, #tpu.memory_space<vmem>>
      %dma_start3A_212 = tpu.memref_squeeze %dma_start3A_211 : memref<1x128xi32, #tpu.memory_space<vmem>> -> memref<128xi32, #tpu.memory_space<vmem>>
      %dma_start3A_213 = arith.constant 0 : i32
      %dma_start3A_214 = arith.constant 0 : i32
      %dma_start3A_215 = tpu.memref_slice %arg15[%dma_start3A_213, %dma_start3A_214] : memref<10240x64xf32, #tpu.memory_space<vmem_shared>> -> memref<10240x64xf32, #tpu.memory_space<vmem_shared>>
      tpu.enqueue_indirect_dma source(%arg9 : memref<128x64xf32, #tpu.memory_space<vmem>>) target(%dma_start3A_215 : memref<10240x64xf32, #tpu.memory_space<vmem_shared>>) offsets(%dma_start3A_212 : memref<128xi32, #tpu.memory_space<vmem>>) semaphore(%arg17 : memref<!tpu.dma_semaphore, #tpu.memory_space<semaphore_mem>>) {add = true}
      %dma_wait3A_216 = arith.constant 0 : i32
      %dma_wait3A_217 = tpu.memref_slice %arg5[%add3A_121, %dma_wait3A_216] : memref<80x128xi32, #tpu.memory_space<vmem>> -> memref<1x128xi32, #tpu.memory_space<vmem>>
      %dma_wait3A_218 = tpu.memref_squeeze %dma_wait3A_217 : memref<1x128xi32, #tpu.memory_space<vmem>> -> memref<128xi32, #tpu.memory_space<vmem>>
      %dma_wait3A_219 = arith.constant 0 : i32
      %dma_wait3A_220 = arith.constant 0 : i32
      %dma_wait3A_221 = tpu.memref_slice %arg2[%dma_wait3A_219, %dma_wait3A_220] : memref<10240x64xf32, #tpu.memory_space<hbm>> -> memref<10240x64xf32, #tpu.memory_space<hbm>>
      tpu.wait_indirect_dma semaphore(%arg16 : memref<!tpu.dma_semaphore, #tpu.memory_space<semaphore_mem>>) src(%dma_wait3A_221 : memref<10240x64xf32, #tpu.memory_space<hbm>>) dst(%arg10 : memref<128x64xf32, #tpu.memory_space<vmem>>)
      %mul3A_222 = arith.constant 8 : i32
      %mul3A_223 = arith.muli %scan3A_85, %mul3A_222 : i32
      %add3A_224 = arith.constant 3 : i32
      %add3A_225 = arith.addi %mul3A_223, %add3A_224 : i32
      %dma_start3A_226 = arith.constant 0 : i32
      %dma_start3A_227 = tpu.memref_slice %arg6[%add3A_225, %dma_start3A_226] : memref<80x128xi32, #tpu.memory_space<vmem>> -> memref<1x128xi32, #tpu.memory_space<vmem>>
      %dma_start3A_228 = tpu.memref_squeeze %dma_start3A_227 : memref<1x128xi32, #tpu.memory_space<vmem>> -> memref<128xi32, #tpu.memory_space<vmem>>
      %dma_start3A_229 = arith.constant 0 : i32
      %dma_start3A_230 = arith.constant 0 : i32
      %dma_start3A_231 = tpu.memref_slice %arg15[%dma_start3A_229, %dma_start3A_230] : memref<10240x64xf32, #tpu.memory_space<vmem_shared>> -> memref<10240x64xf32, #tpu.memory_space<vmem_shared>>
      tpu.enqueue_indirect_dma source(%arg10 : memref<128x64xf32, #tpu.memory_space<vmem>>) target(%dma_start3A_231 : memref<10240x64xf32, #tpu.memory_space<vmem_shared>>) offsets(%dma_start3A_228 : memref<128xi32, #tpu.memory_space<vmem>>) semaphore(%arg17 : memref<!tpu.dma_semaphore, #tpu.memory_space<semaphore_mem>>) {add = true}
      %dma_wait3A_232 = arith.constant 0 : i32
      %dma_wait3A_233 = tpu.memref_slice %arg5[%add3A_131, %dma_wait3A_232] : memref<80x128xi32, #tpu.memory_space<vmem>> -> memref<1x128xi32, #tpu.memory_space<vmem>>
      %dma_wait3A_234 = tpu.memref_squeeze %dma_wait3A_233 : memref<1x128xi32, #tpu.memory_space<vmem>> -> memref<128xi32, #tpu.memory_space<vmem>>
      %dma_wait3A_235 = arith.constant 0 : i32
      %dma_wait3A_236 = arith.constant 0 : i32
      %dma_wait3A_237 = tpu.memref_slice %arg2[%dma_wait3A_235, %dma_wait3A_236] : memref<10240x64xf32, #tpu.memory_space<hbm>> -> memref<10240x64xf32, #tpu.memory_space<hbm>>
      tpu.wait_indirect_dma semaphore(%arg16 : memref<!tpu.dma_semaphore, #tpu.memory_space<semaphore_mem>>) src(%dma_wait3A_237 : memref<10240x64xf32, #tpu.memory_space<hbm>>) dst(%arg11 : memref<128x64xf32, #tpu.memory_space<vmem>>)
      %mul3A_238 = arith.constant 8 : i32
      %mul3A_239 = arith.muli %scan3A_85, %mul3A_238 : i32
      %add3A_240 = arith.constant 4 : i32
      %add3A_241 = arith.addi %mul3A_239, %add3A_240 : i32
      %dma_start3A_242 = arith.constant 0 : i32
      %dma_start3A_243 = tpu.memref_slice %arg6[%add3A_241, %dma_start3A_242] : memref<80x128xi32, #tpu.memory_space<vmem>> -> memref<1x128xi32, #tpu.memory_space<vmem>>
      %dma_start3A_244 = tpu.memref_squeeze %dma_start3A_243 : memref<1x128xi32, #tpu.memory_space<vmem>> -> memref<128xi32, #tpu.memory_space<vmem>>
      %dma_start3A_245 = arith.constant 0 : i32
      %dma_start3A_246 = arith.constant 0 : i32
      %dma_start3A_247 = tpu.memref_slice %arg15[%dma_start3A_245, %dma_start3A_246] : memref<10240x64xf32, #tpu.memory_space<vmem_shared>> -> memref<10240x64xf32, #tpu.memory_space<vmem_shared>>
      tpu.enqueue_indirect_dma source(%arg11 : memref<128x64xf32, #tpu.memory_space<vmem>>) target(%dma_start3A_247 : memref<10240x64xf32, #tpu.memory_space<vmem_shared>>) offsets(%dma_start3A_244 : memref<128xi32, #tpu.memory_space<vmem>>) semaphore(%arg17 : memref<!tpu.dma_semaphore, #tpu.memory_space<semaphore_mem>>) {add = true}
      %dma_wait3A_248 = arith.constant 0 : i32
      %dma_wait3A_249 = tpu.memref_slice %arg5[%add3A_141, %dma_wait3A_248] : memref<80x128xi32, #tpu.memory_space<vmem>> -> memref<1x128xi32, #tpu.memory_space<vmem>>
      %dma_wait3A_250 = tpu.memref_squeeze %dma_wait3A_249 : memref<1x128xi32, #tpu.memory_space<vmem>> -> memref<128xi32, #tpu.memory_space<vmem>>
      %dma_wait3A_251 = arith.constant 0 : i32
      %dma_wait3A_252 = arith.constant 0 : i32
      %dma_wait3A_253 = tpu.memref_slice %arg2[%dma_wait3A_251, %dma_wait3A_252] : memref<10240x64xf32, #tpu.memory_space<hbm>> -> memref<10240x64xf32, #tpu.memory_space<hbm>>
      tpu.wait_indirect_dma semaphore(%arg16 : memref<!tpu.dma_semaphore, #tpu.memory_space<semaphore_mem>>) src(%dma_wait3A_253 : memref<10240x64xf32, #tpu.memory_space<hbm>>) dst(%arg12 : memref<128x64xf32, #tpu.memory_space<vmem>>)
      %mul3A_254 = arith.constant 8 : i32
      %mul3A_255 = arith.muli %scan3A_85, %mul3A_254 : i32
      %add3A_256 = arith.constant 5 : i32
      %add3A_257 = arith.addi %mul3A_255, %add3A_256 : i32
      %dma_start3A_258 = arith.constant 0 : i32
      %dma_start3A_259 = tpu.memref_slice %arg6[%add3A_257, %dma_start3A_258] : memref<80x128xi32, #tpu.memory_space<vmem>> -> memref<1x128xi32, #tpu.memory_space<vmem>>
      %dma_start3A_260 = tpu.memref_squeeze %dma_start3A_259 : memref<1x128xi32, #tpu.memory_space<vmem>> -> memref<128xi32, #tpu.memory_space<vmem>>
      %dma_start3A_261 = arith.constant 0 : i32
      %dma_start3A_262 = arith.constant 0 : i32
      %dma_start3A_263 = tpu.memref_slice %arg15[%dma_start3A_261, %dma_start3A_262] : memref<10240x64xf32, #tpu.memory_space<vmem_shared>> -> memref<10240x64xf32, #tpu.memory_space<vmem_shared>>
      tpu.enqueue_indirect_dma source(%arg12 : memref<128x64xf32, #tpu.memory_space<vmem>>) target(%dma_start3A_263 : memref<10240x64xf32, #tpu.memory_space<vmem_shared>>) offsets(%dma_start3A_260 : memref<128xi32, #tpu.memory_space<vmem>>) semaphore(%arg17 : memref<!tpu.dma_semaphore, #tpu.memory_space<semaphore_mem>>) {add = true}
      %dma_wait3A_264 = arith.constant 0 : i32
      %dma_wait3A_265 = tpu.memref_slice %arg5[%add3A_151, %dma_wait3A_264] : memref<80x128xi32, #tpu.memory_space<vmem>> -> memref<1x128xi32, #tpu.memory_space<vmem>>
      %dma_wait3A_266 = tpu.memref_squeeze %dma_wait3A_265 : memref<1x128xi32, #tpu.memory_space<vmem>> -> memref<128xi32, #tpu.memory_space<vmem>>
      %dma_wait3A_267 = arith.constant 0 : i32
      %dma_wait3A_268 = arith.constant 0 : i32
      %dma_wait3A_269 = tpu.memref_slice %arg2[%dma_wait3A_267, %dma_wait3A_268] : memref<10240x64xf32, #tpu.memory_space<hbm>> -> memref<10240x64xf32, #tpu.memory_space<hbm>>
      tpu.wait_indirect_dma semaphore(%arg16 : memref<!tpu.dma_semaphore, #tpu.memory_space<semaphore_mem>>) src(%dma_wait3A_269 : memref<10240x64xf32, #tpu.memory_space<hbm>>) dst(%arg13 : memref<128x64xf32, #tpu.memory_space<vmem>>)
      %mul3A_270 = arith.constant 8 : i32
      %mul3A_271 = arith.muli %scan3A_85, %mul3A_270 : i32
      %add3A_272 = arith.constant 6 : i32
      %add3A_273 = arith.addi %mul3A_271, %add3A_272 : i32
      %dma_start3A_274 = arith.constant 0 : i32
      %dma_start3A_275 = tpu.memref_slice %arg6[%add3A_273, %dma_start3A_274] : memref<80x128xi32, #tpu.memory_space<vmem>> -> memref<1x128xi32, #tpu.memory_space<vmem>>
      %dma_start3A_276 = tpu.memref_squeeze %dma_start3A_275 : memref<1x128xi32, #tpu.memory_space<vmem>> -> memref<128xi32, #tpu.memory_space<vmem>>
      %dma_start3A_277 = arith.constant 0 : i32
      %dma_start3A_278 = arith.constant 0 : i32
      %dma_start3A_279 = tpu.memref_slice %arg15[%dma_start3A_277, %dma_start3A_278] : memref<10240x64xf32, #tpu.memory_space<vmem_shared>> -> memref<10240x64xf32, #tpu.memory_space<vmem_shared>>
      tpu.enqueue_indirect_dma source(%arg13 : memref<128x64xf32, #tpu.memory_space<vmem>>) target(%dma_start3A_279 : memref<10240x64xf32, #tpu.memory_space<vmem_shared>>) offsets(%dma_start3A_276 : memref<128xi32, #tpu.memory_space<vmem>>) semaphore(%arg17 : memref<!tpu.dma_semaphore, #tpu.memory_space<semaphore_mem>>) {add = true}
      %dma_wait3A_280 = arith.constant 0 : i32
      %dma_wait3A_281 = tpu.memref_slice %arg5[%add3A_161, %dma_wait3A_280] : memref<80x128xi32, #tpu.memory_space<vmem>> -> memref<1x128xi32, #tpu.memory_space<vmem>>
      %dma_wait3A_282 = tpu.memref_squeeze %dma_wait3A_281 : memref<1x128xi32, #tpu.memory_space<vmem>> -> memref<128xi32, #tpu.memory_space<vmem>>
      %dma_wait3A_283 = arith.constant 0 : i32
      %dma_wait3A_284 = arith.constant 0 : i32
      %dma_wait3A_285 = tpu.memref_slice %arg2[%dma_wait3A_283, %dma_wait3A_284] : memref<10240x64xf32, #tpu.memory_space<hbm>> -> memref<10240x64xf32, #tpu.memory_space<hbm>>
      tpu.wait_indirect_dma semaphore(%arg16 : memref<!tpu.dma_semaphore, #tpu.memory_space<semaphore_mem>>) src(%dma_wait3A_285 : memref<10240x64xf32, #tpu.memory_space<hbm>>) dst(%arg14 : memref<128x64xf32, #tpu.memory_space<vmem>>)
      %mul3A_286 = arith.constant 8 : i32
      %mul3A_287 = arith.muli %scan3A_85, %mul3A_286 : i32
      %add3A_288 = arith.constant 7 : i32
      %add3A_289 = arith.addi %mul3A_287, %add3A_288 : i32
      %dma_start3A_290 = arith.constant 0 : i32
      %dma_start3A_291 = tpu.memref_slice %arg6[%add3A_289, %dma_start3A_290] : memref<80x128xi32, #tpu.memory_space<vmem>> -> memref<1x128xi32, #tpu.memory_space<vmem>>
      %dma_start3A_292 = tpu.memref_squeeze %dma_start3A_291 : memref<1x128xi32, #tpu.memory_space<vmem>> -> memref<128xi32, #tpu.memory_space<vmem>>
      %dma_start3A_293 = arith.constant 0 : i32
      %dma_start3A_294 = arith.constant 0 : i32
      %dma_start3A_295 = tpu.memref_slice %arg15[%dma_start3A_293, %dma_start3A_294] : memref<10240x64xf32, #tpu.memory_space<vmem_shared>> -> memref<10240x64xf32, #tpu.memory_space<vmem_shared>>
      tpu.enqueue_indirect_dma source(%arg14 : memref<128x64xf32, #tpu.memory_space<vmem>>) target(%dma_start3A_295 : memref<10240x64xf32, #tpu.memory_space<vmem_shared>>) offsets(%dma_start3A_292 : memref<128xi32, #tpu.memory_space<vmem>>) semaphore(%arg17 : memref<!tpu.dma_semaphore, #tpu.memory_space<semaphore_mem>>) {add = true}
      %scan3A_296 = arith.constant 0 : i32
      scf.yield %scan3A_296 : i32
    }
    %scan3A_21 = arith.constant 10 : i32
    %dma_wait3A = arith.constant 0 : i32
    %dma_wait3A_22 = arith.constant 0 : i32
    %dma_wait3A_23 = tpu.memref_slice %arg5[%dma_wait3A, %dma_wait3A_22] : memref<80x128xi32, #tpu.memory_space<vmem>> -> memref<1x128xi32, #tpu.memory_space<vmem>>
    %dma_wait3A_24 = tpu.memref_squeeze %dma_wait3A_23 : memref<1x128xi32, #tpu.memory_space<vmem>> -> memref<128xi32, #tpu.memory_space<vmem>>
    %dma_wait3A_25 = arith.constant 0 : i32
    %dma_wait3A_26 = arith.constant 0 : i32
    %dma_wait3A_27 = tpu.memref_slice %arg2[%dma_wait3A_25, %dma_wait3A_26] : memref<10240x64xf32, #tpu.memory_space<hbm>> -> memref<10240x64xf32, #tpu.memory_space<hbm>>
    tpu.wait_indirect_dma semaphore(%arg17 : memref<!tpu.dma_semaphore, #tpu.memory_space<semaphore_mem>>) src(%dma_wait3A_27 : memref<10240x64xf32, #tpu.memory_space<hbm>>) dst(%arg7 : memref<128x64xf32, #tpu.memory_space<vmem>>)
    %dma_wait3A_28 = arith.constant 0 : i32
    %dma_wait3A_29 = arith.constant 0 : i32
    %dma_wait3A_30 = tpu.memref_slice %arg5[%dma_wait3A_28, %dma_wait3A_29] : memref<80x128xi32, #tpu.memory_space<vmem>> -> memref<1x128xi32, #tpu.memory_space<vmem>>
    %dma_wait3A_31 = tpu.memref_squeeze %dma_wait3A_30 : memref<1x128xi32, #tpu.memory_space<vmem>> -> memref<128xi32, #tpu.memory_space<vmem>>
    %dma_wait3A_32 = arith.constant 0 : i32
    %dma_wait3A_33 = arith.constant 0 : i32
    %dma_wait3A_34 = tpu.memref_slice %arg2[%dma_wait3A_32, %dma_wait3A_33] : memref<10240x64xf32, #tpu.memory_space<hbm>> -> memref<10240x64xf32, #tpu.memory_space<hbm>>
    tpu.wait_indirect_dma semaphore(%arg17 : memref<!tpu.dma_semaphore, #tpu.memory_space<semaphore_mem>>) src(%dma_wait3A_34 : memref<10240x64xf32, #tpu.memory_space<hbm>>) dst(%arg8 : memref<128x64xf32, #tpu.memory_space<vmem>>)
    %dma_wait3A_35 = arith.constant 0 : i32
    %dma_wait3A_36 = arith.constant 0 : i32
    %dma_wait3A_37 = tpu.memref_slice %arg5[%dma_wait3A_35, %dma_wait3A_36] : memref<80x128xi32, #tpu.memory_space<vmem>> -> memref<1x128xi32, #tpu.memory_space<vmem>>
    %dma_wait3A_38 = tpu.memref_squeeze %dma_wait3A_37 : memref<1x128xi32, #tpu.memory_space<vmem>> -> memref<128xi32, #tpu.memory_space<vmem>>
    %dma_wait3A_39 = arith.constant 0 : i32
    %dma_wait3A_40 = arith.constant 0 : i32
    %dma_wait3A_41 = tpu.memref_slice %arg2[%dma_wait3A_39, %dma_wait3A_40] : memref<10240x64xf32, #tpu.memory_space<hbm>> -> memref<10240x64xf32, #tpu.memory_space<hbm>>
    tpu.wait_indirect_dma semaphore(%arg17 : memref<!tpu.dma_semaphore, #tpu.memory_space<semaphore_mem>>) src(%dma_wait3A_41 : memref<10240x64xf32, #tpu.memory_space<hbm>>) dst(%arg9 : memref<128x64xf32, #tpu.memory_space<vmem>>)
    %dma_wait3A_42 = arith.constant 0 : i32
    %dma_wait3A_43 = arith.constant 0 : i32
    %dma_wait3A_44 = tpu.memref_slice %arg5[%dma_wait3A_42, %dma_wait3A_43] : memref<80x128xi32, #tpu.memory_space<vmem>> -> memref<1x128xi32, #tpu.memory_space<vmem>>
    %dma_wait3A_45 = tpu.memref_squeeze %dma_wait3A_44 : memref<1x128xi32, #tpu.memory_space<vmem>> -> memref<128xi32, #tpu.memory_space<vmem>>
    %dma_wait3A_46 = arith.constant 0 : i32
    %dma_wait3A_47 = arith.constant 0 : i32
    %dma_wait3A_48 = tpu.memref_slice %arg2[%dma_wait3A_46, %dma_wait3A_47] : memref<10240x64xf32, #tpu.memory_space<hbm>> -> memref<10240x64xf32, #tpu.memory_space<hbm>>
    tpu.wait_indirect_dma semaphore(%arg17 : memref<!tpu.dma_semaphore, #tpu.memory_space<semaphore_mem>>) src(%dma_wait3A_48 : memref<10240x64xf32, #tpu.memory_space<hbm>>) dst(%arg10 : memref<128x64xf32, #tpu.memory_space<vmem>>)
    %dma_wait3A_49 = arith.constant 0 : i32
    %dma_wait3A_50 = arith.constant 0 : i32
    %dma_wait3A_51 = tpu.memref_slice %arg5[%dma_wait3A_49, %dma_wait3A_50] : memref<80x128xi32, #tpu.memory_space<vmem>> -> memref<1x128xi32, #tpu.memory_space<vmem>>
    %dma_wait3A_52 = tpu.memref_squeeze %dma_wait3A_51 : memref<1x128xi32, #tpu.memory_space<vmem>> -> memref<128xi32, #tpu.memory_space<vmem>>
    %dma_wait3A_53 = arith.constant 0 : i32
    %dma_wait3A_54 = arith.constant 0 : i32
    %dma_wait3A_55 = tpu.memref_slice %arg2[%dma_wait3A_53, %dma_wait3A_54] : memref<10240x64xf32, #tpu.memory_space<hbm>> -> memref<10240x64xf32, #tpu.memory_space<hbm>>
    tpu.wait_indirect_dma semaphore(%arg17 : memref<!tpu.dma_semaphore, #tpu.memory_space<semaphore_mem>>) src(%dma_wait3A_55 : memref<10240x64xf32, #tpu.memory_space<hbm>>) dst(%arg11 : memref<128x64xf32, #tpu.memory_space<vmem>>)
    %dma_wait3A_56 = arith.constant 0 : i32
    %dma_wait3A_57 = arith.constant 0 : i32
    %dma_wait3A_58 = tpu.memref_slice %arg5[%dma_wait3A_56, %dma_wait3A_57] : memref<80x128xi32, #tpu.memory_space<vmem>> -> memref<1x128xi32, #tpu.memory_space<vmem>>
    %dma_wait3A_59 = tpu.memref_squeeze %dma_wait3A_58 : memref<1x128xi32, #tpu.memory_space<vmem>> -> memref<128xi32, #tpu.memory_space<vmem>>
    %dma_wait3A_60 = arith.constant 0 : i32
    %dma_wait3A_61 = arith.constant 0 : i32
    %dma_wait3A_62 = tpu.memref_slice %arg2[%dma_wait3A_60, %dma_wait3A_61] : memref<10240x64xf32, #tpu.memory_space<hbm>> -> memref<10240x64xf32, #tpu.memory_space<hbm>>
    tpu.wait_indirect_dma semaphore(%arg17 : memref<!tpu.dma_semaphore, #tpu.memory_space<semaphore_mem>>) src(%dma_wait3A_62 : memref<10240x64xf32, #tpu.memory_space<hbm>>) dst(%arg12 : memref<128x64xf32, #tpu.memory_space<vmem>>)
    %dma_wait3A_63 = arith.constant 0 : i32
    %dma_wait3A_64 = arith.constant 0 : i32
    %dma_wait3A_65 = tpu.memref_slice %arg5[%dma_wait3A_63, %dma_wait3A_64] : memref<80x128xi32, #tpu.memory_space<vmem>> -> memref<1x128xi32, #tpu.memory_space<vmem>>
    %dma_wait3A_66 = tpu.memref_squeeze %dma_wait3A_65 : memref<1x128xi32, #tpu.memory_space<vmem>> -> memref<128xi32, #tpu.memory_space<vmem>>
    %dma_wait3A_67 = arith.constant 0 : i32
    %dma_wait3A_68 = arith.constant 0 : i32
    %dma_wait3A_69 = tpu.memref_slice %arg2[%dma_wait3A_67, %dma_wait3A_68] : memref<10240x64xf32, #tpu.memory_space<hbm>> -> memref<10240x64xf32, #tpu.memory_space<hbm>>
    tpu.wait_indirect_dma semaphore(%arg17 : memref<!tpu.dma_semaphore, #tpu.memory_space<semaphore_mem>>) src(%dma_wait3A_69 : memref<10240x64xf32, #tpu.memory_space<hbm>>) dst(%arg13 : memref<128x64xf32, #tpu.memory_space<vmem>>)
    %dma_wait3A_70 = arith.constant 0 : i32
    %dma_wait3A_71 = arith.constant 0 : i32
    %dma_wait3A_72 = tpu.memref_slice %arg5[%dma_wait3A_70, %dma_wait3A_71] : memref<80x128xi32, #tpu.memory_space<vmem>> -> memref<1x128xi32, #tpu.memory_space<vmem>>
    %dma_wait3A_73 = tpu.memref_squeeze %dma_wait3A_72 : memref<1x128xi32, #tpu.memory_space<vmem>> -> memref<128xi32, #tpu.memory_space<vmem>>
    %dma_wait3A_74 = arith.constant 0 : i32
    %dma_wait3A_75 = arith.constant 0 : i32
    %dma_wait3A_76 = tpu.memref_slice %arg2[%dma_wait3A_74, %dma_wait3A_75] : memref<10240x64xf32, #tpu.memory_space<hbm>> -> memref<10240x64xf32, #tpu.memory_space<hbm>>
    tpu.wait_indirect_dma semaphore(%arg17 : memref<!tpu.dma_semaphore, #tpu.memory_space<semaphore_mem>>) src(%dma_wait3A_76 : memref<10240x64xf32, #tpu.memory_space<hbm>>) dst(%arg14 : memref<128x64xf32, #tpu.memory_space<vmem>>)
    %barrier3A_77 = arith.constant 0 : index
    tpu.barrier barrier_id(%barrier3A_77)
    %mul3A_78 = arith.constant 640 : i32
    %mul3A_79 = arith.muli %arg1, %mul3A_78 : i32
    %mul3A_80 = arith.constant 10240 : i32
    %mul3A_81 = arith.muli %arg0, %mul3A_80 : i32
    %mul3A_82 = arith.constant 640 : i32
    %mul3A_83 = arith.muli %arg1, %mul3A_82 : i32
    %add3A_84 = arith.addi %mul3A_81, %mul3A_83 : i32
    "tpu.region"() ({
      %run_scoped3A_85 = tpu.sem_alloc : memref<!tpu.dma_semaphore, #tpu.memory_space<semaphore_mem>>
      %dma_start3A = arith.constant 0 : i32
      %dma_start3A_86 = tpu.memref_slice %arg4[%add3A_84, %dma_start3A] : memref<20480x64xf32, #tpu.memory_space<hbm>> -> memref<640x64xf32, #tpu.memory_space<hbm>>
      %dma_start3A_87 = arith.constant 0 : i32
      %dma_start3A_88 = tpu.memref_slice %arg15[%mul3A_79, %dma_start3A_87] : memref<10240x64xf32, #tpu.memory_space<vmem_shared>> -> memref<640x64xf32, #tpu.memory_space<vmem_shared>>
      tpu.enqueue_dma source(%dma_start3A_88 : memref<640x64xf32, #tpu.memory_space<vmem_shared>>) target(%dma_start3A_86 : memref<640x64xf32, #tpu.memory_space<hbm>>) target_semaphore(%run_scoped3A_85 : memref<!tpu.dma_semaphore, #tpu.memory_space<semaphore_mem>>)
      %dma_wait3A_89 = arith.constant 0 : i32
      %dma_wait3A_90 = tpu.memref_slice %arg4[%add3A_84, %dma_wait3A_89] : memref<20480x64xf32, #tpu.memory_space<hbm>> -> memref<640x64xf32, #tpu.memory_space<hbm>>
      %dma_wait3A_91 = arith.constant 0 : i32
      %dma_wait3A_92 = tpu.memref_slice %arg15[%mul3A_79, %dma_wait3A_91] : memref<10240x64xf32, #tpu.memory_space<vmem_shared>> -> memref<640x64xf32, #tpu.memory_space<vmem_shared>>
      tpu.wait_dma2 semaphore(%run_scoped3A_85 : memref<!tpu.dma_semaphore, #tpu.memory_space<semaphore_mem>>) src(%dma_wait3A_92 : memref<640x64xf32, #tpu.memory_space<vmem_shared>>) dst(%dma_wait3A_90 : memref<640x64xf32, #tpu.memory_space<hbm>>)
      tpu.yield
    }) : () -> ()
    return
  }
}

#map = affine_map<(d0, d1) -> (0, 0, 0, 0)>
#map1 = affine_map<(d0, d1) -> (0, 0)>
module attributes {stable_mosaic.version = 14 : i64} {
  func.func @_deg_kernel(%arg0: i32, %arg1: i32, %arg2: memref<2x32x80x128xi32, #tpu.memory_space<hbm>>, %arg3: memref<10240x128xf32, #tpu.memory_space<hbm>>, %arg4: memref<80x128xi32, #tpu.memory_space<vmem>>, %arg5: memref<640xf32, #tpu.memory_space<vmem>>, %arg6: memref<128xf32, #tpu.memory_space<vmem>>, %arg7: memref<320x128xf32, #tpu.memory_space<vmem>>, %arg8: memref<10240xf32, #tpu.memory_space<vmem_shared>>, %arg9: memref<!tpu.dma_semaphore, #tpu.memory_space<semaphore_mem>>) attributes {dimension_semantics = [#tpu.dimension_semantics<core_parallel>, #tpu.dimension_semantics<subcore_parallel>], iteration_bounds = array<i64: 2, 16>, scalar_prefetch = 0 : i64, scratch_operands = 6 : i64, tpu.core_type = #tpu.core_type<sc_vector_subcore>, window_params = [{transform_indices = #map}, {transform_indices = #map1}]} {
    %mul3A = arith.constant 16 : i32
    %mul3A_0 = arith.muli %arg0, %mul3A : i32
    %add3A = arith.addi %mul3A_0, %arg1 : i32
    %scan3A = arith.constant 0 : i32
    %scan3A_1 = arith.constant 0 : i32
    %scan3A_2 = arith.constant 40 : i32
    %scan3A_3 = arith.addi %scan3A_1, %scan3A_2 : i32
    %scan3A_4 = arith.constant 1 : i32
    %scan3A_5 = scf.for %scan3A_45 = %scan3A_1 to %scan3A_3 step %scan3A_4 iter_args(%scan3A_46 = %scan3A) -> (i32)  : i32 {
      %broadcast_in_dim3A = arith.constant 0.000000e+00 : f32
      %broadcast_in_dim3A_47 = vector.broadcast %broadcast_in_dim3A : f32 to vector<16xf32>
      %mul3A_48 = arith.constant 16 : i32
      %mul3A_49 = arith.muli %scan3A_45, %mul3A_48 : i32
      %swap3A = arith.index_cast %mul3A_49 : i32 to index
      %swap3A_50 = tpu.vector_load %arg5[%swap3A] {strides = array<i32>} : memref<640xf32, #tpu.memory_space<vmem>>, vector<16xf32>,
      %swap3A_51 = vector.shape_cast %swap3A_50 : vector<16xf32> to vector<16xf32>
      %swap3A_52 = vector.shape_cast %broadcast_in_dim3A_47 : vector<16xf32> to vector<16xf32>
      tpu.vector_store %arg5[%swap3A], %swap3A_52 {strides = array<i32>} : memref<640xf32, #tpu.memory_space<vmem>>, vector<16xf32>,
      %scan3A_53 = arith.constant 0 : i32
      scf.yield %scan3A_53 : i32
    }
    %scan3A_6 = arith.constant 40 : i32
    %scan3A_7 = arith.constant 0 : i32
    %scan3A_8 = arith.constant 0 : i32
    %scan3A_9 = arith.constant 8 : i32
    %scan3A_10 = arith.addi %scan3A_8, %scan3A_9 : i32
    %scan3A_11 = arith.constant 1 : i32
    %scan3A_12 = scf.for %scan3A_45 = %scan3A_8 to %scan3A_10 step %scan3A_11 iter_args(%scan3A_46 = %scan3A_7) -> (i32)  : i32 {
      %broadcast_in_dim3A = arith.constant 1.000000e+00 : f32
      %broadcast_in_dim3A_47 = vector.broadcast %broadcast_in_dim3A : f32 to vector<16xf32>
      %mul3A_48 = arith.constant 16 : i32
      %mul3A_49 = arith.muli %scan3A_45, %mul3A_48 : i32
      %swap3A = arith.index_cast %mul3A_49 : i32 to index
      %swap3A_50 = tpu.vector_load %arg6[%swap3A] {strides = array<i32>} : memref<128xf32, #tpu.memory_space<vmem>>, vector<16xf32>,
      %swap3A_51 = vector.shape_cast %swap3A_50 : vector<16xf32> to vector<16xf32>
      %swap3A_52 = vector.shape_cast %broadcast_in_dim3A_47 : vector<16xf32> to vector<16xf32>
      tpu.vector_store %arg6[%swap3A], %swap3A_52 {strides = array<i32>} : memref<128xf32, #tpu.memory_space<vmem>>, vector<16xf32>,
      %scan3A_53 = arith.constant 0 : i32
      scf.yield %scan3A_53 : i32
    }
    %scan3A_13 = arith.constant 8 : i32
    %mul3A_14 = arith.constant 640 : i32
    %mul3A_15 = arith.muli %arg1, %mul3A_14 : i32
    "tpu.region"() ({
      %run_scoped3A_45 = tpu.sem_alloc : memref<!tpu.dma_semaphore, #tpu.memory_space<semaphore_mem>>
      %dma_start3A = tpu.memref_slice %arg8[%mul3A_15] : memref<10240xf32, #tpu.memory_space<vmem_shared>> -> memref<640xf32, #tpu.memory_space<vmem_shared>>
      %dma_start3A_46 = tpu.memref_slice %arg8[%mul3A_15] : memref<10240xf32, #tpu.memory_space<vmem_shared>> -> memref<640xf32, #tpu.memory_space<vmem_shared>>
      tpu.enqueue_dma source(%arg5 : memref<640xf32, #tpu.memory_space<vmem>>) target(%dma_start3A_46 : memref<640xf32, #tpu.memory_space<vmem_shared>>) target_semaphore(%run_scoped3A_45 : memref<!tpu.dma_semaphore, #tpu.memory_space<semaphore_mem>>)
      %dma_wait3A = tpu.memref_slice %arg8[%mul3A_15] : memref<10240xf32, #tpu.memory_space<vmem_shared>> -> memref<640xf32, #tpu.memory_space<vmem_shared>>
      %dma_wait3A_47 = tpu.memref_slice %arg8[%mul3A_15] : memref<10240xf32, #tpu.memory_space<vmem_shared>> -> memref<640xf32, #tpu.memory_space<vmem_shared>>
      tpu.wait_dma2 semaphore(%run_scoped3A_45 : memref<!tpu.dma_semaphore, #tpu.memory_space<semaphore_mem>>) src(%arg5 : memref<640xf32, #tpu.memory_space<vmem>>) dst(%dma_wait3A_47 : memref<640xf32, #tpu.memory_space<vmem_shared>>)
      tpu.yield
    }) : () -> ()
    %run_scoped3A = arith.constant 1 : i32
    "tpu.region"() ({
      %run_scoped3A_45 = tpu.sem_alloc : memref<!tpu.dma_semaphore, #tpu.memory_space<semaphore_mem>>
      %dma_start3A = arith.constant 0 : i32
      %dma_start3A_46 = arith.constant 0 : i32
      %dma_start3A_47 = tpu.memref_slice %arg2[%run_scoped3A, %add3A, %dma_start3A, %dma_start3A_46] : memref<2x32x80x128xi32, #tpu.memory_space<hbm>> -> memref<1x1x80x128xi32, #tpu.memory_space<hbm>>
      %dma_start3A_48 = tpu.memref_squeeze %dma_start3A_47 : memref<1x1x80x128xi32, #tpu.memory_space<hbm>> -> memref<80x128xi32, #tpu.memory_space<hbm>>
      %dma_start3A_49 = arith.constant 0 : i32
      %dma_start3A_50 = arith.constant 0 : i32
      %dma_start3A_51 = tpu.memref_slice %arg2[%run_scoped3A, %add3A, %dma_start3A_49, %dma_start3A_50] : memref<2x32x80x128xi32, #tpu.memory_space<hbm>> -> memref<1x1x80x128xi32, #tpu.memory_space<hbm>>
      %dma_start3A_52 = tpu.memref_squeeze %dma_start3A_51 : memref<1x1x80x128xi32, #tpu.memory_space<hbm>> -> memref<80x128xi32, #tpu.memory_space<hbm>>
      tpu.enqueue_dma source(%dma_start3A_52 : memref<80x128xi32, #tpu.memory_space<hbm>>) target(%arg4 : memref<80x128xi32, #tpu.memory_space<vmem>>) target_semaphore(%run_scoped3A_45 : memref<!tpu.dma_semaphore, #tpu.memory_space<semaphore_mem>>)
      %dma_wait3A = arith.constant 0 : i32
      %dma_wait3A_53 = arith.constant 0 : i32
      %dma_wait3A_54 = tpu.memref_slice %arg2[%run_scoped3A, %add3A, %dma_wait3A, %dma_wait3A_53] : memref<2x32x80x128xi32, #tpu.memory_space<hbm>> -> memref<1x1x80x128xi32, #tpu.memory_space<hbm>>
      %dma_wait3A_55 = tpu.memref_squeeze %dma_wait3A_54 : memref<1x1x80x128xi32, #tpu.memory_space<hbm>> -> memref<80x128xi32, #tpu.memory_space<hbm>>
      %dma_wait3A_56 = arith.constant 0 : i32
      %dma_wait3A_57 = arith.constant 0 : i32
      %dma_wait3A_58 = tpu.memref_slice %arg2[%run_scoped3A, %add3A, %dma_wait3A_56, %dma_wait3A_57] : memref<2x32x80x128xi32, #tpu.memory_space<hbm>> -> memref<1x1x80x128xi32, #tpu.memory_space<hbm>>
      %dma_wait3A_59 = tpu.memref_squeeze %dma_wait3A_58 : memref<1x1x80x128xi32, #tpu.memory_space<hbm>> -> memref<80x128xi32, #tpu.memory_space<hbm>>
      tpu.wait_dma2 semaphore(%run_scoped3A_45 : memref<!tpu.dma_semaphore, #tpu.memory_space<semaphore_mem>>) src(%dma_wait3A_59 : memref<80x128xi32, #tpu.memory_space<hbm>>) dst(%arg4 : memref<80x128xi32, #tpu.memory_space<vmem>>)
      tpu.yield
    }) : () -> ()
    %barrier3A = arith.constant 0 : index
    tpu.barrier barrier_id(%barrier3A)
    %scan3A_16 = arith.constant 0 : i32
    %scan3A_17 = arith.constant 0 : i32
    %scan3A_18 = arith.constant 80 : i32
    %scan3A_19 = arith.addi %scan3A_17, %scan3A_18 : i32
    %scan3A_20 = arith.constant 1 : i32
    %scan3A_21 = scf.for %scan3A_45 = %scan3A_17 to %scan3A_19 step %scan3A_20 iter_args(%scan3A_46 = %scan3A_16) -> (i32)  : i32 {
      %dma_start3A = arith.constant 0 : i32
      %dma_start3A_47 = tpu.memref_slice %arg4[%scan3A_45, %dma_start3A] : memref<80x128xi32, #tpu.memory_space<vmem>> -> memref<1x128xi32, #tpu.memory_space<vmem>>
      %dma_start3A_48 = tpu.memref_squeeze %dma_start3A_47 : memref<1x128xi32, #tpu.memory_space<vmem>> -> memref<128xi32, #tpu.memory_space<vmem>>
      %dma_start3A_49 = arith.constant 0 : i32
      %dma_start3A_50 = tpu.memref_slice %arg8[%dma_start3A_49] : memref<10240xf32, #tpu.memory_space<vmem_shared>> -> memref<10240xf32, #tpu.memory_space<vmem_shared>>
      tpu.enqueue_indirect_dma source(%arg6 : memref<128xf32, #tpu.memory_space<vmem>>) target(%dma_start3A_50 : memref<10240xf32, #tpu.memory_space<vmem_shared>>) offsets(%dma_start3A_48 : memref<128xi32, #tpu.memory_space<vmem>>) semaphore(%arg9 : memref<!tpu.dma_semaphore, #tpu.memory_space<semaphore_mem>>) {add = true}
      %scan3A_51 = arith.constant 0 : i32
      scf.yield %scan3A_51 : i32
    }
    %scan3A_22 = arith.constant 80 : i32
    %scan3A_23 = arith.constant 0 : i32
    %scan3A_24 = arith.constant 0 : i32
    %scan3A_25 = arith.constant 80 : i32
    %scan3A_26 = arith.addi %scan3A_24, %scan3A_25 : i32
    %scan3A_27 = arith.constant 1 : i32
    %scan3A_28 = scf.for %scan3A_45 = %scan3A_24 to %scan3A_26 step %scan3A_27 iter_args(%scan3A_46 = %scan3A_23) -> (i32)  : i32 {
      %dma_wait3A = arith.constant 1 : i32
      %dma_wait3A_47 = arith.constant 0 : i32
      %dma_wait3A_48 = arith.constant 0 : i32
      %dma_wait3A_49 = tpu.memref_slice %arg4[%dma_wait3A_47, %dma_wait3A_48] : memref<80x128xi32, #tpu.memory_space<vmem>> -> memref<1x128xi32, #tpu.memory_space<vmem>>
      %dma_wait3A_50 = tpu.memref_squeeze %dma_wait3A_49 : memref<1x128xi32, #tpu.memory_space<vmem>> -> memref<128xi32, #tpu.memory_space<vmem>>
      %dma_wait3A_51 = arith.constant 0 : i32
      %dma_wait3A_52 = tpu.memref_slice %arg2[%dma_wait3A, %add3A, %scan3A_45, %dma_wait3A_51] : memref<2x32x80x128xi32, #tpu.memory_space<hbm>> -> memref<1x1x1x128xi32, #tpu.memory_space<hbm>>
      %dma_wait3A_53 = tpu.memref_squeeze %dma_wait3A_52 : memref<1x1x1x128xi32, #tpu.memory_space<hbm>> -> memref<128xi32, #tpu.memory_space<hbm>>
      %dma_wait3A_54 = arith.constant 0 : i32
      %dma_wait3A_55 = tpu.memref_slice %arg4[%dma_wait3A_47, %dma_wait3A_54] : memref<80x128xi32, #tpu.memory_space<vmem>> -> memref<1x128xi32, #tpu.memory_space<vmem>>
      %dma_wait3A_56 = tpu.memref_squeeze %dma_wait3A_55 : memref<1x128xi32, #tpu.memory_space<vmem>> -> memref<128xi32, #tpu.memory_space<vmem>>
      %dma_wait3A_57 = arith.constant 0 : i32
      %dma_wait3A_58 = tpu.memref_slice %arg2[%dma_wait3A, %add3A, %scan3A_45, %dma_wait3A_57] : memref<2x32x80x128xi32, #tpu.memory_space<hbm>> -> memref<1x1x1x128xi32, #tpu.memory_space<hbm>>
      %dma_wait3A_59 = tpu.memref_squeeze %dma_wait3A_58 : memref<1x1x1x128xi32, #tpu.memory_space<hbm>> -> memref<128xi32, #tpu.memory_space<hbm>>
      tpu.wait_dma2 semaphore(%arg9 : memref<!tpu.dma_semaphore, #tpu.memory_space<semaphore_mem>>) src(%dma_wait3A_59 : memref<128xi32, #tpu.memory_space<hbm>>) dst(%dma_wait3A_56 : memref<128xi32, #tpu.memory_space<vmem>>)
      %scan3A_60 = arith.constant 0 : i32
      scf.yield %scan3A_60 : i32
    }
    %scan3A_29 = arith.constant 80 : i32
    %barrier3A_30 = arith.constant 0 : index
    tpu.barrier barrier_id(%barrier3A_30)
    %mul3A_31 = arith.constant 640 : i32
    %mul3A_32 = arith.muli %arg1, %mul3A_31 : i32
    "tpu.region"() ({
      %run_scoped3A_45 = tpu.sem_alloc : memref<!tpu.dma_semaphore, #tpu.memory_space<semaphore_mem>>
      %dma_start3A = tpu.memref_slice %arg8[%mul3A_32] : memref<10240xf32, #tpu.memory_space<vmem_shared>> -> memref<640xf32, #tpu.memory_space<vmem_shared>>
      %dma_start3A_46 = tpu.memref_slice %arg8[%mul3A_32] : memref<10240xf32, #tpu.memory_space<vmem_shared>> -> memref<640xf32, #tpu.memory_space<vmem_shared>>
      tpu.enqueue_dma source(%dma_start3A_46 : memref<640xf32, #tpu.memory_space<vmem_shared>>) target(%arg5 : memref<640xf32, #tpu.memory_space<vmem>>) target_semaphore(%run_scoped3A_45 : memref<!tpu.dma_semaphore, #tpu.memory_space<semaphore_mem>>)
      %dma_wait3A = tpu.memref_slice %arg8[%mul3A_32] : memref<10240xf32, #tpu.memory_space<vmem_shared>> -> memref<640xf32, #tpu.memory_space<vmem_shared>>
      %dma_wait3A_47 = tpu.memref_slice %arg8[%mul3A_32] : memref<10240xf32, #tpu.memory_space<vmem_shared>> -> memref<640xf32, #tpu.memory_space<vmem_shared>>
      tpu.wait_dma2 semaphore(%run_scoped3A_45 : memref<!tpu.dma_semaphore, #tpu.memory_space<semaphore_mem>>) src(%dma_wait3A_47 : memref<640xf32, #tpu.memory_space<vmem_shared>>) dst(%arg5 : memref<640xf32, #tpu.memory_space<vmem>>)
      tpu.yield
    }) : () -> ()
    %scan3A_33 = arith.constant 0 : i32
    %scan3A_34 = arith.constant 0 : i32
    %scan3A_35 = arith.constant 40 : i32
    %scan3A_36 = arith.addi %scan3A_34, %scan3A_35 : i32
    %scan3A_37 = arith.constant 1 : i32
    %scan3A_38 = scf.for %scan3A_45 = %scan3A_34 to %scan3A_36 step %scan3A_37 iter_args(%scan3A_46 = %scan3A_33) -> (i32)  : i32 {
      %mul3A_47 = arith.constant 16 : i32
      %mul3A_48 = arith.muli %scan3A_45, %mul3A_47 : i32
      %get3A = arith.index_cast %mul3A_48 : i32 to index
      %get3A_49 = tpu.vector_load %arg5[%get3A] {strides = array<i32>} : memref<640xf32, #tpu.memory_space<vmem>>, vector<16xf32>,
      %get3A_50 = vector.shape_cast %get3A_49 : vector<16xf32> to vector<16xf32>
      %mul3A_51 = arith.constant 8 : i32
      %mul3A_52 = arith.muli %mul3A_51, %scan3A_45 : i32
      %add3A_53 = arith.constant 0 : i32
      %add3A_54 = arith.addi %mul3A_52, %add3A_53 : i32
      %broadcast_in_dim3A = arith.constant 1.000000e+00 : f32
      %broadcast_in_dim3A_55 = vector.broadcast %broadcast_in_dim3A : f32 to vector<16xf32>
      %slice3A = vector.extract_strided_slice %get3A_50 {offsets = [0], sizes = [1], strides = [1]} : vector<16xf32> to vector<1xf32>
      %squeeze3A = vector.extract %slice3A[0] : f32 from vector<1xf32>
      %mul3A_56 = vector.broadcast %squeeze3A : f32 to vector<16xf32>
      %mul3A_57 = arith.mulf %broadcast_in_dim3A_55, %mul3A_56 : vector<16xf32>
      %swap3A = arith.index_cast %add3A_54 : i32 to index
      %swap3A_58 = arith.constant 0 : index
      %swap3A_59 = tpu.vector_load %arg7[%swap3A, %swap3A_58] {strides = array<i32>} : memref<320x128xf32, #tpu.memory_space<vmem>>, vector<1x16xf32>,
      %swap3A_60 = vector.shape_cast %swap3A_59 : vector<1x16xf32> to vector<16xf32>
      %swap3A_61 = vector.shape_cast %mul3A_57 : vector<16xf32> to vector<1x16xf32>
      tpu.vector_store %arg7[%swap3A, %swap3A_58], %swap3A_61 {strides = array<i32>} : memref<320x128xf32, #tpu.memory_space<vmem>>, vector<1x16xf32>,
      %swap3A_62 = arith.index_cast %add3A_54 : i32 to index
      %swap3A_63 = arith.constant 16 : index
      %swap3A_64 = tpu.vector_load %arg7[%swap3A_62, %swap3A_63] {strides = array<i32>} : memref<320x128xf32, #tpu.memory_space<vmem>>, vector<1x16xf32>,
      %swap3A_65 = vector.shape_cast %swap3A_64 : vector<1x16xf32> to vector<16xf32>
      %swap3A_66 = vector.shape_cast %mul3A_57 : vector<16xf32> to vector<1x16xf32>
      tpu.vector_store %arg7[%swap3A_62, %swap3A_63], %swap3A_66 {strides = array<i32>} : memref<320x128xf32, #tpu.memory_space<vmem>>, vector<1x16xf32>,
      %swap3A_67 = arith.index_cast %add3A_54 : i32 to index
      %swap3A_68 = arith.constant 32 : index
      %swap3A_69 = tpu.vector_load %arg7[%swap3A_67, %swap3A_68] {strides = array<i32>} : memref<320x128xf32, #tpu.memory_space<vmem>>, vector<1x16xf32>,
      %swap3A_70 = vector.shape_cast %swap3A_69 : vector<1x16xf32> to vector<16xf32>
      %swap3A_71 = vector.shape_cast %mul3A_57 : vector<16xf32> to vector<1x16xf32>
      tpu.vector_store %arg7[%swap3A_67, %swap3A_68], %swap3A_71 {strides = array<i32>} : memref<320x128xf32, #tpu.memory_space<vmem>>, vector<1x16xf32>,
      %swap3A_72 = arith.index_cast %add3A_54 : i32 to index
      %swap3A_73 = arith.constant 48 : index
      %swap3A_74 = tpu.vector_load %arg7[%swap3A_72, %swap3A_73] {strides = array<i32>} : memref<320x128xf32, #tpu.memory_space<vmem>>, vector<1x16xf32>,
      %swap3A_75 = vector.shape_cast %swap3A_74 : vector<1x16xf32> to vector<16xf32>
      %swap3A_76 = vector.shape_cast %mul3A_57 : vector<16xf32> to vector<1x16xf32>
      tpu.vector_store %arg7[%swap3A_72, %swap3A_73], %swap3A_76 {strides = array<i32>} : memref<320x128xf32, #tpu.memory_space<vmem>>, vector<1x16xf32>,
      %mul3A_77 = arith.constant 8 : i32
      %mul3A_78 = arith.muli %mul3A_77, %scan3A_45 : i32
      %add3A_79 = arith.constant 0 : i32
      %add3A_80 = arith.addi %mul3A_78, %add3A_79 : i32
      %broadcast_in_dim3A_81 = arith.constant 1.000000e+00 : f32
      %broadcast_in_dim3A_82 = vector.broadcast %broadcast_in_dim3A_81 : f32 to vector<16xf32>
      %slice3A_83 = vector.extract_strided_slice %get3A_50 {offsets = [1], sizes = [1], strides = [1]} : vector<16xf32> to vector<1xf32>
      %squeeze3A_84 = vector.extract %slice3A_83[0] : f32 from vector<1xf32>
      %mul3A_85 = vector.broadcast %squeeze3A_84 : f32 to vector<16xf32>
      %mul3A_86 = arith.mulf %broadcast_in_dim3A_82, %mul3A_85 : vector<16xf32>
      %swap3A_87 = arith.index_cast %add3A_80 : i32 to index
      %swap3A_88 = arith.constant 64 : index
      %swap3A_89 = tpu.vector_load %arg7[%swap3A_87, %swap3A_88] {strides = array<i32>} : memref<320x128xf32, #tpu.memory_space<vmem>>, vector<1x16xf32>,
      %swap3A_90 = vector.shape_cast %swap3A_89 : vector<1x16xf32> to vector<16xf32>
      %swap3A_91 = vector.shape_cast %mul3A_86 : vector<16xf32> to vector<1x16xf32>
      tpu.vector_store %arg7[%swap3A_87, %swap3A_88], %swap3A_91 {strides = array<i32>} : memref<320x128xf32, #tpu.memory_space<vmem>>, vector<1x16xf32>,
      %swap3A_92 = arith.index_cast %add3A_80 : i32 to index
      %swap3A_93 = arith.constant 80 : index
      %swap3A_94 = tpu.vector_load %arg7[%swap3A_92, %swap3A_93] {strides = array<i32>} : memref<320x128xf32, #tpu.memory_space<vmem>>, vector<1x16xf32>,
      %swap3A_95 = vector.shape_cast %swap3A_94 : vector<1x16xf32> to vector<16xf32>
      %swap3A_96 = vector.shape_cast %mul3A_86 : vector<16xf32> to vector<1x16xf32>
      tpu.vector_store %arg7[%swap3A_92, %swap3A_93], %swap3A_96 {strides = array<i32>} : memref<320x128xf32, #tpu.memory_space<vmem>>, vector<1x16xf32>,
      %swap3A_97 = arith.index_cast %add3A_80 : i32 to index
      %swap3A_98 = arith.constant 96 : index
      %swap3A_99 = tpu.vector_load %arg7[%swap3A_97, %swap3A_98] {strides = array<i32>} : memref<320x128xf32, #tpu.memory_space<vmem>>, vector<1x16xf32>,
      %swap3A_100 = vector.shape_cast %swap3A_99 : vector<1x16xf32> to vector<16xf32>
      %swap3A_101 = vector.shape_cast %mul3A_86 : vector<16xf32> to vector<1x16xf32>
      tpu.vector_store %arg7[%swap3A_97, %swap3A_98], %swap3A_101 {strides = array<i32>} : memref<320x128xf32, #tpu.memory_space<vmem>>, vector<1x16xf32>,
      %swap3A_102 = arith.index_cast %add3A_80 : i32 to index
      %swap3A_103 = arith.constant 112 : index
      %swap3A_104 = tpu.vector_load %arg7[%swap3A_102, %swap3A_103] {strides = array<i32>} : memref<320x128xf32, #tpu.memory_space<vmem>>, vector<1x16xf32>,
      %swap3A_105 = vector.shape_cast %swap3A_104 : vector<1x16xf32> to vector<16xf32>
      %swap3A_106 = vector.shape_cast %mul3A_86 : vector<16xf32> to vector<1x16xf32>
      tpu.vector_store %arg7[%swap3A_102, %swap3A_103], %swap3A_106 {strides = array<i32>} : memref<320x128xf32, #tpu.memory_space<vmem>>, vector<1x16xf32>,
      %mul3A_107 = arith.constant 8 : i32
      %mul3A_108 = arith.muli %mul3A_107, %scan3A_45 : i32
      %add3A_109 = arith.constant 1 : i32
      %add3A_110 = arith.addi %mul3A_108, %add3A_109 : i32
      %broadcast_in_dim3A_111 = arith.constant 1.000000e+00 : f32
      %broadcast_in_dim3A_112 = vector.broadcast %broadcast_in_dim3A_111 : f32 to vector<16xf32>
      %slice3A_113 = vector.extract_strided_slice %get3A_50 {offsets = [2], sizes = [1], strides = [1]} : vector<16xf32> to vector<1xf32>
      %squeeze3A_114 = vector.extract %slice3A_113[0] : f32 from vector<1xf32>
      %mul3A_115 = vector.broadcast %squeeze3A_114 : f32 to vector<16xf32>
      %mul3A_116 = arith.mulf %broadcast_in_dim3A_112, %mul3A_115 : vector<16xf32>
      %swap3A_117 = arith.index_cast %add3A_110 : i32 to index
      %swap3A_118 = arith.constant 0 : index
      %swap3A_119 = tpu.vector_load %arg7[%swap3A_117, %swap3A_118] {strides = array<i32>} : memref<320x128xf32, #tpu.memory_space<vmem>>, vector<1x16xf32>,
      %swap3A_120 = vector.shape_cast %swap3A_119 : vector<1x16xf32> to vector<16xf32>
      %swap3A_121 = vector.shape_cast %mul3A_116 : vector<16xf32> to vector<1x16xf32>
      tpu.vector_store %arg7[%swap3A_117, %swap3A_118], %swap3A_121 {strides = array<i32>} : memref<320x128xf32, #tpu.memory_space<vmem>>, vector<1x16xf32>,
      %swap3A_122 = arith.index_cast %add3A_110 : i32 to index
      %swap3A_123 = arith.constant 16 : index
      %swap3A_124 = tpu.vector_load %arg7[%swap3A_122, %swap3A_123] {strides = array<i32>} : memref<320x128xf32, #tpu.memory_space<vmem>>, vector<1x16xf32>,
      %swap3A_125 = vector.shape_cast %swap3A_124 : vector<1x16xf32> to vector<16xf32>
      %swap3A_126 = vector.shape_cast %mul3A_116 : vector<16xf32> to vector<1x16xf32>
      tpu.vector_store %arg7[%swap3A_122, %swap3A_123], %swap3A_126 {strides = array<i32>} : memref<320x128xf32, #tpu.memory_space<vmem>>, vector<1x16xf32>,
      %swap3A_127 = arith.index_cast %add3A_110 : i32 to index
      %swap3A_128 = arith.constant 32 : index
      %swap3A_129 = tpu.vector_load %arg7[%swap3A_127, %swap3A_128] {strides = array<i32>} : memref<320x128xf32, #tpu.memory_space<vmem>>, vector<1x16xf32>,
      %swap3A_130 = vector.shape_cast %swap3A_129 : vector<1x16xf32> to vector<16xf32>
      %swap3A_131 = vector.shape_cast %mul3A_116 : vector<16xf32> to vector<1x16xf32>
      tpu.vector_store %arg7[%swap3A_127, %swap3A_128], %swap3A_131 {strides = array<i32>} : memref<320x128xf32, #tpu.memory_space<vmem>>, vector<1x16xf32>,
      %swap3A_132 = arith.index_cast %add3A_110 : i32 to index
      %swap3A_133 = arith.constant 48 : index
      %swap3A_134 = tpu.vector_load %arg7[%swap3A_132, %swap3A_133] {strides = array<i32>} : memref<320x128xf32, #tpu.memory_space<vmem>>, vector<1x16xf32>,
      %swap3A_135 = vector.shape_cast %swap3A_134 : vector<1x16xf32> to vector<16xf32>
      %swap3A_136 = vector.shape_cast %mul3A_116 : vector<16xf32> to vector<1x16xf32>
      tpu.vector_store %arg7[%swap3A_132, %swap3A_133], %swap3A_136 {strides = array<i32>} : memref<320x128xf32, #tpu.memory_space<vmem>>, vector<1x16xf32>,
      %mul3A_137 = arith.constant 8 : i32
      %mul3A_138 = arith.muli %mul3A_137, %scan3A_45 : i32
      %add3A_139 = arith.constant 1 : i32
      %add3A_140 = arith.addi %mul3A_138, %add3A_139 : i32
      %broadcast_in_dim3A_141 = arith.constant 1.000000e+00 : f32
      %broadcast_in_dim3A_142 = vector.broadcast %broadcast_in_dim3A_141 : f32 to vector<16xf32>
      %slice3A_143 = vector.extract_strided_slice %get3A_50 {offsets = [3], sizes = [1], strides = [1]} : vector<16xf32> to vector<1xf32>
      %squeeze3A_144 = vector.extract %slice3A_143[0] : f32 from vector<1xf32>
      %mul3A_145 = vector.broadcast %squeeze3A_144 : f32 to vector<16xf32>
      %mul3A_146 = arith.mulf %broadcast_in_dim3A_142, %mul3A_145 : vector<16xf32>
      %swap3A_147 = arith.index_cast %add3A_140 : i32 to index
      %swap3A_148 = arith.constant 64 : index
      %swap3A_149 = tpu.vector_load %arg7[%swap3A_147, %swap3A_148] {strides = array<i32>} : memref<320x128xf32, #tpu.memory_space<vmem>>, vector<1x16xf32>,
      %swap3A_150 = vector.shape_cast %swap3A_149 : vector<1x16xf32> to vector<16xf32>
      %swap3A_151 = vector.shape_cast %mul3A_146 : vector<16xf32> to vector<1x16xf32>
      tpu.vector_store %arg7[%swap3A_147, %swap3A_148], %swap3A_151 {strides = array<i32>} : memref<320x128xf32, #tpu.memory_space<vmem>>, vector<1x16xf32>,
      %swap3A_152 = arith.index_cast %add3A_140 : i32 to index
      %swap3A_153 = arith.constant 80 : index
      %swap3A_154 = tpu.vector_load %arg7[%swap3A_152, %swap3A_153] {strides = array<i32>} : memref<320x128xf32, #tpu.memory_space<vmem>>, vector<1x16xf32>,
      %swap3A_155 = vector.shape_cast %swap3A_154 : vector<1x16xf32> to vector<16xf32>
      %swap3A_156 = vector.shape_cast %mul3A_146 : vector<16xf32> to vector<1x16xf32>
      tpu.vector_store %arg7[%swap3A_152, %swap3A_153], %swap3A_156 {strides = array<i32>} : memref<320x128xf32, #tpu.memory_space<vmem>>, vector<1x16xf32>,
      %swap3A_157 = arith.index_cast %add3A_140 : i32 to index
      %swap3A_158 = arith.constant 96 : index
      %swap3A_159 = tpu.vector_load %arg7[%swap3A_157, %swap3A_158] {strides = array<i32>} : memref<320x128xf32, #tpu.memory_space<vmem>>, vector<1x16xf32>,
      %swap3A_160 = vector.shape_cast %swap3A_159 : vector<1x16xf32> to vector<16xf32>
      %swap3A_161 = vector.shape_cast %mul3A_146 : vector<16xf32> to vector<1x16xf32>
      tpu.vector_store %arg7[%swap3A_157, %swap3A_158], %swap3A_161 {strides = array<i32>} : memref<320x128xf32, #tpu.memory_space<vmem>>, vector<1x16xf32>,
      %swap3A_162 = arith.index_cast %add3A_140 : i32 to index
      %swap3A_163 = arith.constant 112 : index
      %swap3A_164 = tpu.vector_load %arg7[%swap3A_162, %swap3A_163] {strides = array<i32>} : memref<320x128xf32, #tpu.memory_space<vmem>>, vector<1x16xf32>,
      %swap3A_165 = vector.shape_cast %swap3A_164 : vector<1x16xf32> to vector<16xf32>
      %swap3A_166 = vector.shape_cast %mul3A_146 : vector<16xf32> to vector<1x16xf32>
      tpu.vector_store %arg7[%swap3A_162, %swap3A_163], %swap3A_166 {strides = array<i32>} : memref<320x128xf32, #tpu.memory_space<vmem>>, vector<1x16xf32>,
      %mul3A_167 = arith.constant 8 : i32
      %mul3A_168 = arith.muli %mul3A_167, %scan3A_45 : i32
      %add3A_169 = arith.constant 2 : i32
      %add3A_170 = arith.addi %mul3A_168, %add3A_169 : i32
      %broadcast_in_dim3A_171 = arith.constant 1.000000e+00 : f32
      %broadcast_in_dim3A_172 = vector.broadcast %broadcast_in_dim3A_171 : f32 to vector<16xf32>
      %slice3A_173 = vector.extract_strided_slice %get3A_50 {offsets = [4], sizes = [1], strides = [1]} : vector<16xf32> to vector<1xf32>
      %squeeze3A_174 = vector.extract %slice3A_173[0] : f32 from vector<1xf32>
      %mul3A_175 = vector.broadcast %squeeze3A_174 : f32 to vector<16xf32>
      %mul3A_176 = arith.mulf %broadcast_in_dim3A_172, %mul3A_175 : vector<16xf32>
      %swap3A_177 = arith.index_cast %add3A_170 : i32 to index
      %swap3A_178 = arith.constant 0 : index
      %swap3A_179 = tpu.vector_load %arg7[%swap3A_177, %swap3A_178] {strides = array<i32>} : memref<320x128xf32, #tpu.memory_space<vmem>>, vector<1x16xf32>,
      %swap3A_180 = vector.shape_cast %swap3A_179 : vector<1x16xf32> to vector<16xf32>
      %swap3A_181 = vector.shape_cast %mul3A_176 : vector<16xf32> to vector<1x16xf32>
      tpu.vector_store %arg7[%swap3A_177, %swap3A_178], %swap3A_181 {strides = array<i32>} : memref<320x128xf32, #tpu.memory_space<vmem>>, vector<1x16xf32>,
      %swap3A_182 = arith.index_cast %add3A_170 : i32 to index
      %swap3A_183 = arith.constant 16 : index
      %swap3A_184 = tpu.vector_load %arg7[%swap3A_182, %swap3A_183] {strides = array<i32>} : memref<320x128xf32, #tpu.memory_space<vmem>>, vector<1x16xf32>,
      %swap3A_185 = vector.shape_cast %swap3A_184 : vector<1x16xf32> to vector<16xf32>
      %swap3A_186 = vector.shape_cast %mul3A_176 : vector<16xf32> to vector<1x16xf32>
      tpu.vector_store %arg7[%swap3A_182, %swap3A_183], %swap3A_186 {strides = array<i32>} : memref<320x128xf32, #tpu.memory_space<vmem>>, vector<1x16xf32>,
      %swap3A_187 = arith.index_cast %add3A_170 : i32 to index
      %swap3A_188 = arith.constant 32 : index
      %swap3A_189 = tpu.vector_load %arg7[%swap3A_187, %swap3A_188] {strides = array<i32>} : memref<320x128xf32, #tpu.memory_space<vmem>>, vector<1x16xf32>,
      %swap3A_190 = vector.shape_cast %swap3A_189 : vector<1x16xf32> to vector<16xf32>
      %swap3A_191 = vector.shape_cast %mul3A_176 : vector<16xf32> to vector<1x16xf32>
      tpu.vector_store %arg7[%swap3A_187, %swap3A_188], %swap3A_191 {strides = array<i32>} : memref<320x128xf32, #tpu.memory_space<vmem>>, vector<1x16xf32>,
      %swap3A_192 = arith.index_cast %add3A_170 : i32 to index
      %swap3A_193 = arith.constant 48 : index
      %swap3A_194 = tpu.vector_load %arg7[%swap3A_192, %swap3A_193] {strides = array<i32>} : memref<320x128xf32, #tpu.memory_space<vmem>>, vector<1x16xf32>,
      %swap3A_195 = vector.shape_cast %swap3A_194 : vector<1x16xf32> to vector<16xf32>
      %swap3A_196 = vector.shape_cast %mul3A_176 : vector<16xf32> to vector<1x16xf32>
      tpu.vector_store %arg7[%swap3A_192, %swap3A_193], %swap3A_196 {strides = array<i32>} : memref<320x128xf32, #tpu.memory_space<vmem>>, vector<1x16xf32>,
      %mul3A_197 = arith.constant 8 : i32
      %mul3A_198 = arith.muli %mul3A_197, %scan3A_45 : i32
      %add3A_199 = arith.constant 2 : i32
      %add3A_200 = arith.addi %mul3A_198, %add3A_199 : i32
      %broadcast_in_dim3A_201 = arith.constant 1.000000e+00 : f32
      %broadcast_in_dim3A_202 = vector.broadcast %broadcast_in_dim3A_201 : f32 to vector<16xf32>
      %slice3A_203 = vector.extract_strided_slice %get3A_50 {offsets = [5], sizes = [1], strides = [1]} : vector<16xf32> to vector<1xf32>
      %squeeze3A_204 = vector.extract %slice3A_203[0] : f32 from vector<1xf32>
      %mul3A_205 = vector.broadcast %squeeze3A_204 : f32 to vector<16xf32>
      %mul3A_206 = arith.mulf %broadcast_in_dim3A_202, %mul3A_205 : vector<16xf32>
      %swap3A_207 = arith.index_cast %add3A_200 : i32 to index
      %swap3A_208 = arith.constant 64 : index
      %swap3A_209 = tpu.vector_load %arg7[%swap3A_207, %swap3A_208] {strides = array<i32>} : memref<320x128xf32, #tpu.memory_space<vmem>>, vector<1x16xf32>,
      %swap3A_210 = vector.shape_cast %swap3A_209 : vector<1x16xf32> to vector<16xf32>
      %swap3A_211 = vector.shape_cast %mul3A_206 : vector<16xf32> to vector<1x16xf32>
      tpu.vector_store %arg7[%swap3A_207, %swap3A_208], %swap3A_211 {strides = array<i32>} : memref<320x128xf32, #tpu.memory_space<vmem>>, vector<1x16xf32>,
      %swap3A_212 = arith.index_cast %add3A_200 : i32 to index
      %swap3A_213 = arith.constant 80 : index
      %swap3A_214 = tpu.vector_load %arg7[%swap3A_212, %swap3A_213] {strides = array<i32>} : memref<320x128xf32, #tpu.memory_space<vmem>>, vector<1x16xf32>,
      %swap3A_215 = vector.shape_cast %swap3A_214 : vector<1x16xf32> to vector<16xf32>
      %swap3A_216 = vector.shape_cast %mul3A_206 : vector<16xf32> to vector<1x16xf32>
      tpu.vector_store %arg7[%swap3A_212, %swap3A_213], %swap3A_216 {strides = array<i32>} : memref<320x128xf32, #tpu.memory_space<vmem>>, vector<1x16xf32>,
      %swap3A_217 = arith.index_cast %add3A_200 : i32 to index
      %swap3A_218 = arith.constant 96 : index
      %swap3A_219 = tpu.vector_load %arg7[%swap3A_217, %swap3A_218] {strides = array<i32>} : memref<320x128xf32, #tpu.memory_space<vmem>>, vector<1x16xf32>,
      %swap3A_220 = vector.shape_cast %swap3A_219 : vector<1x16xf32> to vector<16xf32>
      %swap3A_221 = vector.shape_cast %mul3A_206 : vector<16xf32> to vector<1x16xf32>
      tpu.vector_store %arg7[%swap3A_217, %swap3A_218], %swap3A_221 {strides = array<i32>} : memref<320x128xf32, #tpu.memory_space<vmem>>, vector<1x16xf32>,
      %swap3A_222 = arith.index_cast %add3A_200 : i32 to index
      %swap3A_223 = arith.constant 112 : index
      %swap3A_224 = tpu.vector_load %arg7[%swap3A_222, %swap3A_223] {strides = array<i32>} : memref<320x128xf32, #tpu.memory_space<vmem>>, vector<1x16xf32>,
      %swap3A_225 = vector.shape_cast %swap3A_224 : vector<1x16xf32> to vector<16xf32>
      %swap3A_226 = vector.shape_cast %mul3A_206 : vector<16xf32> to vector<1x16xf32>
      tpu.vector_store %arg7[%swap3A_222, %swap3A_223], %swap3A_226 {strides = array<i32>} : memref<320x128xf32, #tpu.memory_space<vmem>>, vector<1x16xf32>,
      %mul3A_227 = arith.constant 8 : i32
      %mul3A_228 = arith.muli %mul3A_227, %scan3A_45 : i32
      %add3A_229 = arith.constant 3 : i32
      %add3A_230 = arith.addi %mul3A_228, %add3A_229 : i32
      %broadcast_in_dim3A_231 = arith.constant 1.000000e+00 : f32
      %broadcast_in_dim3A_232 = vector.broadcast %broadcast_in_dim3A_231 : f32 to vector<16xf32>
      %slice3A_233 = vector.extract_strided_slice %get3A_50 {offsets = [6], sizes = [1], strides = [1]} : vector<16xf32> to vector<1xf32>
      %squeeze3A_234 = vector.extract %slice3A_233[0] : f32 from vector<1xf32>
      %mul3A_235 = vector.broadcast %squeeze3A_234 : f32 to vector<16xf32>
      %mul3A_236 = arith.mulf %broadcast_in_dim3A_232, %mul3A_235 : vector<16xf32>
      %swap3A_237 = arith.index_cast %add3A_230 : i32 to index
      %swap3A_238 = arith.constant 0 : index
      %swap3A_239 = tpu.vector_load %arg7[%swap3A_237, %swap3A_238] {strides = array<i32>} : memref<320x128xf32, #tpu.memory_space<vmem>>, vector<1x16xf32>,
      %swap3A_240 = vector.shape_cast %swap3A_239 : vector<1x16xf32> to vector<16xf32>
      %swap3A_241 = vector.shape_cast %mul3A_236 : vector<16xf32> to vector<1x16xf32>
      tpu.vector_store %arg7[%swap3A_237, %swap3A_238], %swap3A_241 {strides = array<i32>} : memref<320x128xf32, #tpu.memory_space<vmem>>, vector<1x16xf32>,
      %swap3A_242 = arith.index_cast %add3A_230 : i32 to index
      %swap3A_243 = arith.constant 16 : index
      %swap3A_244 = tpu.vector_load %arg7[%swap3A_242, %swap3A_243] {strides = array<i32>} : memref<320x128xf32, #tpu.memory_space<vmem>>, vector<1x16xf32>,
      %swap3A_245 = vector.shape_cast %swap3A_244 : vector<1x16xf32> to vector<16xf32>
      %swap3A_246 = vector.shape_cast %mul3A_236 : vector<16xf32> to vector<1x16xf32>
      tpu.vector_store %arg7[%swap3A_242, %swap3A_243], %swap3A_246 {strides = array<i32>} : memref<320x128xf32, #tpu.memory_space<vmem>>, vector<1x16xf32>,
      %swap3A_247 = arith.index_cast %add3A_230 : i32 to index
      %swap3A_248 = arith.constant 32 : index
      %swap3A_249 = tpu.vector_load %arg7[%swap3A_247, %swap3A_248] {strides = array<i32>} : memref<320x128xf32, #tpu.memory_space<vmem>>, vector<1x16xf32>,
      %swap3A_250 = vector.shape_cast %swap3A_249 : vector<1x16xf32> to vector<16xf32>
      %swap3A_251 = vector.shape_cast %mul3A_236 : vector<16xf32> to vector<1x16xf32>
      tpu.vector_store %arg7[%swap3A_247, %swap3A_248], %swap3A_251 {strides = array<i32>} : memref<320x128xf32, #tpu.memory_space<vmem>>, vector<1x16xf32>,
      %swap3A_252 = arith.index_cast %add3A_230 : i32 to index
      %swap3A_253 = arith.constant 48 : index
      %swap3A_254 = tpu.vector_load %arg7[%swap3A_252, %swap3A_253] {strides = array<i32>} : memref<320x128xf32, #tpu.memory_space<vmem>>, vector<1x16xf32>,
      %swap3A_255 = vector.shape_cast %swap3A_254 : vector<1x16xf32> to vector<16xf32>
      %swap3A_256 = vector.shape_cast %mul3A_236 : vector<16xf32> to vector<1x16xf32>
      tpu.vector_store %arg7[%swap3A_252, %swap3A_253], %swap3A_256 {strides = array<i32>} : memref<320x128xf32, #tpu.memory_space<vmem>>, vector<1x16xf32>,
      %mul3A_257 = arith.constant 8 : i32
      %mul3A_258 = arith.muli %mul3A_257, %scan3A_45 : i32
      %add3A_259 = arith.constant 3 : i32
      %add3A_260 = arith.addi %mul3A_258, %add3A_259 : i32
      %broadcast_in_dim3A_261 = arith.constant 1.000000e+00 : f32
      %broadcast_in_dim3A_262 = vector.broadcast %broadcast_in_dim3A_261 : f32 to vector<16xf32>
      %slice3A_263 = vector.extract_strided_slice %get3A_50 {offsets = [7], sizes = [1], strides = [1]} : vector<16xf32> to vector<1xf32>
      %squeeze3A_264 = vector.extract %slice3A_263[0] : f32 from vector<1xf32>
      %mul3A_265 = vector.broadcast %squeeze3A_264 : f32 to vector<16xf32>
      %mul3A_266 = arith.mulf %broadcast_in_dim3A_262, %mul3A_265 : vector<16xf32>
      %swap3A_267 = arith.index_cast %add3A_260 : i32 to index
      %swap3A_268 = arith.constant 64 : index
      %swap3A_269 = tpu.vector_load %arg7[%swap3A_267, %swap3A_268] {strides = array<i32>} : memref<320x128xf32, #tpu.memory_space<vmem>>, vector<1x16xf32>,
      %swap3A_270 = vector.shape_cast %swap3A_269 : vector<1x16xf32> to vector<16xf32>
      %swap3A_271 = vector.shape_cast %mul3A_266 : vector<16xf32> to vector<1x16xf32>
      tpu.vector_store %arg7[%swap3A_267, %swap3A_268], %swap3A_271 {strides = array<i32>} : memref<320x128xf32, #tpu.memory_space<vmem>>, vector<1x16xf32>,
      %swap3A_272 = arith.index_cast %add3A_260 : i32 to index
      %swap3A_273 = arith.constant 80 : index
      %swap3A_274 = tpu.vector_load %arg7[%swap3A_272, %swap3A_273] {strides = array<i32>} : memref<320x128xf32, #tpu.memory_space<vmem>>, vector<1x16xf32>,
      %swap3A_275 = vector.shape_cast %swap3A_274 : vector<1x16xf32> to vector<16xf32>
      %swap3A_276 = vector.shape_cast %mul3A_266 : vector<16xf32> to vector<1x16xf32>
      tpu.vector_store %arg7[%swap3A_272, %swap3A_273], %swap3A_276 {strides = array<i32>} : memref<320x128xf32, #tpu.memory_space<vmem>>, vector<1x16xf32>,
      %swap3A_277 = arith.index_cast %add3A_260 : i32 to index
      %swap3A_278 = arith.constant 96 : index
      %swap3A_279 = tpu.vector_load %arg7[%swap3A_277, %swap3A_278] {strides = array<i32>} : memref<320x128xf32, #tpu.memory_space<vmem>>, vector<1x16xf32>,
      %swap3A_280 = vector.shape_cast %swap3A_279 : vector<1x16xf32> to vector<16xf32>
      %swap3A_281 = vector.shape_cast %mul3A_266 : vector<16xf32> to vector<1x16xf32>
      tpu.vector_store %arg7[%swap3A_277, %swap3A_278], %swap3A_281 {strides = array<i32>} : memref<320x128xf32, #tpu.memory_space<vmem>>, vector<1x16xf32>,
      %swap3A_282 = arith.index_cast %add3A_260 : i32 to index
      %swap3A_283 = arith.constant 112 : index
      %swap3A_284 = tpu.vector_load %arg7[%swap3A_282, %swap3A_283] {strides = array<i32>} : memref<320x128xf32, #tpu.memory_space<vmem>>, vector<1x16xf32>,
      %swap3A_285 = vector.shape_cast %swap3A_284 : vector<1x16xf32> to vector<16xf32>
      %swap3A_286 = vector.shape_cast %mul3A_266 : vector<16xf32> to vector<1x16xf32>
      tpu.vector_store %arg7[%swap3A_282, %swap3A_283], %swap3A_286 {strides = array<i32>} : memref<320x128xf32, #tpu.memory_space<vmem>>, vector<1x16xf32>,
      %mul3A_287 = arith.constant 8 : i32
      %mul3A_288 = arith.muli %mul3A_287, %scan3A_45 : i32
      %add3A_289 = arith.constant 4 : i32
      %add3A_290 = arith.addi %mul3A_288, %add3A_289 : i32
      %broadcast_in_dim3A_291 = arith.constant 1.000000e+00 : f32
      %broadcast_in_dim3A_292 = vector.broadcast %broadcast_in_dim3A_291 : f32 to vector<16xf32>
      %slice3A_293 = vector.extract_strided_slice %get3A_50 {offsets = [8], sizes = [1], strides = [1]} : vector<16xf32> to vector<1xf32>
      %squeeze3A_294 = vector.extract %slice3A_293[0] : f32 from vector<1xf32>
      %mul3A_295 = vector.broadcast %squeeze3A_294 : f32 to vector<16xf32>
      %mul3A_296 = arith.mulf %broadcast_in_dim3A_292, %mul3A_295 : vector<16xf32>
      %swap3A_297 = arith.index_cast %add3A_290 : i32 to index
      %swap3A_298 = arith.constant 0 : index
      %swap3A_299 = tpu.vector_load %arg7[%swap3A_297, %swap3A_298] {strides = array<i32>} : memref<320x128xf32, #tpu.memory_space<vmem>>, vector<1x16xf32>,
      %swap3A_300 = vector.shape_cast %swap3A_299 : vector<1x16xf32> to vector<16xf32>
      %swap3A_301 = vector.shape_cast %mul3A_296 : vector<16xf32> to vector<1x16xf32>
      tpu.vector_store %arg7[%swap3A_297, %swap3A_298], %swap3A_301 {strides = array<i32>} : memref<320x128xf32, #tpu.memory_space<vmem>>, vector<1x16xf32>,
      %swap3A_302 = arith.index_cast %add3A_290 : i32 to index
      %swap3A_303 = arith.constant 16 : index
      %swap3A_304 = tpu.vector_load %arg7[%swap3A_302, %swap3A_303] {strides = array<i32>} : memref<320x128xf32, #tpu.memory_space<vmem>>, vector<1x16xf32>,
      %swap3A_305 = vector.shape_cast %swap3A_304 : vector<1x16xf32> to vector<16xf32>
      %swap3A_306 = vector.shape_cast %mul3A_296 : vector<16xf32> to vector<1x16xf32>
      tpu.vector_store %arg7[%swap3A_302, %swap3A_303], %swap3A_306 {strides = array<i32>} : memref<320x128xf32, #tpu.memory_space<vmem>>, vector<1x16xf32>,
      %swap3A_307 = arith.index_cast %add3A_290 : i32 to index
      %swap3A_308 = arith.constant 32 : index
      %swap3A_309 = tpu.vector_load %arg7[%swap3A_307, %swap3A_308] {strides = array<i32>} : memref<320x128xf32, #tpu.memory_space<vmem>>, vector<1x16xf32>,
      %swap3A_310 = vector.shape_cast %swap3A_309 : vector<1x16xf32> to vector<16xf32>
      %swap3A_311 = vector.shape_cast %mul3A_296 : vector<16xf32> to vector<1x16xf32>
      tpu.vector_store %arg7[%swap3A_307, %swap3A_308], %swap3A_311 {strides = array<i32>} : memref<320x128xf32, #tpu.memory_space<vmem>>, vector<1x16xf32>,
      %swap3A_312 = arith.index_cast %add3A_290 : i32 to index
      %swap3A_313 = arith.constant 48 : index
      %swap3A_314 = tpu.vector_load %arg7[%swap3A_312, %swap3A_313] {strides = array<i32>} : memref<320x128xf32, #tpu.memory_space<vmem>>, vector<1x16xf32>,
      %swap3A_315 = vector.shape_cast %swap3A_314 : vector<1x16xf32> to vector<16xf32>
      %swap3A_316 = vector.shape_cast %mul3A_296 : vector<16xf32> to vector<1x16xf32>
      tpu.vector_store %arg7[%swap3A_312, %swap3A_313], %swap3A_316 {strides = array<i32>} : memref<320x128xf32, #tpu.memory_space<vmem>>, vector<1x16xf32>,
      %mul3A_317 = arith.constant 8 : i32
      %mul3A_318 = arith.muli %mul3A_317, %scan3A_45 : i32
      %add3A_319 = arith.constant 4 : i32
      %add3A_320 = arith.addi %mul3A_318, %add3A_319 : i32
      %broadcast_in_dim3A_321 = arith.constant 1.000000e+00 : f32
      %broadcast_in_dim3A_322 = vector.broadcast %broadcast_in_dim3A_321 : f32 to vector<16xf32>
      %slice3A_323 = vector.extract_strided_slice %get3A_50 {offsets = [9], sizes = [1], strides = [1]} : vector<16xf32> to vector<1xf32>
      %squeeze3A_324 = vector.extract %slice3A_323[0] : f32 from vector<1xf32>
      %mul3A_325 = vector.broadcast %squeeze3A_324 : f32 to vector<16xf32>
      %mul3A_326 = arith.mulf %broadcast_in_dim3A_322, %mul3A_325 : vector<16xf32>
      %swap3A_327 = arith.index_cast %add3A_320 : i32 to index
      %swap3A_328 = arith.constant 64 : index
      %swap3A_329 = tpu.vector_load %arg7[%swap3A_327, %swap3A_328] {strides = array<i32>} : memref<320x128xf32, #tpu.memory_space<vmem>>, vector<1x16xf32>,
      %swap3A_330 = vector.shape_cast %swap3A_329 : vector<1x16xf32> to vector<16xf32>
      %swap3A_331 = vector.shape_cast %mul3A_326 : vector<16xf32> to vector<1x16xf32>
      tpu.vector_store %arg7[%swap3A_327, %swap3A_328], %swap3A_331 {strides = array<i32>} : memref<320x128xf32, #tpu.memory_space<vmem>>, vector<1x16xf32>,
      %swap3A_332 = arith.index_cast %add3A_320 : i32 to index
      %swap3A_333 = arith.constant 80 : index
      %swap3A_334 = tpu.vector_load %arg7[%swap3A_332, %swap3A_333] {strides = array<i32>} : memref<320x128xf32, #tpu.memory_space<vmem>>, vector<1x16xf32>,
      %swap3A_335 = vector.shape_cast %swap3A_334 : vector<1x16xf32> to vector<16xf32>
      %swap3A_336 = vector.shape_cast %mul3A_326 : vector<16xf32> to vector<1x16xf32>
      tpu.vector_store %arg7[%swap3A_332, %swap3A_333], %swap3A_336 {strides = array<i32>} : memref<320x128xf32, #tpu.memory_space<vmem>>, vector<1x16xf32>,
      %swap3A_337 = arith.index_cast %add3A_320 : i32 to index
      %swap3A_338 = arith.constant 96 : index
      %swap3A_339 = tpu.vector_load %arg7[%swap3A_337, %swap3A_338] {strides = array<i32>} : memref<320x128xf32, #tpu.memory_space<vmem>>, vector<1x16xf32>,
      %swap3A_340 = vector.shape_cast %swap3A_339 : vector<1x16xf32> to vector<16xf32>
      %swap3A_341 = vector.shape_cast %mul3A_326 : vector<16xf32> to vector<1x16xf32>
      tpu.vector_store %arg7[%swap3A_337, %swap3A_338], %swap3A_341 {strides = array<i32>} : memref<320x128xf32, #tpu.memory_space<vmem>>, vector<1x16xf32>,
      %swap3A_342 = arith.index_cast %add3A_320 : i32 to index
      %swap3A_343 = arith.constant 112 : index
      %swap3A_344 = tpu.vector_load %arg7[%swap3A_342, %swap3A_343] {strides = array<i32>} : memref<320x128xf32, #tpu.memory_space<vmem>>, vector<1x16xf32>,
      %swap3A_345 = vector.shape_cast %swap3A_344 : vector<1x16xf32> to vector<16xf32>
      %swap3A_346 = vector.shape_cast %mul3A_326 : vector<16xf32> to vector<1x16xf32>
      tpu.vector_store %arg7[%swap3A_342, %swap3A_343], %swap3A_346 {strides = array<i32>} : memref<320x128xf32, #tpu.memory_space<vmem>>, vector<1x16xf32>,
      %mul3A_347 = arith.constant 8 : i32
      %mul3A_348 = arith.muli %mul3A_347, %scan3A_45 : i32
      %add3A_349 = arith.constant 5 : i32
      %add3A_350 = arith.addi %mul3A_348, %add3A_349 : i32
      %broadcast_in_dim3A_351 = arith.constant 1.000000e+00 : f32
      %broadcast_in_dim3A_352 = vector.broadcast %broadcast_in_dim3A_351 : f32 to vector<16xf32>
      %slice3A_353 = vector.extract_strided_slice %get3A_50 {offsets = [10], sizes = [1], strides = [1]} : vector<16xf32> to vector<1xf32>
      %squeeze3A_354 = vector.extract %slice3A_353[0] : f32 from vector<1xf32>
      %mul3A_355 = vector.broadcast %squeeze3A_354 : f32 to vector<16xf32>
      %mul3A_356 = arith.mulf %broadcast_in_dim3A_352, %mul3A_355 : vector<16xf32>
      %swap3A_357 = arith.index_cast %add3A_350 : i32 to index
      %swap3A_358 = arith.constant 0 : index
      %swap3A_359 = tpu.vector_load %arg7[%swap3A_357, %swap3A_358] {strides = array<i32>} : memref<320x128xf32, #tpu.memory_space<vmem>>, vector<1x16xf32>,
      %swap3A_360 = vector.shape_cast %swap3A_359 : vector<1x16xf32> to vector<16xf32>
      %swap3A_361 = vector.shape_cast %mul3A_356 : vector<16xf32> to vector<1x16xf32>
      tpu.vector_store %arg7[%swap3A_357, %swap3A_358], %swap3A_361 {strides = array<i32>} : memref<320x128xf32, #tpu.memory_space<vmem>>, vector<1x16xf32>,
      %swap3A_362 = arith.index_cast %add3A_350 : i32 to index
      %swap3A_363 = arith.constant 16 : index
      %swap3A_364 = tpu.vector_load %arg7[%swap3A_362, %swap3A_363] {strides = array<i32>} : memref<320x128xf32, #tpu.memory_space<vmem>>, vector<1x16xf32>,
      %swap3A_365 = vector.shape_cast %swap3A_364 : vector<1x16xf32> to vector<16xf32>
      %swap3A_366 = vector.shape_cast %mul3A_356 : vector<16xf32> to vector<1x16xf32>
      tpu.vector_store %arg7[%swap3A_362, %swap3A_363], %swap3A_366 {strides = array<i32>} : memref<320x128xf32, #tpu.memory_space<vmem>>, vector<1x16xf32>,
      %swap3A_367 = arith.index_cast %add3A_350 : i32 to index
      %swap3A_368 = arith.constant 32 : index
      %swap3A_369 = tpu.vector_load %arg7[%swap3A_367, %swap3A_368] {strides = array<i32>} : memref<320x128xf32, #tpu.memory_space<vmem>>, vector<1x16xf32>,
      %swap3A_370 = vector.shape_cast %swap3A_369 : vector<1x16xf32> to vector<16xf32>
      %swap3A_371 = vector.shape_cast %mul3A_356 : vector<16xf32> to vector<1x16xf32>
      tpu.vector_store %arg7[%swap3A_367, %swap3A_368], %swap3A_371 {strides = array<i32>} : memref<320x128xf32, #tpu.memory_space<vmem>>, vector<1x16xf32>,
      %swap3A_372 = arith.index_cast %add3A_350 : i32 to index
      %swap3A_373 = arith.constant 48 : index
      %swap3A_374 = tpu.vector_load %arg7[%swap3A_372, %swap3A_373] {strides = array<i32>} : memref<320x128xf32, #tpu.memory_space<vmem>>, vector<1x16xf32>,
      %swap3A_375 = vector.shape_cast %swap3A_374 : vector<1x16xf32> to vector<16xf32>
      %swap3A_376 = vector.shape_cast %mul3A_356 : vector<16xf32> to vector<1x16xf32>
      tpu.vector_store %arg7[%swap3A_372, %swap3A_373], %swap3A_376 {strides = array<i32>} : memref<320x128xf32, #tpu.memory_space<vmem>>, vector<1x16xf32>,
      %mul3A_377 = arith.constant 8 : i32
      %mul3A_378 = arith.muli %mul3A_377, %scan3A_45 : i32
      %add3A_379 = arith.constant 5 : i32
      %add3A_380 = arith.addi %mul3A_378, %add3A_379 : i32
      %broadcast_in_dim3A_381 = arith.constant 1.000000e+00 : f32
      %broadcast_in_dim3A_382 = vector.broadcast %broadcast_in_dim3A_381 : f32 to vector<16xf32>
      %slice3A_383 = vector.extract_strided_slice %get3A_50 {offsets = [11], sizes = [1], strides = [1]} : vector<16xf32> to vector<1xf32>
      %squeeze3A_384 = vector.extract %slice3A_383[0] : f32 from vector<1xf32>
      %mul3A_385 = vector.broadcast %squeeze3A_384 : f32 to vector<16xf32>
      %mul3A_386 = arith.mulf %broadcast_in_dim3A_382, %mul3A_385 : vector<16xf32>
      %swap3A_387 = arith.index_cast %add3A_380 : i32 to index
      %swap3A_388 = arith.constant 64 : index
      %swap3A_389 = tpu.vector_load %arg7[%swap3A_387, %swap3A_388] {strides = array<i32>} : memref<320x128xf32, #tpu.memory_space<vmem>>, vector<1x16xf32>,
      %swap3A_390 = vector.shape_cast %swap3A_389 : vector<1x16xf32> to vector<16xf32>
      %swap3A_391 = vector.shape_cast %mul3A_386 : vector<16xf32> to vector<1x16xf32>
      tpu.vector_store %arg7[%swap3A_387, %swap3A_388], %swap3A_391 {strides = array<i32>} : memref<320x128xf32, #tpu.memory_space<vmem>>, vector<1x16xf32>,
      %swap3A_392 = arith.index_cast %add3A_380 : i32 to index
      %swap3A_393 = arith.constant 80 : index
      %swap3A_394 = tpu.vector_load %arg7[%swap3A_392, %swap3A_393] {strides = array<i32>} : memref<320x128xf32, #tpu.memory_space<vmem>>, vector<1x16xf32>,
      %swap3A_395 = vector.shape_cast %swap3A_394 : vector<1x16xf32> to vector<16xf32>
      %swap3A_396 = vector.shape_cast %mul3A_386 : vector<16xf32> to vector<1x16xf32>
      tpu.vector_store %arg7[%swap3A_392, %swap3A_393], %swap3A_396 {strides = array<i32>} : memref<320x128xf32, #tpu.memory_space<vmem>>, vector<1x16xf32>,
      %swap3A_397 = arith.index_cast %add3A_380 : i32 to index
      %swap3A_398 = arith.constant 96 : index
      %swap3A_399 = tpu.vector_load %arg7[%swap3A_397, %swap3A_398] {strides = array<i32>} : memref<320x128xf32, #tpu.memory_space<vmem>>, vector<1x16xf32>,
      %swap3A_400 = vector.shape_cast %swap3A_399 : vector<1x16xf32> to vector<16xf32>
      %swap3A_401 = vector.shape_cast %mul3A_386 : vector<16xf32> to vector<1x16xf32>
      tpu.vector_store %arg7[%swap3A_397, %swap3A_398], %swap3A_401 {strides = array<i32>} : memref<320x128xf32, #tpu.memory_space<vmem>>, vector<1x16xf32>,
      %swap3A_402 = arith.index_cast %add3A_380 : i32 to index
      %swap3A_403 = arith.constant 112 : index
      %swap3A_404 = tpu.vector_load %arg7[%swap3A_402, %swap3A_403] {strides = array<i32>} : memref<320x128xf32, #tpu.memory_space<vmem>>, vector<1x16xf32>,
      %swap3A_405 = vector.shape_cast %swap3A_404 : vector<1x16xf32> to vector<16xf32>
      %swap3A_406 = vector.shape_cast %mul3A_386 : vector<16xf32> to vector<1x16xf32>
      tpu.vector_store %arg7[%swap3A_402, %swap3A_403], %swap3A_406 {strides = array<i32>} : memref<320x128xf32, #tpu.memory_space<vmem>>, vector<1x16xf32>,
      %mul3A_407 = arith.constant 8 : i32
      %mul3A_408 = arith.muli %mul3A_407, %scan3A_45 : i32
      %add3A_409 = arith.constant 6 : i32
      %add3A_410 = arith.addi %mul3A_408, %add3A_409 : i32
      %broadcast_in_dim3A_411 = arith.constant 1.000000e+00 : f32
      %broadcast_in_dim3A_412 = vector.broadcast %broadcast_in_dim3A_411 : f32 to vector<16xf32>
      %slice3A_413 = vector.extract_strided_slice %get3A_50 {offsets = [12], sizes = [1], strides = [1]} : vector<16xf32> to vector<1xf32>
      %squeeze3A_414 = vector.extract %slice3A_413[0] : f32 from vector<1xf32>
      %mul3A_415 = vector.broadcast %squeeze3A_414 : f32 to vector<16xf32>
      %mul3A_416 = arith.mulf %broadcast_in_dim3A_412, %mul3A_415 : vector<16xf32>
      %swap3A_417 = arith.index_cast %add3A_410 : i32 to index
      %swap3A_418 = arith.constant 0 : index
      %swap3A_419 = tpu.vector_load %arg7[%swap3A_417, %swap3A_418] {strides = array<i32>} : memref<320x128xf32, #tpu.memory_space<vmem>>, vector<1x16xf32>,
      %swap3A_420 = vector.shape_cast %swap3A_419 : vector<1x16xf32> to vector<16xf32>
      %swap3A_421 = vector.shape_cast %mul3A_416 : vector<16xf32> to vector<1x16xf32>
      tpu.vector_store %arg7[%swap3A_417, %swap3A_418], %swap3A_421 {strides = array<i32>} : memref<320x128xf32, #tpu.memory_space<vmem>>, vector<1x16xf32>,
      %swap3A_422 = arith.index_cast %add3A_410 : i32 to index
      %swap3A_423 = arith.constant 16 : index
      %swap3A_424 = tpu.vector_load %arg7[%swap3A_422, %swap3A_423] {strides = array<i32>} : memref<320x128xf32, #tpu.memory_space<vmem>>, vector<1x16xf32>,
      %swap3A_425 = vector.shape_cast %swap3A_424 : vector<1x16xf32> to vector<16xf32>
      %swap3A_426 = vector.shape_cast %mul3A_416 : vector<16xf32> to vector<1x16xf32>
      tpu.vector_store %arg7[%swap3A_422, %swap3A_423], %swap3A_426 {strides = array<i32>} : memref<320x128xf32, #tpu.memory_space<vmem>>, vector<1x16xf32>,
      %swap3A_427 = arith.index_cast %add3A_410 : i32 to index
      %swap3A_428 = arith.constant 32 : index
      %swap3A_429 = tpu.vector_load %arg7[%swap3A_427, %swap3A_428] {strides = array<i32>} : memref<320x128xf32, #tpu.memory_space<vmem>>, vector<1x16xf32>,
      %swap3A_430 = vector.shape_cast %swap3A_429 : vector<1x16xf32> to vector<16xf32>
      %swap3A_431 = vector.shape_cast %mul3A_416 : vector<16xf32> to vector<1x16xf32>
      tpu.vector_store %arg7[%swap3A_427, %swap3A_428], %swap3A_431 {strides = array<i32>} : memref<320x128xf32, #tpu.memory_space<vmem>>, vector<1x16xf32>,
      %swap3A_432 = arith.index_cast %add3A_410 : i32 to index
      %swap3A_433 = arith.constant 48 : index
      %swap3A_434 = tpu.vector_load %arg7[%swap3A_432, %swap3A_433] {strides = array<i32>} : memref<320x128xf32, #tpu.memory_space<vmem>>, vector<1x16xf32>,
      %swap3A_435 = vector.shape_cast %swap3A_434 : vector<1x16xf32> to vector<16xf32>
      %swap3A_436 = vector.shape_cast %mul3A_416 : vector<16xf32> to vector<1x16xf32>
      tpu.vector_store %arg7[%swap3A_432, %swap3A_433], %swap3A_436 {strides = array<i32>} : memref<320x128xf32, #tpu.memory_space<vmem>>, vector<1x16xf32>,
      %mul3A_437 = arith.constant 8 : i32
      %mul3A_438 = arith.muli %mul3A_437, %scan3A_45 : i32
      %add3A_439 = arith.constant 6 : i32
      %add3A_440 = arith.addi %mul3A_438, %add3A_439 : i32
      %broadcast_in_dim3A_441 = arith.constant 1.000000e+00 : f32
      %broadcast_in_dim3A_442 = vector.broadcast %broadcast_in_dim3A_441 : f32 to vector<16xf32>
      %slice3A_443 = vector.extract_strided_slice %get3A_50 {offsets = [13], sizes = [1], strides = [1]} : vector<16xf32> to vector<1xf32>
      %squeeze3A_444 = vector.extract %slice3A_443[0] : f32 from vector<1xf32>
      %mul3A_445 = vector.broadcast %squeeze3A_444 : f32 to vector<16xf32>
      %mul3A_446 = arith.mulf %broadcast_in_dim3A_442, %mul3A_445 : vector<16xf32>
      %swap3A_447 = arith.index_cast %add3A_440 : i32 to index
      %swap3A_448 = arith.constant 64 : index
      %swap3A_449 = tpu.vector_load %arg7[%swap3A_447, %swap3A_448] {strides = array<i32>} : memref<320x128xf32, #tpu.memory_space<vmem>>, vector<1x16xf32>,
      %swap3A_450 = vector.shape_cast %swap3A_449 : vector<1x16xf32> to vector<16xf32>
      %swap3A_451 = vector.shape_cast %mul3A_446 : vector<16xf32> to vector<1x16xf32>
      tpu.vector_store %arg7[%swap3A_447, %swap3A_448], %swap3A_451 {strides = array<i32>} : memref<320x128xf32, #tpu.memory_space<vmem>>, vector<1x16xf32>,
      %swap3A_452 = arith.index_cast %add3A_440 : i32 to index
      %swap3A_453 = arith.constant 80 : index
      %swap3A_454 = tpu.vector_load %arg7[%swap3A_452, %swap3A_453] {strides = array<i32>} : memref<320x128xf32, #tpu.memory_space<vmem>>, vector<1x16xf32>,
      %swap3A_455 = vector.shape_cast %swap3A_454 : vector<1x16xf32> to vector<16xf32>
      %swap3A_456 = vector.shape_cast %mul3A_446 : vector<16xf32> to vector<1x16xf32>
      tpu.vector_store %arg7[%swap3A_452, %swap3A_453], %swap3A_456 {strides = array<i32>} : memref<320x128xf32, #tpu.memory_space<vmem>>, vector<1x16xf32>,
      %swap3A_457 = arith.index_cast %add3A_440 : i32 to index
      %swap3A_458 = arith.constant 96 : index
      %swap3A_459 = tpu.vector_load %arg7[%swap3A_457, %swap3A_458] {strides = array<i32>} : memref<320x128xf32, #tpu.memory_space<vmem>>, vector<1x16xf32>,
      %swap3A_460 = vector.shape_cast %swap3A_459 : vector<1x16xf32> to vector<16xf32>
      %swap3A_461 = vector.shape_cast %mul3A_446 : vector<16xf32> to vector<1x16xf32>
      tpu.vector_store %arg7[%swap3A_457, %swap3A_458], %swap3A_461 {strides = array<i32>} : memref<320x128xf32, #tpu.memory_space<vmem>>, vector<1x16xf32>,
      %swap3A_462 = arith.index_cast %add3A_440 : i32 to index
      %swap3A_463 = arith.constant 112 : index
      %swap3A_464 = tpu.vector_load %arg7[%swap3A_462, %swap3A_463] {strides = array<i32>} : memref<320x128xf32, #tpu.memory_space<vmem>>, vector<1x16xf32>,
      %swap3A_465 = vector.shape_cast %swap3A_464 : vector<1x16xf32> to vector<16xf32>
      %swap3A_466 = vector.shape_cast %mul3A_446 : vector<16xf32> to vector<1x16xf32>
      tpu.vector_store %arg7[%swap3A_462, %swap3A_463], %swap3A_466 {strides = array<i32>} : memref<320x128xf32, #tpu.memory_space<vmem>>, vector<1x16xf32>,
      %mul3A_467 = arith.constant 8 : i32
      %mul3A_468 = arith.muli %mul3A_467, %scan3A_45 : i32
      %add3A_469 = arith.constant 7 : i32
      %add3A_470 = arith.addi %mul3A_468, %add3A_469 : i32
      %broadcast_in_dim3A_471 = arith.constant 1.000000e+00 : f32
      %broadcast_in_dim3A_472 = vector.broadcast %broadcast_in_dim3A_471 : f32 to vector<16xf32>
      %slice3A_473 = vector.extract_strided_slice %get3A_50 {offsets = [14], sizes = [1], strides = [1]} : vector<16xf32> to vector<1xf32>
      %squeeze3A_474 = vector.extract %slice3A_473[0] : f32 from vector<1xf32>
      %mul3A_475 = vector.broadcast %squeeze3A_474 : f32 to vector<16xf32>
      %mul3A_476 = arith.mulf %broadcast_in_dim3A_472, %mul3A_475 : vector<16xf32>
      %swap3A_477 = arith.index_cast %add3A_470 : i32 to index
      %swap3A_478 = arith.constant 0 : index
      %swap3A_479 = tpu.vector_load %arg7[%swap3A_477, %swap3A_478] {strides = array<i32>} : memref<320x128xf32, #tpu.memory_space<vmem>>, vector<1x16xf32>,
      %swap3A_480 = vector.shape_cast %swap3A_479 : vector<1x16xf32> to vector<16xf32>
      %swap3A_481 = vector.shape_cast %mul3A_476 : vector<16xf32> to vector<1x16xf32>
      tpu.vector_store %arg7[%swap3A_477, %swap3A_478], %swap3A_481 {strides = array<i32>} : memref<320x128xf32, #tpu.memory_space<vmem>>, vector<1x16xf32>,
      %swap3A_482 = arith.index_cast %add3A_470 : i32 to index
      %swap3A_483 = arith.constant 16 : index
      %swap3A_484 = tpu.vector_load %arg7[%swap3A_482, %swap3A_483] {strides = array<i32>} : memref<320x128xf32, #tpu.memory_space<vmem>>, vector<1x16xf32>,
      %swap3A_485 = vector.shape_cast %swap3A_484 : vector<1x16xf32> to vector<16xf32>
      %swap3A_486 = vector.shape_cast %mul3A_476 : vector<16xf32> to vector<1x16xf32>
      tpu.vector_store %arg7[%swap3A_482, %swap3A_483], %swap3A_486 {strides = array<i32>} : memref<320x128xf32, #tpu.memory_space<vmem>>, vector<1x16xf32>,
      %swap3A_487 = arith.index_cast %add3A_470 : i32 to index
      %swap3A_488 = arith.constant 32 : index
      %swap3A_489 = tpu.vector_load %arg7[%swap3A_487, %swap3A_488] {strides = array<i32>} : memref<320x128xf32, #tpu.memory_space<vmem>>, vector<1x16xf32>,
      %swap3A_490 = vector.shape_cast %swap3A_489 : vector<1x16xf32> to vector<16xf32>
      %swap3A_491 = vector.shape_cast %mul3A_476 : vector<16xf32> to vector<1x16xf32>
      tpu.vector_store %arg7[%swap3A_487, %swap3A_488], %swap3A_491 {strides = array<i32>} : memref<320x128xf32, #tpu.memory_space<vmem>>, vector<1x16xf32>,
      %swap3A_492 = arith.index_cast %add3A_470 : i32 to index
      %swap3A_493 = arith.constant 48 : index
      %swap3A_494 = tpu.vector_load %arg7[%swap3A_492, %swap3A_493] {strides = array<i32>} : memref<320x128xf32, #tpu.memory_space<vmem>>, vector<1x16xf32>,
      %swap3A_495 = vector.shape_cast %swap3A_494 : vector<1x16xf32> to vector<16xf32>
      %swap3A_496 = vector.shape_cast %mul3A_476 : vector<16xf32> to vector<1x16xf32>
      tpu.vector_store %arg7[%swap3A_492, %swap3A_493], %swap3A_496 {strides = array<i32>} : memref<320x128xf32, #tpu.memory_space<vmem>>, vector<1x16xf32>,
      %mul3A_497 = arith.constant 8 : i32
      %mul3A_498 = arith.muli %mul3A_497, %scan3A_45 : i32
      %add3A_499 = arith.constant 7 : i32
      %add3A_500 = arith.addi %mul3A_498, %add3A_499 : i32
      %broadcast_in_dim3A_501 = arith.constant 1.000000e+00 : f32
      %broadcast_in_dim3A_502 = vector.broadcast %broadcast_in_dim3A_501 : f32 to vector<16xf32>
      %slice3A_503 = vector.extract_strided_slice %get3A_50 {offsets = [15], sizes = [1], strides = [1]} : vector<16xf32> to vector<1xf32>
      %squeeze3A_504 = vector.extract %slice3A_503[0] : f32 from vector<1xf32>
      %mul3A_505 = vector.broadcast %squeeze3A_504 : f32 to vector<16xf32>
      %mul3A_506 = arith.mulf %broadcast_in_dim3A_502, %mul3A_505 : vector<16xf32>
      %swap3A_507 = arith.index_cast %add3A_500 : i32 to index
      %swap3A_508 = arith.constant 64 : index
      %swap3A_509 = tpu.vector_load %arg7[%swap3A_507, %swap3A_508] {strides = array<i32>} : memref<320x128xf32, #tpu.memory_space<vmem>>, vector<1x16xf32>,
      %swap3A_510 = vector.shape_cast %swap3A_509 : vector<1x16xf32> to vector<16xf32>
      %swap3A_511 = vector.shape_cast %mul3A_506 : vector<16xf32> to vector<1x16xf32>
      tpu.vector_store %arg7[%swap3A_507, %swap3A_508], %swap3A_511 {strides = array<i32>} : memref<320x128xf32, #tpu.memory_space<vmem>>, vector<1x16xf32>,
      %swap3A_512 = arith.index_cast %add3A_500 : i32 to index
      %swap3A_513 = arith.constant 80 : index
      %swap3A_514 = tpu.vector_load %arg7[%swap3A_512, %swap3A_513] {strides = array<i32>} : memref<320x128xf32, #tpu.memory_space<vmem>>, vector<1x16xf32>,
      %swap3A_515 = vector.shape_cast %swap3A_514 : vector<1x16xf32> to vector<16xf32>
      %swap3A_516 = vector.shape_cast %mul3A_506 : vector<16xf32> to vector<1x16xf32>
      tpu.vector_store %arg7[%swap3A_512, %swap3A_513], %swap3A_516 {strides = array<i32>} : memref<320x128xf32, #tpu.memory_space<vmem>>, vector<1x16xf32>,
      %swap3A_517 = arith.index_cast %add3A_500 : i32 to index
      %swap3A_518 = arith.constant 96 : index
      %swap3A_519 = tpu.vector_load %arg7[%swap3A_517, %swap3A_518] {strides = array<i32>} : memref<320x128xf32, #tpu.memory_space<vmem>>, vector<1x16xf32>,
      %swap3A_520 = vector.shape_cast %swap3A_519 : vector<1x16xf32> to vector<16xf32>
      %swap3A_521 = vector.shape_cast %mul3A_506 : vector<16xf32> to vector<1x16xf32>
      tpu.vector_store %arg7[%swap3A_517, %swap3A_518], %swap3A_521 {strides = array<i32>} : memref<320x128xf32, #tpu.memory_space<vmem>>, vector<1x16xf32>,
      %swap3A_522 = arith.index_cast %add3A_500 : i32 to index
      %swap3A_523 = arith.constant 112 : index
      %swap3A_524 = tpu.vector_load %arg7[%swap3A_522, %swap3A_523] {strides = array<i32>} : memref<320x128xf32, #tpu.memory_space<vmem>>, vector<1x16xf32>,
      %swap3A_525 = vector.shape_cast %swap3A_524 : vector<1x16xf32> to vector<16xf32>
      %swap3A_526 = vector.shape_cast %mul3A_506 : vector<16xf32> to vector<1x16xf32>
      tpu.vector_store %arg7[%swap3A_522, %swap3A_523], %swap3A_526 {strides = array<i32>} : memref<320x128xf32, #tpu.memory_space<vmem>>, vector<1x16xf32>,
      %scan3A_527 = arith.constant 0 : i32
      scf.yield %scan3A_527 : i32
    }
    %scan3A_39 = arith.constant 40 : i32
    %mul3A_40 = arith.constant 5120 : i32
    %mul3A_41 = arith.muli %arg0, %mul3A_40 : i32
    %mul3A_42 = arith.constant 320 : i32
    %mul3A_43 = arith.muli %arg1, %mul3A_42 : i32
    %add3A_44 = arith.addi %mul3A_41, %mul3A_43 : i32
    "tpu.region"() ({
      %run_scoped3A_45 = tpu.sem_alloc : memref<!tpu.dma_semaphore, #tpu.memory_space<semaphore_mem>>
      %dma_start3A = arith.constant 0 : i32
      %dma_start3A_46 = tpu.memref_slice %arg3[%add3A_44, %dma_start3A] : memref<10240x128xf32, #tpu.memory_space<hbm>> -> memref<320x128xf32, #tpu.memory_space<hbm>>
      %dma_start3A_47 = arith.constant 0 : i32
      %dma_start3A_48 = tpu.memref_slice %arg3[%add3A_44, %dma_start3A_47] : memref<10240x128xf32, #tpu.memory_space<hbm>> -> memref<320x128xf32, #tpu.memory_space<hbm>>
      tpu.enqueue_dma source(%arg7 : memref<320x128xf32, #tpu.memory_space<vmem>>) target(%dma_start3A_48 : memref<320x128xf32, #tpu.memory_space<hbm>>) target_semaphore(%run_scoped3A_45 : memref<!tpu.dma_semaphore, #tpu.memory_space<semaphore_mem>>)
      %dma_wait3A = arith.constant 0 : i32
      %dma_wait3A_49 = tpu.memref_slice %arg3[%add3A_44, %dma_wait3A] : memref<10240x128xf32, #tpu.memory_space<hbm>> -> memref<320x128xf32, #tpu.memory_space<hbm>>
      %dma_wait3A_50 = arith.constant 0 : i32
      %dma_wait3A_51 = tpu.memref_slice %arg3[%add3A_44, %dma_wait3A_50] : memref<10240x128xf32, #tpu.memory_space<hbm>> -> memref<320x128xf32, #tpu.memory_space<hbm>>
      tpu.wait_dma2 semaphore(%run_scoped3A_45 : memref<!tpu.dma_semaphore, #tpu.memory_space<semaphore_mem>>) src(%arg7 : memref<320x128xf32, #tpu.memory_space<vmem>>) dst(%dma_wait3A_51 : memref<320x128xf32, #tpu.memory_space<hbm>>)
      tpu.yield
    }) : () -> ()
    return
  }
}

#map = affine_map<(d0, d1) -> (0, 0)>
#map1 = affine_map<(d0, d1) -> (0, 0, 0, 0)>
module attributes {stable_mosaic.version = 14 : i64} {
  func.func @_edge_kernel(%arg0: i32, %arg1: i32, %arg2: memref<10240x64xf32, #tpu.memory_space<hbm>>, %arg3: memref<2x32x80x128xi32, #tpu.memory_space<hbm>>, %arg4: memref<20480x64xf32, #tpu.memory_space<hbm>>, %arg5: memref<80x128xi32, #tpu.memory_space<vmem>>, %arg6: memref<80x128xi32, #tpu.memory_space<vmem>>, %arg7: memref<128x64xf32, #tpu.memory_space<vmem>>, %arg8: memref<128x64xf32, #tpu.memory_space<vmem>>, %arg9: memref<128x64xf32, #tpu.memory_space<vmem>>, %arg10: memref<128x64xf32, #tpu.memory_space<vmem>>, %arg11: memref<128x64xf32, #tpu.memory_space<vmem>>, %arg12: memref<128x64xf32, #tpu.memory_space<vmem>>, %arg13: memref<128x64xf32, #tpu.memory_space<vmem>>, %arg14: memref<128x64xf32, #tpu.memory_space<vmem>>, %arg15: memref<10240x64xf32, #tpu.memory_space<vmem_shared>>, %arg16: memref<!tpu.dma_semaphore, #tpu.memory_space<semaphore_mem>>, %arg17: memref<!tpu.dma_semaphore, #tpu.memory_space<semaphore_mem>>) attributes {dimension_semantics = [#tpu.dimension_semantics<core_parallel>, #tpu.dimension_semantics<subcore_parallel>], iteration_bounds = array<i64: 2, 16>, scalar_prefetch = 0 : i64, scratch_operands = 13 : i64, tpu.core_type = #tpu.core_type<sc_vector_subcore>, window_params = [{transform_indices = #map}, {transform_indices = #map1}, {transform_indices = #map}]} {
    %mul3A = arith.constant 16 : i32
    %mul3A_0 = arith.muli %arg0, %mul3A : i32
    %add3A = arith.addi %mul3A_0, %arg1 : i32
    %scan3A = arith.constant 0 : i32
    %scan3A_1 = arith.constant 0 : i32
    %scan3A_2 = arith.constant 128 : i32
    %scan3A_3 = arith.addi %scan3A_1, %scan3A_2 : i32
    %scan3A_4 = arith.constant 1 : i32
    %scan3A_5 = scf.for %scan3A_85 = %scan3A_1 to %scan3A_3 step %scan3A_4 iter_args(%scan3A_86 = %scan3A) -> (i32)  : i32 {
      %broadcast_in_dim3A = arith.constant 0.000000e+00 : f32
      %broadcast_in_dim3A_87 = vector.broadcast %broadcast_in_dim3A : f32 to vector<16xf32>
      %swap3A = arith.index_cast %scan3A_85 : i32 to index
      %swap3A_88 = arith.constant 0 : index
      %swap3A_89 = tpu.vector_load %arg7[%swap3A, %swap3A_88] {strides = array<i32>} : memref<128x64xf32, #tpu.memory_space<vmem>>, vector<1x16xf32>,
      %swap3A_90 = vector.shape_cast %swap3A_89 : vector<1x16xf32> to vector<16xf32>
      %swap3A_91 = vector.shape_cast %broadcast_in_dim3A_87 : vector<16xf32> to vector<1x16xf32>
      tpu.vector_store %arg7[%swap3A, %swap3A_88], %swap3A_91 {strides = array<i32>} : memref<128x64xf32, #tpu.memory_space<vmem>>, vector<1x16xf32>,
      %broadcast_in_dim3A_92 = arith.constant 0.000000e+00 : f32
      %broadcast_in_dim3A_93 = vector.broadcast %broadcast_in_dim3A_92 : f32 to vector<16xf32>
      %swap3A_94 = arith.index_cast %scan3A_85 : i32 to index
      %swap3A_95 = arith.constant 16 : index
      %swap3A_96 = tpu.vector_load %arg7[%swap3A_94, %swap3A_95] {strides = array<i32>} : memref<128x64xf32, #tpu.memory_space<vmem>>, vector<1x16xf32>,
      %swap3A_97 = vector.shape_cast %swap3A_96 : vector<1x16xf32> to vector<16xf32>
      %swap3A_98 = vector.shape_cast %broadcast_in_dim3A_93 : vector<16xf32> to vector<1x16xf32>
      tpu.vector_store %arg7[%swap3A_94, %swap3A_95], %swap3A_98 {strides = array<i32>} : memref<128x64xf32, #tpu.memory_space<vmem>>, vector<1x16xf32>,
      %broadcast_in_dim3A_99 = arith.constant 0.000000e+00 : f32
      %broadcast_in_dim3A_100 = vector.broadcast %broadcast_in_dim3A_99 : f32 to vector<16xf32>
      %swap3A_101 = arith.index_cast %scan3A_85 : i32 to index
      %swap3A_102 = arith.constant 32 : index
      %swap3A_103 = tpu.vector_load %arg7[%swap3A_101, %swap3A_102] {strides = array<i32>} : memref<128x64xf32, #tpu.memory_space<vmem>>, vector<1x16xf32>,
      %swap3A_104 = vector.shape_cast %swap3A_103 : vector<1x16xf32> to vector<16xf32>
      %swap3A_105 = vector.shape_cast %broadcast_in_dim3A_100 : vector<16xf32> to vector<1x16xf32>
      tpu.vector_store %arg7[%swap3A_101, %swap3A_102], %swap3A_105 {strides = array<i32>} : memref<128x64xf32, #tpu.memory_space<vmem>>, vector<1x16xf32>,
      %broadcast_in_dim3A_106 = arith.constant 0.000000e+00 : f32
      %broadcast_in_dim3A_107 = vector.broadcast %broadcast_in_dim3A_106 : f32 to vector<16xf32>
      %swap3A_108 = arith.index_cast %scan3A_85 : i32 to index
      %swap3A_109 = arith.constant 48 : index
      %swap3A_110 = tpu.vector_load %arg7[%swap3A_108, %swap3A_109] {strides = array<i32>} : memref<128x64xf32, #tpu.memory_space<vmem>>, vector<1x16xf32>,
      %swap3A_111 = vector.shape_cast %swap3A_110 : vector<1x16xf32> to vector<16xf32>
      %swap3A_112 = vector.shape_cast %broadcast_in_dim3A_107 : vector<16xf32> to vector<1x16xf32>
      tpu.vector_store %arg7[%swap3A_108, %swap3A_109], %swap3A_112 {strides = array<i32>} : memref<128x64xf32, #tpu.memory_space<vmem>>, vector<1x16xf32>,
      %scan3A_113 = arith.constant 0 : i32
      scf.yield %scan3A_113 : i32
    }
    %scan3A_6 = arith.constant 128 : i32
    %scan3A_7 = arith.constant 0 : i32
    %scan3A_8 = arith.constant 0 : i32
    %scan3A_9 = arith.constant 5 : i32
    %scan3A_10 = arith.addi %scan3A_8, %scan3A_9 : i32
    %scan3A_11 = arith.constant 1 : i32
    %scan3A_12 = scf.for %scan3A_85 = %scan3A_8 to %scan3A_10 step %scan3A_11 iter_args(%scan3A_86 = %scan3A_7) -> (i32)  : i32 {
      %mul3A_87 = arith.constant 640 : i32
      %mul3A_88 = arith.muli %arg1, %mul3A_87 : i32
      %mul3A_89 = arith.constant 128 : i32
      %mul3A_90 = arith.muli %scan3A_85, %mul3A_89 : i32
      %add3A_91 = arith.addi %mul3A_88, %mul3A_90 : i32
      "tpu.region"() ({
        %run_scoped3A_93 = tpu.sem_alloc : memref<!tpu.dma_semaphore, #tpu.memory_space<semaphore_mem>>
        %dma_start3A = arith.constant 0 : i32
        %dma_start3A_94 = tpu.memref_slice %arg15[%add3A_91, %dma_start3A] : memref<10240x64xf32, #tpu.memory_space<vmem_shared>> -> memref<128x64xf32, #tpu.memory_space<vmem_shared>>
        %dma_start3A_95 = arith.constant 0 : i32
        %dma_start3A_96 = tpu.memref_slice %arg15[%add3A_91, %dma_start3A_95] : memref<10240x64xf32, #tpu.memory_space<vmem_shared>> -> memref<128x64xf32, #tpu.memory_space<vmem_shared>>
        tpu.enqueue_dma source(%arg7 : memref<128x64xf32, #tpu.memory_space<vmem>>) target(%dma_start3A_96 : memref<128x64xf32, #tpu.memory_space<vmem_shared>>) target_semaphore(%run_scoped3A_93 : memref<!tpu.dma_semaphore, #tpu.memory_space<semaphore_mem>>)
        %dma_wait3A_97 = arith.constant 0 : i32
        %dma_wait3A_98 = tpu.memref_slice %arg15[%add3A_91, %dma_wait3A_97] : memref<10240x64xf32, #tpu.memory_space<vmem_shared>> -> memref<128x64xf32, #tpu.memory_space<vmem_shared>>
        %dma_wait3A_99 = arith.constant 0 : i32
        %dma_wait3A_100 = tpu.memref_slice %arg15[%add3A_91, %dma_wait3A_99] : memref<10240x64xf32, #tpu.memory_space<vmem_shared>> -> memref<128x64xf32, #tpu.memory_space<vmem_shared>>
        tpu.wait_dma2 semaphore(%run_scoped3A_93 : memref<!tpu.dma_semaphore, #tpu.memory_space<semaphore_mem>>) src(%arg7 : memref<128x64xf32, #tpu.memory_space<vmem>>) dst(%dma_wait3A_100 : memref<128x64xf32, #tpu.memory_space<vmem_shared>>)
        tpu.yield
      }) : () -> ()
      %scan3A_92 = arith.constant 0 : i32
      scf.yield %scan3A_92 : i32
    }
    %scan3A_13 = arith.constant 5 : i32
    %run_scoped3A = arith.constant 0 : i32
    "tpu.region"() ({
      %run_scoped3A_85 = tpu.sem_alloc : memref<!tpu.dma_semaphore, #tpu.memory_space<semaphore_mem>>
      %dma_start3A = arith.constant 0 : i32
      %dma_start3A_86 = arith.constant 0 : i32
      %dma_start3A_87 = tpu.memref_slice %arg3[%run_scoped3A, %add3A, %dma_start3A, %dma_start3A_86] : memref<2x32x80x128xi32, #tpu.memory_space<hbm>> -> memref<1x1x80x128xi32, #tpu.memory_space<hbm>>
      %dma_start3A_88 = tpu.memref_squeeze %dma_start3A_87 : memref<1x1x80x128xi32, #tpu.memory_space<hbm>> -> memref<80x128xi32, #tpu.memory_space<hbm>>
      %dma_start3A_89 = arith.constant 0 : i32
      %dma_start3A_90 = arith.constant 0 : i32
      %dma_start3A_91 = tpu.memref_slice %arg3[%run_scoped3A, %add3A, %dma_start3A_89, %dma_start3A_90] : memref<2x32x80x128xi32, #tpu.memory_space<hbm>> -> memref<1x1x80x128xi32, #tpu.memory_space<hbm>>
      %dma_start3A_92 = tpu.memref_squeeze %dma_start3A_91 : memref<1x1x80x128xi32, #tpu.memory_space<hbm>> -> memref<80x128xi32, #tpu.memory_space<hbm>>
      tpu.enqueue_dma source(%dma_start3A_92 : memref<80x128xi32, #tpu.memory_space<hbm>>) target(%arg5 : memref<80x128xi32, #tpu.memory_space<vmem>>) target_semaphore(%run_scoped3A_85 : memref<!tpu.dma_semaphore, #tpu.memory_space<semaphore_mem>>)
      %dma_wait3A_93 = arith.constant 0 : i32
      %dma_wait3A_94 = arith.constant 0 : i32
      %dma_wait3A_95 = tpu.memref_slice %arg3[%run_scoped3A, %add3A, %dma_wait3A_93, %dma_wait3A_94] : memref<2x32x80x128xi32, #tpu.memory_space<hbm>> -> memref<1x1x80x128xi32, #tpu.memory_space<hbm>>
      %dma_wait3A_96 = tpu.memref_squeeze %dma_wait3A_95 : memref<1x1x80x128xi32, #tpu.memory_space<hbm>> -> memref<80x128xi32, #tpu.memory_space<hbm>>
      %dma_wait3A_97 = arith.constant 0 : i32
      %dma_wait3A_98 = arith.constant 0 : i32
      %dma_wait3A_99 = tpu.memref_slice %arg3[%run_scoped3A, %add3A, %dma_wait3A_97, %dma_wait3A_98] : memref<2x32x80x128xi32, #tpu.memory_space<hbm>> -> memref<1x1x80x128xi32, #tpu.memory_space<hbm>>
      %dma_wait3A_100 = tpu.memref_squeeze %dma_wait3A_99 : memref<1x1x80x128xi32, #tpu.memory_space<hbm>> -> memref<80x128xi32, #tpu.memory_space<hbm>>
      tpu.wait_dma2 semaphore(%run_scoped3A_85 : memref<!tpu.dma_semaphore, #tpu.memory_space<semaphore_mem>>) src(%dma_wait3A_100 : memref<80x128xi32, #tpu.memory_space<hbm>>) dst(%arg5 : memref<80x128xi32, #tpu.memory_space<vmem>>)
      tpu.yield
    }) : () -> ()
    %run_scoped3A_14 = arith.constant 1 : i32
    "tpu.region"() ({
      %run_scoped3A_85 = tpu.sem_alloc : memref<!tpu.dma_semaphore, #tpu.memory_space<semaphore_mem>>
      %dma_start3A = arith.constant 0 : i32
      %dma_start3A_86 = arith.constant 0 : i32
      %dma_start3A_87 = tpu.memref_slice %arg3[%run_scoped3A_14, %add3A, %dma_start3A, %dma_start3A_86] : memref<2x32x80x128xi32, #tpu.memory_space<hbm>> -> memref<1x1x80x128xi32, #tpu.memory_space<hbm>>
      %dma_start3A_88 = tpu.memref_squeeze %dma_start3A_87 : memref<1x1x80x128xi32, #tpu.memory_space<hbm>> -> memref<80x128xi32, #tpu.memory_space<hbm>>
      %dma_start3A_89 = arith.constant 0 : i32
      %dma_start3A_90 = arith.constant 0 : i32
      %dma_start3A_91 = tpu.memref_slice %arg3[%run_scoped3A_14, %add3A, %dma_start3A_89, %dma_start3A_90] : memref<2x32x80x128xi32, #tpu.memory_space<hbm>> -> memref<1x1x80x128xi32, #tpu.memory_space<hbm>>
      %dma_start3A_92 = tpu.memref_squeeze %dma_start3A_91 : memref<1x1x80x128xi32, #tpu.memory_space<hbm>> -> memref<80x128xi32, #tpu.memory_space<hbm>>
      tpu.enqueue_dma source(%dma_start3A_92 : memref<80x128xi32, #tpu.memory_space<hbm>>) target(%arg6 : memref<80x128xi32, #tpu.memory_space<vmem>>) target_semaphore(%run_scoped3A_85 : memref<!tpu.dma_semaphore, #tpu.memory_space<semaphore_mem>>)
      %dma_wait3A_93 = arith.constant 0 : i32
      %dma_wait3A_94 = arith.constant 0 : i32
      %dma_wait3A_95 = tpu.memref_slice %arg3[%run_scoped3A_14, %add3A, %dma_wait3A_93, %dma_wait3A_94] : memref<2x32x80x128xi32, #tpu.memory_space<hbm>> -> memref<1x1x80x128xi32, #tpu.memory_space<hbm>>
      %dma_wait3A_96 = tpu.memref_squeeze %dma_wait3A_95 : memref<1x1x80x128xi32, #tpu.memory_space<hbm>> -> memref<80x128xi32, #tpu.memory_space<hbm>>
      %dma_wait3A_97 = arith.constant 0 : i32
      %dma_wait3A_98 = arith.constant 0 : i32
      %dma_wait3A_99 = tpu.memref_slice %arg3[%run_scoped3A_14, %add3A, %dma_wait3A_97, %dma_wait3A_98] : memref<2x32x80x128xi32, #tpu.memory_space<hbm>> -> memref<1x1x80x128xi32, #tpu.memory_space<hbm>>
      %dma_wait3A_100 = tpu.memref_squeeze %dma_wait3A_99 : memref<1x1x80x128xi32, #tpu.memory_space<hbm>> -> memref<80x128xi32, #tpu.memory_space<hbm>>
      tpu.wait_dma2 semaphore(%run_scoped3A_85 : memref<!tpu.dma_semaphore, #tpu.memory_space<semaphore_mem>>) src(%dma_wait3A_100 : memref<80x128xi32, #tpu.memory_space<hbm>>) dst(%arg6 : memref<80x128xi32, #tpu.memory_space<vmem>>)
      tpu.yield
    }) : () -> ()
    %barrier3A = arith.constant 0 : index
    tpu.barrier barrier_id(%barrier3A)
    %scan3A_15 = arith.constant 0 : i32
    %scan3A_16 = arith.constant 0 : i32
    %scan3A_17 = arith.constant 10 : i32
    %scan3A_18 = arith.addi %scan3A_16, %scan3A_17 : i32
    %scan3A_19 = arith.constant 1 : i32
    %scan3A_20 = scf.for %scan3A_85 = %scan3A_16 to %scan3A_18 step %scan3A_19 iter_args(%scan3A_86 = %scan3A_15) -> (i32)  : i32 {
      %gt3A = arith.constant 0 : i32
      %gt3A_87 = arith.cmpi sgt, %scan3A_85, %gt3A : i32
      %convert_element_type3A = arith.extui %gt3A_87 : i1 to i32
      %cond3A = arith.constant 0 : i32
      %cond3A_88 = arith.cmpi ne, %convert_element_type3A, %cond3A : i32
      scf.if %cond3A_88 {
        %dma_wait3A_297 = arith.constant 0 : i32
        %dma_wait3A_298 = arith.constant 0 : i32
        %dma_wait3A_299 = tpu.memref_slice %arg5[%dma_wait3A_297, %dma_wait3A_298] : memref<80x128xi32, #tpu.memory_space<vmem>> -> memref<1x128xi32, #tpu.memory_space<vmem>>
        %dma_wait3A_300 = tpu.memref_squeeze %dma_wait3A_299 : memref<1x128xi32, #tpu.memory_space<vmem>> -> memref<128xi32, #tpu.memory_space<vmem>>
        %dma_wait3A_301 = arith.constant 0 : i32
        %dma_wait3A_302 = arith.constant 0 : i32
        %dma_wait3A_303 = tpu.memref_slice %arg2[%dma_wait3A_301, %dma_wait3A_302] : memref<10240x64xf32, #tpu.memory_space<hbm>> -> memref<10240x64xf32, #tpu.memory_space<hbm>>
        tpu.wait_indirect_dma semaphore(%arg17 : memref<!tpu.dma_semaphore, #tpu.memory_space<semaphore_mem>>) src(%dma_wait3A_303 : memref<10240x64xf32, #tpu.memory_space<hbm>>) dst(%arg7 : memref<128x64xf32, #tpu.memory_space<vmem>>)
        %dma_wait3A_304 = arith.constant 0 : i32
        %dma_wait3A_305 = arith.constant 0 : i32
        %dma_wait3A_306 = tpu.memref_slice %arg5[%dma_wait3A_304, %dma_wait3A_305] : memref<80x128xi32, #tpu.memory_space<vmem>> -> memref<1x128xi32, #tpu.memory_space<vmem>>
        %dma_wait3A_307 = tpu.memref_squeeze %dma_wait3A_306 : memref<1x128xi32, #tpu.memory_space<vmem>> -> memref<128xi32, #tpu.memory_space<vmem>>
        %dma_wait3A_308 = arith.constant 0 : i32
        %dma_wait3A_309 = arith.constant 0 : i32
        %dma_wait3A_310 = tpu.memref_slice %arg2[%dma_wait3A_308, %dma_wait3A_309] : memref<10240x64xf32, #tpu.memory_space<hbm>> -> memref<10240x64xf32, #tpu.memory_space<hbm>>
        tpu.wait_indirect_dma semaphore(%arg17 : memref<!tpu.dma_semaphore, #tpu.memory_space<semaphore_mem>>) src(%dma_wait3A_310 : memref<10240x64xf32, #tpu.memory_space<hbm>>) dst(%arg8 : memref<128x64xf32, #tpu.memory_space<vmem>>)
        %dma_wait3A_311 = arith.constant 0 : i32
        %dma_wait3A_312 = arith.constant 0 : i32
        %dma_wait3A_313 = tpu.memref_slice %arg5[%dma_wait3A_311, %dma_wait3A_312] : memref<80x128xi32, #tpu.memory_space<vmem>> -> memref<1x128xi32, #tpu.memory_space<vmem>>
        %dma_wait3A_314 = tpu.memref_squeeze %dma_wait3A_313 : memref<1x128xi32, #tpu.memory_space<vmem>> -> memref<128xi32, #tpu.memory_space<vmem>>
        %dma_wait3A_315 = arith.constant 0 : i32
        %dma_wait3A_316 = arith.constant 0 : i32
        %dma_wait3A_317 = tpu.memref_slice %arg2[%dma_wait3A_315, %dma_wait3A_316] : memref<10240x64xf32, #tpu.memory_space<hbm>> -> memref<10240x64xf32, #tpu.memory_space<hbm>>
        tpu.wait_indirect_dma semaphore(%arg17 : memref<!tpu.dma_semaphore, #tpu.memory_space<semaphore_mem>>) src(%dma_wait3A_317 : memref<10240x64xf32, #tpu.memory_space<hbm>>) dst(%arg9 : memref<128x64xf32, #tpu.memory_space<vmem>>)
        %dma_wait3A_318 = arith.constant 0 : i32
        %dma_wait3A_319 = arith.constant 0 : i32
        %dma_wait3A_320 = tpu.memref_slice %arg5[%dma_wait3A_318, %dma_wait3A_319] : memref<80x128xi32, #tpu.memory_space<vmem>> -> memref<1x128xi32, #tpu.memory_space<vmem>>
        %dma_wait3A_321 = tpu.memref_squeeze %dma_wait3A_320 : memref<1x128xi32, #tpu.memory_space<vmem>> -> memref<128xi32, #tpu.memory_space<vmem>>
        %dma_wait3A_322 = arith.constant 0 : i32
        %dma_wait3A_323 = arith.constant 0 : i32
        %dma_wait3A_324 = tpu.memref_slice %arg2[%dma_wait3A_322, %dma_wait3A_323] : memref<10240x64xf32, #tpu.memory_space<hbm>> -> memref<10240x64xf32, #tpu.memory_space<hbm>>
        tpu.wait_indirect_dma semaphore(%arg17 : memref<!tpu.dma_semaphore, #tpu.memory_space<semaphore_mem>>) src(%dma_wait3A_324 : memref<10240x64xf32, #tpu.memory_space<hbm>>) dst(%arg10 : memref<128x64xf32, #tpu.memory_space<vmem>>)
        %dma_wait3A_325 = arith.constant 0 : i32
        %dma_wait3A_326 = arith.constant 0 : i32
        %dma_wait3A_327 = tpu.memref_slice %arg5[%dma_wait3A_325, %dma_wait3A_326] : memref<80x128xi32, #tpu.memory_space<vmem>> -> memref<1x128xi32, #tpu.memory_space<vmem>>
        %dma_wait3A_328 = tpu.memref_squeeze %dma_wait3A_327 : memref<1x128xi32, #tpu.memory_space<vmem>> -> memref<128xi32, #tpu.memory_space<vmem>>
        %dma_wait3A_329 = arith.constant 0 : i32
        %dma_wait3A_330 = arith.constant 0 : i32
        %dma_wait3A_331 = tpu.memref_slice %arg2[%dma_wait3A_329, %dma_wait3A_330] : memref<10240x64xf32, #tpu.memory_space<hbm>> -> memref<10240x64xf32, #tpu.memory_space<hbm>>
        tpu.wait_indirect_dma semaphore(%arg17 : memref<!tpu.dma_semaphore, #tpu.memory_space<semaphore_mem>>) src(%dma_wait3A_331 : memref<10240x64xf32, #tpu.memory_space<hbm>>) dst(%arg11 : memref<128x64xf32, #tpu.memory_space<vmem>>)
        %dma_wait3A_332 = arith.constant 0 : i32
        %dma_wait3A_333 = arith.constant 0 : i32
        %dma_wait3A_334 = tpu.memref_slice %arg5[%dma_wait3A_332, %dma_wait3A_333] : memref<80x128xi32, #tpu.memory_space<vmem>> -> memref<1x128xi32, #tpu.memory_space<vmem>>
        %dma_wait3A_335 = tpu.memref_squeeze %dma_wait3A_334 : memref<1x128xi32, #tpu.memory_space<vmem>> -> memref<128xi32, #tpu.memory_space<vmem>>
        %dma_wait3A_336 = arith.constant 0 : i32
        %dma_wait3A_337 = arith.constant 0 : i32
        %dma_wait3A_338 = tpu.memref_slice %arg2[%dma_wait3A_336, %dma_wait3A_337] : memref<10240x64xf32, #tpu.memory_space<hbm>> -> memref<10240x64xf32, #tpu.memory_space<hbm>>
        tpu.wait_indirect_dma semaphore(%arg17 : memref<!tpu.dma_semaphore, #tpu.memory_space<semaphore_mem>>) src(%dma_wait3A_338 : memref<10240x64xf32, #tpu.memory_space<hbm>>) dst(%arg12 : memref<128x64xf32, #tpu.memory_space<vmem>>)
        %dma_wait3A_339 = arith.constant 0 : i32
        %dma_wait3A_340 = arith.constant 0 : i32
        %dma_wait3A_341 = tpu.memref_slice %arg5[%dma_wait3A_339, %dma_wait3A_340] : memref<80x128xi32, #tpu.memory_space<vmem>> -> memref<1x128xi32, #tpu.memory_space<vmem>>
        %dma_wait3A_342 = tpu.memref_squeeze %dma_wait3A_341 : memref<1x128xi32, #tpu.memory_space<vmem>> -> memref<128xi32, #tpu.memory_space<vmem>>
        %dma_wait3A_343 = arith.constant 0 : i32
        %dma_wait3A_344 = arith.constant 0 : i32
        %dma_wait3A_345 = tpu.memref_slice %arg2[%dma_wait3A_343, %dma_wait3A_344] : memref<10240x64xf32, #tpu.memory_space<hbm>> -> memref<10240x64xf32, #tpu.memory_space<hbm>>
        tpu.wait_indirect_dma semaphore(%arg17 : memref<!tpu.dma_semaphore, #tpu.memory_space<semaphore_mem>>) src(%dma_wait3A_345 : memref<10240x64xf32, #tpu.memory_space<hbm>>) dst(%arg13 : memref<128x64xf32, #tpu.memory_space<vmem>>)
        %dma_wait3A_346 = arith.constant 0 : i32
        %dma_wait3A_347 = arith.constant 0 : i32
        %dma_wait3A_348 = tpu.memref_slice %arg5[%dma_wait3A_346, %dma_wait3A_347] : memref<80x128xi32, #tpu.memory_space<vmem>> -> memref<1x128xi32, #tpu.memory_space<vmem>>
        %dma_wait3A_349 = tpu.memref_squeeze %dma_wait3A_348 : memref<1x128xi32, #tpu.memory_space<vmem>> -> memref<128xi32, #tpu.memory_space<vmem>>
        %dma_wait3A_350 = arith.constant 0 : i32
        %dma_wait3A_351 = arith.constant 0 : i32
        %dma_wait3A_352 = tpu.memref_slice %arg2[%dma_wait3A_350, %dma_wait3A_351] : memref<10240x64xf32, #tpu.memory_space<hbm>> -> memref<10240x64xf32, #tpu.memory_space<hbm>>
        tpu.wait_indirect_dma semaphore(%arg17 : memref<!tpu.dma_semaphore, #tpu.memory_space<semaphore_mem>>) src(%dma_wait3A_352 : memref<10240x64xf32, #tpu.memory_space<hbm>>) dst(%arg14 : memref<128x64xf32, #tpu.memory_space<vmem>>)
      } else {
      }
      %mul3A_89 = arith.constant 8 : i32
      %mul3A_90 = arith.muli %scan3A_85, %mul3A_89 : i32
      %add3A_91 = arith.constant 0 : i32
      %add3A_92 = arith.addi %mul3A_90, %add3A_91 : i32
      %dma_start3A = arith.constant 0 : i32
      %dma_start3A_93 = tpu.memref_slice %arg5[%add3A_92, %dma_start3A] : memref<80x128xi32, #tpu.memory_space<vmem>> -> memref<1x128xi32, #tpu.memory_space<vmem>>
      %dma_start3A_94 = tpu.memref_squeeze %dma_start3A_93 : memref<1x128xi32, #tpu.memory_space<vmem>> -> memref<128xi32, #tpu.memory_space<vmem>>
      %dma_start3A_95 = arith.constant 0 : i32
      %dma_start3A_96 = arith.constant 0 : i32
      %dma_start3A_97 = tpu.memref_slice %arg2[%dma_start3A_95, %dma_start3A_96] : memref<10240x64xf32, #tpu.memory_space<hbm>> -> memref<10240x64xf32, #tpu.memory_space<hbm>>
      tpu.enqueue_indirect_dma source(%dma_start3A_97 : memref<10240x64xf32, #tpu.memory_space<hbm>>) target(%arg7 : memref<128x64xf32, #tpu.memory_space<vmem>>) offsets(%dma_start3A_94 : memref<128xi32, #tpu.memory_space<vmem>>) semaphore(%arg16 : memref<!tpu.dma_semaphore, #tpu.memory_space<semaphore_mem>>)
      %mul3A_98 = arith.constant 8 : i32
      %mul3A_99 = arith.muli %scan3A_85, %mul3A_98 : i32
      %add3A_100 = arith.constant 1 : i32
      %add3A_101 = arith.addi %mul3A_99, %add3A_100 : i32
      %dma_start3A_102 = arith.constant 0 : i32
      %dma_start3A_103 = tpu.memref_slice %arg5[%add3A_101, %dma_start3A_102] : memref<80x128xi32, #tpu.memory_space<vmem>> -> memref<1x128xi32, #tpu.memory_space<vmem>>
      %dma_start3A_104 = tpu.memref_squeeze %dma_start3A_103 : memref<1x128xi32, #tpu.memory_space<vmem>> -> memref<128xi32, #tpu.memory_space<vmem>>
      %dma_start3A_105 = arith.constant 0 : i32
      %dma_start3A_106 = arith.constant 0 : i32
      %dma_start3A_107 = tpu.memref_slice %arg2[%dma_start3A_105, %dma_start3A_106] : memref<10240x64xf32, #tpu.memory_space<hbm>> -> memref<10240x64xf32, #tpu.memory_space<hbm>>
      tpu.enqueue_indirect_dma source(%dma_start3A_107 : memref<10240x64xf32, #tpu.memory_space<hbm>>) target(%arg8 : memref<128x64xf32, #tpu.memory_space<vmem>>) offsets(%dma_start3A_104 : memref<128xi32, #tpu.memory_space<vmem>>) semaphore(%arg16 : memref<!tpu.dma_semaphore, #tpu.memory_space<semaphore_mem>>)
      %mul3A_108 = arith.constant 8 : i32
      %mul3A_109 = arith.muli %scan3A_85, %mul3A_108 : i32
      %add3A_110 = arith.constant 2 : i32
      %add3A_111 = arith.addi %mul3A_109, %add3A_110 : i32
      %dma_start3A_112 = arith.constant 0 : i32
      %dma_start3A_113 = tpu.memref_slice %arg5[%add3A_111, %dma_start3A_112] : memref<80x128xi32, #tpu.memory_space<vmem>> -> memref<1x128xi32, #tpu.memory_space<vmem>>
      %dma_start3A_114 = tpu.memref_squeeze %dma_start3A_113 : memref<1x128xi32, #tpu.memory_space<vmem>> -> memref<128xi32, #tpu.memory_space<vmem>>
      %dma_start3A_115 = arith.constant 0 : i32
      %dma_start3A_116 = arith.constant 0 : i32
      %dma_start3A_117 = tpu.memref_slice %arg2[%dma_start3A_115, %dma_start3A_116] : memref<10240x64xf32, #tpu.memory_space<hbm>> -> memref<10240x64xf32, #tpu.memory_space<hbm>>
      tpu.enqueue_indirect_dma source(%dma_start3A_117 : memref<10240x64xf32, #tpu.memory_space<hbm>>) target(%arg9 : memref<128x64xf32, #tpu.memory_space<vmem>>) offsets(%dma_start3A_114 : memref<128xi32, #tpu.memory_space<vmem>>) semaphore(%arg16 : memref<!tpu.dma_semaphore, #tpu.memory_space<semaphore_mem>>)
      %mul3A_118 = arith.constant 8 : i32
      %mul3A_119 = arith.muli %scan3A_85, %mul3A_118 : i32
      %add3A_120 = arith.constant 3 : i32
      %add3A_121 = arith.addi %mul3A_119, %add3A_120 : i32
      %dma_start3A_122 = arith.constant 0 : i32
      %dma_start3A_123 = tpu.memref_slice %arg5[%add3A_121, %dma_start3A_122] : memref<80x128xi32, #tpu.memory_space<vmem>> -> memref<1x128xi32, #tpu.memory_space<vmem>>
      %dma_start3A_124 = tpu.memref_squeeze %dma_start3A_123 : memref<1x128xi32, #tpu.memory_space<vmem>> -> memref<128xi32, #tpu.memory_space<vmem>>
      %dma_start3A_125 = arith.constant 0 : i32
      %dma_start3A_126 = arith.constant 0 : i32
      %dma_start3A_127 = tpu.memref_slice %arg2[%dma_start3A_125, %dma_start3A_126] : memref<10240x64xf32, #tpu.memory_space<hbm>> -> memref<10240x64xf32, #tpu.memory_space<hbm>>
      tpu.enqueue_indirect_dma source(%dma_start3A_127 : memref<10240x64xf32, #tpu.memory_space<hbm>>) target(%arg10 : memref<128x64xf32, #tpu.memory_space<vmem>>) offsets(%dma_start3A_124 : memref<128xi32, #tpu.memory_space<vmem>>) semaphore(%arg16 : memref<!tpu.dma_semaphore, #tpu.memory_space<semaphore_mem>>)
      %mul3A_128 = arith.constant 8 : i32
      %mul3A_129 = arith.muli %scan3A_85, %mul3A_128 : i32
      %add3A_130 = arith.constant 4 : i32
      %add3A_131 = arith.addi %mul3A_129, %add3A_130 : i32
      %dma_start3A_132 = arith.constant 0 : i32
      %dma_start3A_133 = tpu.memref_slice %arg5[%add3A_131, %dma_start3A_132] : memref<80x128xi32, #tpu.memory_space<vmem>> -> memref<1x128xi32, #tpu.memory_space<vmem>>
      %dma_start3A_134 = tpu.memref_squeeze %dma_start3A_133 : memref<1x128xi32, #tpu.memory_space<vmem>> -> memref<128xi32, #tpu.memory_space<vmem>>
      %dma_start3A_135 = arith.constant 0 : i32
      %dma_start3A_136 = arith.constant 0 : i32
      %dma_start3A_137 = tpu.memref_slice %arg2[%dma_start3A_135, %dma_start3A_136] : memref<10240x64xf32, #tpu.memory_space<hbm>> -> memref<10240x64xf32, #tpu.memory_space<hbm>>
      tpu.enqueue_indirect_dma source(%dma_start3A_137 : memref<10240x64xf32, #tpu.memory_space<hbm>>) target(%arg11 : memref<128x64xf32, #tpu.memory_space<vmem>>) offsets(%dma_start3A_134 : memref<128xi32, #tpu.memory_space<vmem>>) semaphore(%arg16 : memref<!tpu.dma_semaphore, #tpu.memory_space<semaphore_mem>>)
      %mul3A_138 = arith.constant 8 : i32
      %mul3A_139 = arith.muli %scan3A_85, %mul3A_138 : i32
      %add3A_140 = arith.constant 5 : i32
      %add3A_141 = arith.addi %mul3A_139, %add3A_140 : i32
      %dma_start3A_142 = arith.constant 0 : i32
      %dma_start3A_143 = tpu.memref_slice %arg5[%add3A_141, %dma_start3A_142] : memref<80x128xi32, #tpu.memory_space<vmem>> -> memref<1x128xi32, #tpu.memory_space<vmem>>
      %dma_start3A_144 = tpu.memref_squeeze %dma_start3A_143 : memref<1x128xi32, #tpu.memory_space<vmem>> -> memref<128xi32, #tpu.memory_space<vmem>>
      %dma_start3A_145 = arith.constant 0 : i32
      %dma_start3A_146 = arith.constant 0 : i32
      %dma_start3A_147 = tpu.memref_slice %arg2[%dma_start3A_145, %dma_start3A_146] : memref<10240x64xf32, #tpu.memory_space<hbm>> -> memref<10240x64xf32, #tpu.memory_space<hbm>>
      tpu.enqueue_indirect_dma source(%dma_start3A_147 : memref<10240x64xf32, #tpu.memory_space<hbm>>) target(%arg12 : memref<128x64xf32, #tpu.memory_space<vmem>>) offsets(%dma_start3A_144 : memref<128xi32, #tpu.memory_space<vmem>>) semaphore(%arg16 : memref<!tpu.dma_semaphore, #tpu.memory_space<semaphore_mem>>)
      %mul3A_148 = arith.constant 8 : i32
      %mul3A_149 = arith.muli %scan3A_85, %mul3A_148 : i32
      %add3A_150 = arith.constant 6 : i32
      %add3A_151 = arith.addi %mul3A_149, %add3A_150 : i32
      %dma_start3A_152 = arith.constant 0 : i32
      %dma_start3A_153 = tpu.memref_slice %arg5[%add3A_151, %dma_start3A_152] : memref<80x128xi32, #tpu.memory_space<vmem>> -> memref<1x128xi32, #tpu.memory_space<vmem>>
      %dma_start3A_154 = tpu.memref_squeeze %dma_start3A_153 : memref<1x128xi32, #tpu.memory_space<vmem>> -> memref<128xi32, #tpu.memory_space<vmem>>
      %dma_start3A_155 = arith.constant 0 : i32
      %dma_start3A_156 = arith.constant 0 : i32
      %dma_start3A_157 = tpu.memref_slice %arg2[%dma_start3A_155, %dma_start3A_156] : memref<10240x64xf32, #tpu.memory_space<hbm>> -> memref<10240x64xf32, #tpu.memory_space<hbm>>
      tpu.enqueue_indirect_dma source(%dma_start3A_157 : memref<10240x64xf32, #tpu.memory_space<hbm>>) target(%arg13 : memref<128x64xf32, #tpu.memory_space<vmem>>) offsets(%dma_start3A_154 : memref<128xi32, #tpu.memory_space<vmem>>) semaphore(%arg16 : memref<!tpu.dma_semaphore, #tpu.memory_space<semaphore_mem>>)
      %mul3A_158 = arith.constant 8 : i32
      %mul3A_159 = arith.muli %scan3A_85, %mul3A_158 : i32
      %add3A_160 = arith.constant 7 : i32
      %add3A_161 = arith.addi %mul3A_159, %add3A_160 : i32
      %dma_start3A_162 = arith.constant 0 : i32
      %dma_start3A_163 = tpu.memref_slice %arg5[%add3A_161, %dma_start3A_162] : memref<80x128xi32, #tpu.memory_space<vmem>> -> memref<1x128xi32, #tpu.memory_space<vmem>>
      %dma_start3A_164 = tpu.memref_squeeze %dma_start3A_163 : memref<1x128xi32, #tpu.memory_space<vmem>> -> memref<128xi32, #tpu.memory_space<vmem>>
      %dma_start3A_165 = arith.constant 0 : i32
      %dma_start3A_166 = arith.constant 0 : i32
      %dma_start3A_167 = tpu.memref_slice %arg2[%dma_start3A_165, %dma_start3A_166] : memref<10240x64xf32, #tpu.memory_space<hbm>> -> memref<10240x64xf32, #tpu.memory_space<hbm>>
      tpu.enqueue_indirect_dma source(%dma_start3A_167 : memref<10240x64xf32, #tpu.memory_space<hbm>>) target(%arg14 : memref<128x64xf32, #tpu.memory_space<vmem>>) offsets(%dma_start3A_164 : memref<128xi32, #tpu.memory_space<vmem>>) semaphore(%arg16 : memref<!tpu.dma_semaphore, #tpu.memory_space<semaphore_mem>>)
      %dma_wait3A_168 = arith.constant 0 : i32
      %dma_wait3A_169 = tpu.memref_slice %arg5[%add3A_92, %dma_wait3A_168] : memref<80x128xi32, #tpu.memory_space<vmem>> -> memref<1x128xi32, #tpu.memory_space<vmem>>
      %dma_wait3A_170 = tpu.memref_squeeze %dma_wait3A_169 : memref<1x128xi32, #tpu.memory_space<vmem>> -> memref<128xi32, #tpu.memory_space<vmem>>
      %dma_wait3A_171 = arith.constant 0 : i32
      %dma_wait3A_172 = arith.constant 0 : i32
      %dma_wait3A_173 = tpu.memref_slice %arg2[%dma_wait3A_171, %dma_wait3A_172] : memref<10240x64xf32, #tpu.memory_space<hbm>> -> memref<10240x64xf32, #tpu.memory_space<hbm>>
      tpu.wait_indirect_dma semaphore(%arg16 : memref<!tpu.dma_semaphore, #tpu.memory_space<semaphore_mem>>) src(%dma_wait3A_173 : memref<10240x64xf32, #tpu.memory_space<hbm>>) dst(%arg7 : memref<128x64xf32, #tpu.memory_space<vmem>>)
      %mul3A_174 = arith.constant 8 : i32
      %mul3A_175 = arith.muli %scan3A_85, %mul3A_174 : i32
      %add3A_176 = arith.constant 0 : i32
      %add3A_177 = arith.addi %mul3A_175, %add3A_176 : i32
      %dma_start3A_178 = arith.constant 0 : i32
      %dma_start3A_179 = tpu.memref_slice %arg6[%add3A_177, %dma_start3A_178] : memref<80x128xi32, #tpu.memory_space<vmem>> -> memref<1x128xi32, #tpu.memory_space<vmem>>
      %dma_start3A_180 = tpu.memref_squeeze %dma_start3A_179 : memref<1x128xi32, #tpu.memory_space<vmem>> -> memref<128xi32, #tpu.memory_space<vmem>>
      %dma_start3A_181 = arith.constant 0 : i32
      %dma_start3A_182 = arith.constant 0 : i32
      %dma_start3A_183 = tpu.memref_slice %arg15[%dma_start3A_181, %dma_start3A_182] : memref<10240x64xf32, #tpu.memory_space<vmem_shared>> -> memref<10240x64xf32, #tpu.memory_space<vmem_shared>>
      tpu.enqueue_indirect_dma source(%arg7 : memref<128x64xf32, #tpu.memory_space<vmem>>) target(%dma_start3A_183 : memref<10240x64xf32, #tpu.memory_space<vmem_shared>>) offsets(%dma_start3A_180 : memref<128xi32, #tpu.memory_space<vmem>>) semaphore(%arg17 : memref<!tpu.dma_semaphore, #tpu.memory_space<semaphore_mem>>) {add = true}
      %dma_wait3A_184 = arith.constant 0 : i32
      %dma_wait3A_185 = tpu.memref_slice %arg5[%add3A_101, %dma_wait3A_184] : memref<80x128xi32, #tpu.memory_space<vmem>> -> memref<1x128xi32, #tpu.memory_space<vmem>>
      %dma_wait3A_186 = tpu.memref_squeeze %dma_wait3A_185 : memref<1x128xi32, #tpu.memory_space<vmem>> -> memref<128xi32, #tpu.memory_space<vmem>>
      %dma_wait3A_187 = arith.constant 0 : i32
      %dma_wait3A_188 = arith.constant 0 : i32
      %dma_wait3A_189 = tpu.memref_slice %arg2[%dma_wait3A_187, %dma_wait3A_188] : memref<10240x64xf32, #tpu.memory_space<hbm>> -> memref<10240x64xf32, #tpu.memory_space<hbm>>
      tpu.wait_indirect_dma semaphore(%arg16 : memref<!tpu.dma_semaphore, #tpu.memory_space<semaphore_mem>>) src(%dma_wait3A_189 : memref<10240x64xf32, #tpu.memory_space<hbm>>) dst(%arg8 : memref<128x64xf32, #tpu.memory_space<vmem>>)
      %mul3A_190 = arith.constant 8 : i32
      %mul3A_191 = arith.muli %scan3A_85, %mul3A_190 : i32
      %add3A_192 = arith.constant 1 : i32
      %add3A_193 = arith.addi %mul3A_191, %add3A_192 : i32
      %dma_start3A_194 = arith.constant 0 : i32
      %dma_start3A_195 = tpu.memref_slice %arg6[%add3A_193, %dma_start3A_194] : memref<80x128xi32, #tpu.memory_space<vmem>> -> memref<1x128xi32, #tpu.memory_space<vmem>>
      %dma_start3A_196 = tpu.memref_squeeze %dma_start3A_195 : memref<1x128xi32, #tpu.memory_space<vmem>> -> memref<128xi32, #tpu.memory_space<vmem>>
      %dma_start3A_197 = arith.constant 0 : i32
      %dma_start3A_198 = arith.constant 0 : i32
      %dma_start3A_199 = tpu.memref_slice %arg15[%dma_start3A_197, %dma_start3A_198] : memref<10240x64xf32, #tpu.memory_space<vmem_shared>> -> memref<10240x64xf32, #tpu.memory_space<vmem_shared>>
      tpu.enqueue_indirect_dma source(%arg8 : memref<128x64xf32, #tpu.memory_space<vmem>>) target(%dma_start3A_199 : memref<10240x64xf32, #tpu.memory_space<vmem_shared>>) offsets(%dma_start3A_196 : memref<128xi32, #tpu.memory_space<vmem>>) semaphore(%arg17 : memref<!tpu.dma_semaphore, #tpu.memory_space<semaphore_mem>>) {add = true}
      %dma_wait3A_200 = arith.constant 0 : i32
      %dma_wait3A_201 = tpu.memref_slice %arg5[%add3A_111, %dma_wait3A_200] : memref<80x128xi32, #tpu.memory_space<vmem>> -> memref<1x128xi32, #tpu.memory_space<vmem>>
      %dma_wait3A_202 = tpu.memref_squeeze %dma_wait3A_201 : memref<1x128xi32, #tpu.memory_space<vmem>> -> memref<128xi32, #tpu.memory_space<vmem>>
      %dma_wait3A_203 = arith.constant 0 : i32
      %dma_wait3A_204 = arith.constant 0 : i32
      %dma_wait3A_205 = tpu.memref_slice %arg2[%dma_wait3A_203, %dma_wait3A_204] : memref<10240x64xf32, #tpu.memory_space<hbm>> -> memref<10240x64xf32, #tpu.memory_space<hbm>>
      tpu.wait_indirect_dma semaphore(%arg16 : memref<!tpu.dma_semaphore, #tpu.memory_space<semaphore_mem>>) src(%dma_wait3A_205 : memref<10240x64xf32, #tpu.memory_space<hbm>>) dst(%arg9 : memref<128x64xf32, #tpu.memory_space<vmem>>)
      %mul3A_206 = arith.constant 8 : i32
      %mul3A_207 = arith.muli %scan3A_85, %mul3A_206 : i32
      %add3A_208 = arith.constant 2 : i32
      %add3A_209 = arith.addi %mul3A_207, %add3A_208 : i32
      %dma_start3A_210 = arith.constant 0 : i32
      %dma_start3A_211 = tpu.memref_slice %arg6[%add3A_209, %dma_start3A_210] : memref<80x128xi32, #tpu.memory_space<vmem>> -> memref<1x128xi32, #tpu.memory_space<vmem>>
      %dma_start3A_212 = tpu.memref_squeeze %dma_start3A_211 : memref<1x128xi32, #tpu.memory_space<vmem>> -> memref<128xi32, #tpu.memory_space<vmem>>
      %dma_start3A_213 = arith.constant 0 : i32
      %dma_start3A_214 = arith.constant 0 : i32
      %dma_start3A_215 = tpu.memref_slice %arg15[%dma_start3A_213, %dma_start3A_214] : memref<10240x64xf32, #tpu.memory_space<vmem_shared>> -> memref<10240x64xf32, #tpu.memory_space<vmem_shared>>
      tpu.enqueue_indirect_dma source(%arg9 : memref<128x64xf32, #tpu.memory_space<vmem>>) target(%dma_start3A_215 : memref<10240x64xf32, #tpu.memory_space<vmem_shared>>) offsets(%dma_start3A_212 : memref<128xi32, #tpu.memory_space<vmem>>) semaphore(%arg17 : memref<!tpu.dma_semaphore, #tpu.memory_space<semaphore_mem>>) {add = true}
      %dma_wait3A_216 = arith.constant 0 : i32
      %dma_wait3A_217 = tpu.memref_slice %arg5[%add3A_121, %dma_wait3A_216] : memref<80x128xi32, #tpu.memory_space<vmem>> -> memref<1x128xi32, #tpu.memory_space<vmem>>
      %dma_wait3A_218 = tpu.memref_squeeze %dma_wait3A_217 : memref<1x128xi32, #tpu.memory_space<vmem>> -> memref<128xi32, #tpu.memory_space<vmem>>
      %dma_wait3A_219 = arith.constant 0 : i32
      %dma_wait3A_220 = arith.constant 0 : i32
      %dma_wait3A_221 = tpu.memref_slice %arg2[%dma_wait3A_219, %dma_wait3A_220] : memref<10240x64xf32, #tpu.memory_space<hbm>> -> memref<10240x64xf32, #tpu.memory_space<hbm>>
      tpu.wait_indirect_dma semaphore(%arg16 : memref<!tpu.dma_semaphore, #tpu.memory_space<semaphore_mem>>) src(%dma_wait3A_221 : memref<10240x64xf32, #tpu.memory_space<hbm>>) dst(%arg10 : memref<128x64xf32, #tpu.memory_space<vmem>>)
      %mul3A_222 = arith.constant 8 : i32
      %mul3A_223 = arith.muli %scan3A_85, %mul3A_222 : i32
      %add3A_224 = arith.constant 3 : i32
      %add3A_225 = arith.addi %mul3A_223, %add3A_224 : i32
      %dma_start3A_226 = arith.constant 0 : i32
      %dma_start3A_227 = tpu.memref_slice %arg6[%add3A_225, %dma_start3A_226] : memref<80x128xi32, #tpu.memory_space<vmem>> -> memref<1x128xi32, #tpu.memory_space<vmem>>
      %dma_start3A_228 = tpu.memref_squeeze %dma_start3A_227 : memref<1x128xi32, #tpu.memory_space<vmem>> -> memref<128xi32, #tpu.memory_space<vmem>>
      %dma_start3A_229 = arith.constant 0 : i32
      %dma_start3A_230 = arith.constant 0 : i32
      %dma_start3A_231 = tpu.memref_slice %arg15[%dma_start3A_229, %dma_start3A_230] : memref<10240x64xf32, #tpu.memory_space<vmem_shared>> -> memref<10240x64xf32, #tpu.memory_space<vmem_shared>>
      tpu.enqueue_indirect_dma source(%arg10 : memref<128x64xf32, #tpu.memory_space<vmem>>) target(%dma_start3A_231 : memref<10240x64xf32, #tpu.memory_space<vmem_shared>>) offsets(%dma_start3A_228 : memref<128xi32, #tpu.memory_space<vmem>>) semaphore(%arg17 : memref<!tpu.dma_semaphore, #tpu.memory_space<semaphore_mem>>) {add = true}
      %dma_wait3A_232 = arith.constant 0 : i32
      %dma_wait3A_233 = tpu.memref_slice %arg5[%add3A_131, %dma_wait3A_232] : memref<80x128xi32, #tpu.memory_space<vmem>> -> memref<1x128xi32, #tpu.memory_space<vmem>>
      %dma_wait3A_234 = tpu.memref_squeeze %dma_wait3A_233 : memref<1x128xi32, #tpu.memory_space<vmem>> -> memref<128xi32, #tpu.memory_space<vmem>>
      %dma_wait3A_235 = arith.constant 0 : i32
      %dma_wait3A_236 = arith.constant 0 : i32
      %dma_wait3A_237 = tpu.memref_slice %arg2[%dma_wait3A_235, %dma_wait3A_236] : memref<10240x64xf32, #tpu.memory_space<hbm>> -> memref<10240x64xf32, #tpu.memory_space<hbm>>
      tpu.wait_indirect_dma semaphore(%arg16 : memref<!tpu.dma_semaphore, #tpu.memory_space<semaphore_mem>>) src(%dma_wait3A_237 : memref<10240x64xf32, #tpu.memory_space<hbm>>) dst(%arg11 : memref<128x64xf32, #tpu.memory_space<vmem>>)
      %mul3A_238 = arith.constant 8 : i32
      %mul3A_239 = arith.muli %scan3A_85, %mul3A_238 : i32
      %add3A_240 = arith.constant 4 : i32
      %add3A_241 = arith.addi %mul3A_239, %add3A_240 : i32
      %dma_start3A_242 = arith.constant 0 : i32
      %dma_start3A_243 = tpu.memref_slice %arg6[%add3A_241, %dma_start3A_242] : memref<80x128xi32, #tpu.memory_space<vmem>> -> memref<1x128xi32, #tpu.memory_space<vmem>>
      %dma_start3A_244 = tpu.memref_squeeze %dma_start3A_243 : memref<1x128xi32, #tpu.memory_space<vmem>> -> memref<128xi32, #tpu.memory_space<vmem>>
      %dma_start3A_245 = arith.constant 0 : i32
      %dma_start3A_246 = arith.constant 0 : i32
      %dma_start3A_247 = tpu.memref_slice %arg15[%dma_start3A_245, %dma_start3A_246] : memref<10240x64xf32, #tpu.memory_space<vmem_shared>> -> memref<10240x64xf32, #tpu.memory_space<vmem_shared>>
      tpu.enqueue_indirect_dma source(%arg11 : memref<128x64xf32, #tpu.memory_space<vmem>>) target(%dma_start3A_247 : memref<10240x64xf32, #tpu.memory_space<vmem_shared>>) offsets(%dma_start3A_244 : memref<128xi32, #tpu.memory_space<vmem>>) semaphore(%arg17 : memref<!tpu.dma_semaphore, #tpu.memory_space<semaphore_mem>>) {add = true}
      %dma_wait3A_248 = arith.constant 0 : i32
      %dma_wait3A_249 = tpu.memref_slice %arg5[%add3A_141, %dma_wait3A_248] : memref<80x128xi32, #tpu.memory_space<vmem>> -> memref<1x128xi32, #tpu.memory_space<vmem>>
      %dma_wait3A_250 = tpu.memref_squeeze %dma_wait3A_249 : memref<1x128xi32, #tpu.memory_space<vmem>> -> memref<128xi32, #tpu.memory_space<vmem>>
      %dma_wait3A_251 = arith.constant 0 : i32
      %dma_wait3A_252 = arith.constant 0 : i32
      %dma_wait3A_253 = tpu.memref_slice %arg2[%dma_wait3A_251, %dma_wait3A_252] : memref<10240x64xf32, #tpu.memory_space<hbm>> -> memref<10240x64xf32, #tpu.memory_space<hbm>>
      tpu.wait_indirect_dma semaphore(%arg16 : memref<!tpu.dma_semaphore, #tpu.memory_space<semaphore_mem>>) src(%dma_wait3A_253 : memref<10240x64xf32, #tpu.memory_space<hbm>>) dst(%arg12 : memref<128x64xf32, #tpu.memory_space<vmem>>)
      %mul3A_254 = arith.constant 8 : i32
      %mul3A_255 = arith.muli %scan3A_85, %mul3A_254 : i32
      %add3A_256 = arith.constant 5 : i32
      %add3A_257 = arith.addi %mul3A_255, %add3A_256 : i32
      %dma_start3A_258 = arith.constant 0 : i32
      %dma_start3A_259 = tpu.memref_slice %arg6[%add3A_257, %dma_start3A_258] : memref<80x128xi32, #tpu.memory_space<vmem>> -> memref<1x128xi32, #tpu.memory_space<vmem>>
      %dma_start3A_260 = tpu.memref_squeeze %dma_start3A_259 : memref<1x128xi32, #tpu.memory_space<vmem>> -> memref<128xi32, #tpu.memory_space<vmem>>
      %dma_start3A_261 = arith.constant 0 : i32
      %dma_start3A_262 = arith.constant 0 : i32
      %dma_start3A_263 = tpu.memref_slice %arg15[%dma_start3A_261, %dma_start3A_262] : memref<10240x64xf32, #tpu.memory_space<vmem_shared>> -> memref<10240x64xf32, #tpu.memory_space<vmem_shared>>
      tpu.enqueue_indirect_dma source(%arg12 : memref<128x64xf32, #tpu.memory_space<vmem>>) target(%dma_start3A_263 : memref<10240x64xf32, #tpu.memory_space<vmem_shared>>) offsets(%dma_start3A_260 : memref<128xi32, #tpu.memory_space<vmem>>) semaphore(%arg17 : memref<!tpu.dma_semaphore, #tpu.memory_space<semaphore_mem>>) {add = true}
      %dma_wait3A_264 = arith.constant 0 : i32
      %dma_wait3A_265 = tpu.memref_slice %arg5[%add3A_151, %dma_wait3A_264] : memref<80x128xi32, #tpu.memory_space<vmem>> -> memref<1x128xi32, #tpu.memory_space<vmem>>
      %dma_wait3A_266 = tpu.memref_squeeze %dma_wait3A_265 : memref<1x128xi32, #tpu.memory_space<vmem>> -> memref<128xi32, #tpu.memory_space<vmem>>
      %dma_wait3A_267 = arith.constant 0 : i32
      %dma_wait3A_268 = arith.constant 0 : i32
      %dma_wait3A_269 = tpu.memref_slice %arg2[%dma_wait3A_267, %dma_wait3A_268] : memref<10240x64xf32, #tpu.memory_space<hbm>> -> memref<10240x64xf32, #tpu.memory_space<hbm>>
      tpu.wait_indirect_dma semaphore(%arg16 : memref<!tpu.dma_semaphore, #tpu.memory_space<semaphore_mem>>) src(%dma_wait3A_269 : memref<10240x64xf32, #tpu.memory_space<hbm>>) dst(%arg13 : memref<128x64xf32, #tpu.memory_space<vmem>>)
      %mul3A_270 = arith.constant 8 : i32
      %mul3A_271 = arith.muli %scan3A_85, %mul3A_270 : i32
      %add3A_272 = arith.constant 6 : i32
      %add3A_273 = arith.addi %mul3A_271, %add3A_272 : i32
      %dma_start3A_274 = arith.constant 0 : i32
      %dma_start3A_275 = tpu.memref_slice %arg6[%add3A_273, %dma_start3A_274] : memref<80x128xi32, #tpu.memory_space<vmem>> -> memref<1x128xi32, #tpu.memory_space<vmem>>
      %dma_start3A_276 = tpu.memref_squeeze %dma_start3A_275 : memref<1x128xi32, #tpu.memory_space<vmem>> -> memref<128xi32, #tpu.memory_space<vmem>>
      %dma_start3A_277 = arith.constant 0 : i32
      %dma_start3A_278 = arith.constant 0 : i32
      %dma_start3A_279 = tpu.memref_slice %arg15[%dma_start3A_277, %dma_start3A_278] : memref<10240x64xf32, #tpu.memory_space<vmem_shared>> -> memref<10240x64xf32, #tpu.memory_space<vmem_shared>>
      tpu.enqueue_indirect_dma source(%arg13 : memref<128x64xf32, #tpu.memory_space<vmem>>) target(%dma_start3A_279 : memref<10240x64xf32, #tpu.memory_space<vmem_shared>>) offsets(%dma_start3A_276 : memref<128xi32, #tpu.memory_space<vmem>>) semaphore(%arg17 : memref<!tpu.dma_semaphore, #tpu.memory_space<semaphore_mem>>) {add = true}
      %dma_wait3A_280 = arith.constant 0 : i32
      %dma_wait3A_281 = tpu.memref_slice %arg5[%add3A_161, %dma_wait3A_280] : memref<80x128xi32, #tpu.memory_space<vmem>> -> memref<1x128xi32, #tpu.memory_space<vmem>>
      %dma_wait3A_282 = tpu.memref_squeeze %dma_wait3A_281 : memref<1x128xi32, #tpu.memory_space<vmem>> -> memref<128xi32, #tpu.memory_space<vmem>>
      %dma_wait3A_283 = arith.constant 0 : i32
      %dma_wait3A_284 = arith.constant 0 : i32
      %dma_wait3A_285 = tpu.memref_slice %arg2[%dma_wait3A_283, %dma_wait3A_284] : memref<10240x64xf32, #tpu.memory_space<hbm>> -> memref<10240x64xf32, #tpu.memory_space<hbm>>
      tpu.wait_indirect_dma semaphore(%arg16 : memref<!tpu.dma_semaphore, #tpu.memory_space<semaphore_mem>>) src(%dma_wait3A_285 : memref<10240x64xf32, #tpu.memory_space<hbm>>) dst(%arg14 : memref<128x64xf32, #tpu.memory_space<vmem>>)
      %mul3A_286 = arith.constant 8 : i32
      %mul3A_287 = arith.muli %scan3A_85, %mul3A_286 : i32
      %add3A_288 = arith.constant 7 : i32
      %add3A_289 = arith.addi %mul3A_287, %add3A_288 : i32
      %dma_start3A_290 = arith.constant 0 : i32
      %dma_start3A_291 = tpu.memref_slice %arg6[%add3A_289, %dma_start3A_290] : memref<80x128xi32, #tpu.memory_space<vmem>> -> memref<1x128xi32, #tpu.memory_space<vmem>>
      %dma_start3A_292 = tpu.memref_squeeze %dma_start3A_291 : memref<1x128xi32, #tpu.memory_space<vmem>> -> memref<128xi32, #tpu.memory_space<vmem>>
      %dma_start3A_293 = arith.constant 0 : i32
      %dma_start3A_294 = arith.constant 0 : i32
      %dma_start3A_295 = tpu.memref_slice %arg15[%dma_start3A_293, %dma_start3A_294] : memref<10240x64xf32, #tpu.memory_space<vmem_shared>> -> memref<10240x64xf32, #tpu.memory_space<vmem_shared>>
      tpu.enqueue_indirect_dma source(%arg14 : memref<128x64xf32, #tpu.memory_space<vmem>>) target(%dma_start3A_295 : memref<10240x64xf32, #tpu.memory_space<vmem_shared>>) offsets(%dma_start3A_292 : memref<128xi32, #tpu.memory_space<vmem>>) semaphore(%arg17 : memref<!tpu.dma_semaphore, #tpu.memory_space<semaphore_mem>>) {add = true}
      %scan3A_296 = arith.constant 0 : i32
      scf.yield %scan3A_296 : i32
    }
    %scan3A_21 = arith.constant 10 : i32
    %dma_wait3A = arith.constant 0 : i32
    %dma_wait3A_22 = arith.constant 0 : i32
    %dma_wait3A_23 = tpu.memref_slice %arg5[%dma_wait3A, %dma_wait3A_22] : memref<80x128xi32, #tpu.memory_space<vmem>> -> memref<1x128xi32, #tpu.memory_space<vmem>>
    %dma_wait3A_24 = tpu.memref_squeeze %dma_wait3A_23 : memref<1x128xi32, #tpu.memory_space<vmem>> -> memref<128xi32, #tpu.memory_space<vmem>>
    %dma_wait3A_25 = arith.constant 0 : i32
    %dma_wait3A_26 = arith.constant 0 : i32
    %dma_wait3A_27 = tpu.memref_slice %arg2[%dma_wait3A_25, %dma_wait3A_26] : memref<10240x64xf32, #tpu.memory_space<hbm>> -> memref<10240x64xf32, #tpu.memory_space<hbm>>
    tpu.wait_indirect_dma semaphore(%arg17 : memref<!tpu.dma_semaphore, #tpu.memory_space<semaphore_mem>>) src(%dma_wait3A_27 : memref<10240x64xf32, #tpu.memory_space<hbm>>) dst(%arg7 : memref<128x64xf32, #tpu.memory_space<vmem>>)
    %dma_wait3A_28 = arith.constant 0 : i32
    %dma_wait3A_29 = arith.constant 0 : i32
    %dma_wait3A_30 = tpu.memref_slice %arg5[%dma_wait3A_28, %dma_wait3A_29] : memref<80x128xi32, #tpu.memory_space<vmem>> -> memref<1x128xi32, #tpu.memory_space<vmem>>
    %dma_wait3A_31 = tpu.memref_squeeze %dma_wait3A_30 : memref<1x128xi32, #tpu.memory_space<vmem>> -> memref<128xi32, #tpu.memory_space<vmem>>
    %dma_wait3A_32 = arith.constant 0 : i32
    %dma_wait3A_33 = arith.constant 0 : i32
    %dma_wait3A_34 = tpu.memref_slice %arg2[%dma_wait3A_32, %dma_wait3A_33] : memref<10240x64xf32, #tpu.memory_space<hbm>> -> memref<10240x64xf32, #tpu.memory_space<hbm>>
    tpu.wait_indirect_dma semaphore(%arg17 : memref<!tpu.dma_semaphore, #tpu.memory_space<semaphore_mem>>) src(%dma_wait3A_34 : memref<10240x64xf32, #tpu.memory_space<hbm>>) dst(%arg8 : memref<128x64xf32, #tpu.memory_space<vmem>>)
    %dma_wait3A_35 = arith.constant 0 : i32
    %dma_wait3A_36 = arith.constant 0 : i32
    %dma_wait3A_37 = tpu.memref_slice %arg5[%dma_wait3A_35, %dma_wait3A_36] : memref<80x128xi32, #tpu.memory_space<vmem>> -> memref<1x128xi32, #tpu.memory_space<vmem>>
    %dma_wait3A_38 = tpu.memref_squeeze %dma_wait3A_37 : memref<1x128xi32, #tpu.memory_space<vmem>> -> memref<128xi32, #tpu.memory_space<vmem>>
    %dma_wait3A_39 = arith.constant 0 : i32
    %dma_wait3A_40 = arith.constant 0 : i32
    %dma_wait3A_41 = tpu.memref_slice %arg2[%dma_wait3A_39, %dma_wait3A_40] : memref<10240x64xf32, #tpu.memory_space<hbm>> -> memref<10240x64xf32, #tpu.memory_space<hbm>>
    tpu.wait_indirect_dma semaphore(%arg17 : memref<!tpu.dma_semaphore, #tpu.memory_space<semaphore_mem>>) src(%dma_wait3A_41 : memref<10240x64xf32, #tpu.memory_space<hbm>>) dst(%arg9 : memref<128x64xf32, #tpu.memory_space<vmem>>)
    %dma_wait3A_42 = arith.constant 0 : i32
    %dma_wait3A_43 = arith.constant 0 : i32
    %dma_wait3A_44 = tpu.memref_slice %arg5[%dma_wait3A_42, %dma_wait3A_43] : memref<80x128xi32, #tpu.memory_space<vmem>> -> memref<1x128xi32, #tpu.memory_space<vmem>>
    %dma_wait3A_45 = tpu.memref_squeeze %dma_wait3A_44 : memref<1x128xi32, #tpu.memory_space<vmem>> -> memref<128xi32, #tpu.memory_space<vmem>>
    %dma_wait3A_46 = arith.constant 0 : i32
    %dma_wait3A_47 = arith.constant 0 : i32
    %dma_wait3A_48 = tpu.memref_slice %arg2[%dma_wait3A_46, %dma_wait3A_47] : memref<10240x64xf32, #tpu.memory_space<hbm>> -> memref<10240x64xf32, #tpu.memory_space<hbm>>
    tpu.wait_indirect_dma semaphore(%arg17 : memref<!tpu.dma_semaphore, #tpu.memory_space<semaphore_mem>>) src(%dma_wait3A_48 : memref<10240x64xf32, #tpu.memory_space<hbm>>) dst(%arg10 : memref<128x64xf32, #tpu.memory_space<vmem>>)
    %dma_wait3A_49 = arith.constant 0 : i32
    %dma_wait3A_50 = arith.constant 0 : i32
    %dma_wait3A_51 = tpu.memref_slice %arg5[%dma_wait3A_49, %dma_wait3A_50] : memref<80x128xi32, #tpu.memory_space<vmem>> -> memref<1x128xi32, #tpu.memory_space<vmem>>
    %dma_wait3A_52 = tpu.memref_squeeze %dma_wait3A_51 : memref<1x128xi32, #tpu.memory_space<vmem>> -> memref<128xi32, #tpu.memory_space<vmem>>
    %dma_wait3A_53 = arith.constant 0 : i32
    %dma_wait3A_54 = arith.constant 0 : i32
    %dma_wait3A_55 = tpu.memref_slice %arg2[%dma_wait3A_53, %dma_wait3A_54] : memref<10240x64xf32, #tpu.memory_space<hbm>> -> memref<10240x64xf32, #tpu.memory_space<hbm>>
    tpu.wait_indirect_dma semaphore(%arg17 : memref<!tpu.dma_semaphore, #tpu.memory_space<semaphore_mem>>) src(%dma_wait3A_55 : memref<10240x64xf32, #tpu.memory_space<hbm>>) dst(%arg11 : memref<128x64xf32, #tpu.memory_space<vmem>>)
    %dma_wait3A_56 = arith.constant 0 : i32
    %dma_wait3A_57 = arith.constant 0 : i32
    %dma_wait3A_58 = tpu.memref_slice %arg5[%dma_wait3A_56, %dma_wait3A_57] : memref<80x128xi32, #tpu.memory_space<vmem>> -> memref<1x128xi32, #tpu.memory_space<vmem>>
    %dma_wait3A_59 = tpu.memref_squeeze %dma_wait3A_58 : memref<1x128xi32, #tpu.memory_space<vmem>> -> memref<128xi32, #tpu.memory_space<vmem>>
    %dma_wait3A_60 = arith.constant 0 : i32
    %dma_wait3A_61 = arith.constant 0 : i32
    %dma_wait3A_62 = tpu.memref_slice %arg2[%dma_wait3A_60, %dma_wait3A_61] : memref<10240x64xf32, #tpu.memory_space<hbm>> -> memref<10240x64xf32, #tpu.memory_space<hbm>>
    tpu.wait_indirect_dma semaphore(%arg17 : memref<!tpu.dma_semaphore, #tpu.memory_space<semaphore_mem>>) src(%dma_wait3A_62 : memref<10240x64xf32, #tpu.memory_space<hbm>>) dst(%arg12 : memref<128x64xf32, #tpu.memory_space<vmem>>)
    %dma_wait3A_63 = arith.constant 0 : i32
    %dma_wait3A_64 = arith.constant 0 : i32
    %dma_wait3A_65 = tpu.memref_slice %arg5[%dma_wait3A_63, %dma_wait3A_64] : memref<80x128xi32, #tpu.memory_space<vmem>> -> memref<1x128xi32, #tpu.memory_space<vmem>>
    %dma_wait3A_66 = tpu.memref_squeeze %dma_wait3A_65 : memref<1x128xi32, #tpu.memory_space<vmem>> -> memref<128xi32, #tpu.memory_space<vmem>>
    %dma_wait3A_67 = arith.constant 0 : i32
    %dma_wait3A_68 = arith.constant 0 : i32
    %dma_wait3A_69 = tpu.memref_slice %arg2[%dma_wait3A_67, %dma_wait3A_68] : memref<10240x64xf32, #tpu.memory_space<hbm>> -> memref<10240x64xf32, #tpu.memory_space<hbm>>
    tpu.wait_indirect_dma semaphore(%arg17 : memref<!tpu.dma_semaphore, #tpu.memory_space<semaphore_mem>>) src(%dma_wait3A_69 : memref<10240x64xf32, #tpu.memory_space<hbm>>) dst(%arg13 : memref<128x64xf32, #tpu.memory_space<vmem>>)
    %dma_wait3A_70 = arith.constant 0 : i32
    %dma_wait3A_71 = arith.constant 0 : i32
    %dma_wait3A_72 = tpu.memref_slice %arg5[%dma_wait3A_70, %dma_wait3A_71] : memref<80x128xi32, #tpu.memory_space<vmem>> -> memref<1x128xi32, #tpu.memory_space<vmem>>
    %dma_wait3A_73 = tpu.memref_squeeze %dma_wait3A_72 : memref<1x128xi32, #tpu.memory_space<vmem>> -> memref<128xi32, #tpu.memory_space<vmem>>
    %dma_wait3A_74 = arith.constant 0 : i32
    %dma_wait3A_75 = arith.constant 0 : i32
    %dma_wait3A_76 = tpu.memref_slice %arg2[%dma_wait3A_74, %dma_wait3A_75] : memref<10240x64xf32, #tpu.memory_space<hbm>> -> memref<10240x64xf32, #tpu.memory_space<hbm>>
    tpu.wait_indirect_dma semaphore(%arg17 : memref<!tpu.dma_semaphore, #tpu.memory_space<semaphore_mem>>) src(%dma_wait3A_76 : memref<10240x64xf32, #tpu.memory_space<hbm>>) dst(%arg14 : memref<128x64xf32, #tpu.memory_space<vmem>>)
    %barrier3A_77 = arith.constant 0 : index
    tpu.barrier barrier_id(%barrier3A_77)
    %mul3A_78 = arith.constant 640 : i32
    %mul3A_79 = arith.muli %arg1, %mul3A_78 : i32
    %mul3A_80 = arith.constant 10240 : i32
    %mul3A_81 = arith.muli %arg0, %mul3A_80 : i32
    %mul3A_82 = arith.constant 640 : i32
    %mul3A_83 = arith.muli %arg1, %mul3A_82 : i32
    %add3A_84 = arith.addi %mul3A_81, %mul3A_83 : i32
    "tpu.region"() ({
      %run_scoped3A_85 = tpu.sem_alloc : memref<!tpu.dma_semaphore, #tpu.memory_space<semaphore_mem>>
      %dma_start3A = arith.constant 0 : i32
      %dma_start3A_86 = tpu.memref_slice %arg4[%add3A_84, %dma_start3A] : memref<20480x64xf32, #tpu.memory_space<hbm>> -> memref<640x64xf32, #tpu.memory_space<hbm>>
      %dma_start3A_87 = arith.constant 0 : i32
      %dma_start3A_88 = tpu.memref_slice %arg15[%mul3A_79, %dma_start3A_87] : memref<10240x64xf32, #tpu.memory_space<vmem_shared>> -> memref<640x64xf32, #tpu.memory_space<vmem_shared>>
      tpu.enqueue_dma source(%dma_start3A_88 : memref<640x64xf32, #tpu.memory_space<vmem_shared>>) target(%dma_start3A_86 : memref<640x64xf32, #tpu.memory_space<hbm>>) target_semaphore(%run_scoped3A_85 : memref<!tpu.dma_semaphore, #tpu.memory_space<semaphore_mem>>)
      %dma_wait3A_89 = arith.constant 0 : i32
      %dma_wait3A_90 = tpu.memref_slice %arg4[%add3A_84, %dma_wait3A_89] : memref<20480x64xf32, #tpu.memory_space<hbm>> -> memref<640x64xf32, #tpu.memory_space<hbm>>
      %dma_wait3A_91 = arith.constant 0 : i32
      %dma_wait3A_92 = tpu.memref_slice %arg15[%mul3A_79, %dma_wait3A_91] : memref<10240x64xf32, #tpu.memory_space<vmem_shared>> -> memref<640x64xf32, #tpu.memory_space<vmem_shared>>
      tpu.wait_dma2 semaphore(%run_scoped3A_85 : memref<!tpu.dma_semaphore, #tpu.memory_space<semaphore_mem>>) src(%dma_wait3A_92 : memref<640x64xf32, #tpu.memory_space<vmem_shared>>) dst(%dma_wait3A_90 : memref<640x64xf32, #tpu.memory_space<hbm>>)
      tpu.yield
    }) : () -> ()
    return
  }
}

module attributes {stable_mosaic.version = 14 : i64} {
  func.func @_mm1_body(%arg0: i32, %arg1: memref<640x256xf32, #tpu.memory_space<vmem>>, %arg2: memref<256x128xf32, #tpu.memory_space<vmem>>, %arg3: memref<640x128xf32, #tpu.memory_space<vmem>>, %arg4: memref<640x128xf32, #tpu.memory_space<vmem>>, %arg5: memref<640x128xf32, #tpu.memory_space<vmem>>, %arg6: memref<640x128xf32, #tpu.memory_space<vmem>>, %arg7: memref<640x128xf32, #tpu.memory_space<vmem>>) attributes {dimension_semantics = [#tpu.dimension_semantics<arbitrary>], iteration_bounds = array<i64: 8>, scalar_prefetch = 0 : i64, scratch_operands = 0 : i64, tpu.core_type = #tpu.core_type<tc>, window_params = [{transform_indices = @transform_0, window_bounds = array<i64: 640, 256>}, {pipeline_mode = #tpu.pipeline_mode<synchronous>, transform_indices = @transform_1, window_bounds = array<i64: 256, 128>}, {transform_indices = @transform_2, window_bounds = array<i64: 640, 128>}, {transform_indices = @transform_3, window_bounds = array<i64: 640, 128>}, {transform_indices = @transform_4, window_bounds = array<i64: 640, 128>}, {transform_indices = @transform_5, window_bounds = array<i64: 640, 128>}, {transform_indices = @transform_6, window_bounds = array<i64: 640, 128>}]} {
    %get3A = arith.constant 0 : index
    %get3A_0 = arith.constant 0 : index
    %get3A_1 = vector.load %arg3[%get3A, %get3A_0] : memref<640x128xf32, #tpu.memory_space<vmem>>, vector<640x128xf32>
    %get3A_2 = arith.constant 0 : index
    %get3A_3 = arith.constant 0 : index
    %get3A_4 = vector.load %arg4[%get3A_2, %get3A_3] : memref<640x128xf32, #tpu.memory_space<vmem>>, vector<640x128xf32>
    %add3A = arith.addf %get3A_1, %get3A_4 : vector<640x128xf32>
    %add3A_5 = arith.constant 1.000000e+00 : f32
    %add3A_6 = vector.broadcast %add3A_5 : f32 to vector<640x128xf32>
    %add3A_7 = arith.addf %add3A, %add3A_6 : vector<640x128xf32>
    %rsqrt3A = math.rsqrt %add3A_7 : vector<640x128xf32>
    %get3A_8 = arith.constant 0 : index
    %get3A_9 = arith.constant 0 : index
    %get3A_10 = vector.load %arg1[%get3A_8, %get3A_9] : memref<640x256xf32, #tpu.memory_space<vmem>>, vector<640x256xf32>
    %get3A_11 = arith.constant 0 : index
    %get3A_12 = arith.constant 0 : index
    %get3A_13 = vector.load %arg2[%get3A_11, %get3A_12] : memref<256x128xf32, #tpu.memory_space<vmem>>, vector<256x128xf32>
    %dot_general3A = arith.constant dense<0.000000e+00> : vector<640x128xf32>
    %dot_general3A_14 = tpu.matmul %get3A_10, %get3A_13, %dot_general3A {dimension_numbers = #tpu.dot_dimension_numbers<[1], [0], [0], [1], [0, 0, 1, 1], [], []>, transpose_lhs_hint = false} : vector<640x256xf32>, vector<256x128xf32>, vector<640x128xf32> -> vector<640x128xf32>
    %swap3A = arith.constant 0 : index
    %swap3A_15 = arith.constant 0 : index
    %swap3A_16 = vector.load %arg5[%swap3A, %swap3A_15] : memref<640x128xf32, #tpu.memory_space<vmem>>, vector<640x128xf32>
    tpu.vector_store %arg5[%swap3A, %swap3A_15], %dot_general3A_14 {strides = array<i32>} : memref<640x128xf32, #tpu.memory_space<vmem>>, vector<640x128xf32>,
    %mul3A = arith.mulf %dot_general3A_14, %rsqrt3A : vector<640x128xf32>
    %swap3A_17 = arith.constant 0 : index
    %swap3A_18 = arith.constant 0 : index
    %swap3A_19 = vector.load %arg6[%swap3A_17, %swap3A_18] : memref<640x128xf32, #tpu.memory_space<vmem>>, vector<640x128xf32>
    tpu.vector_store %arg6[%swap3A_17, %swap3A_18], %mul3A {strides = array<i32>} : memref<640x128xf32, #tpu.memory_space<vmem>>, vector<640x128xf32>,
    %swap3A_20 = arith.constant 0 : index
    %swap3A_21 = arith.constant 0 : index
    %swap3A_22 = vector.load %arg7[%swap3A_20, %swap3A_21] : memref<640x128xf32, #tpu.memory_space<vmem>>, vector<640x128xf32>
    tpu.vector_store %arg7[%swap3A_20, %swap3A_21], %rsqrt3A {strides = array<i32>} : memref<640x128xf32, #tpu.memory_space<vmem>>, vector<640x128xf32>,
    return
  }
  func.func @transform_0(%arg0: i32) -> (i32, i32) {
    %c0_i32 = arith.constant 0 : i32
    %c0_i32_0 = arith.constant 0 : i32
    return %arg0, %c0_i32 : i32, i32
  }
  func.func @transform_1(%arg0: i32) -> (i32, i32) {
    %c0_i32 = arith.constant 0 : i32
    %c0_i32_0 = arith.constant 0 : i32
    %c0_i32_1 = arith.constant 0 : i32
    return %c0_i32, %c0_i32_0 : i32, i32
  }
  func.func @transform_2(%arg0: i32) -> (i32, i32) {
    %c0_i32 = arith.constant 0 : i32
    %c0_i32_0 = arith.constant 0 : i32
    return %arg0, %c0_i32 : i32, i32
  }
  func.func @transform_3(%arg0: i32) -> (i32, i32) {
    %add3A = arith.constant 8 : i32
    %add3A_0 = arith.addi %arg0, %add3A : i32
    %c0_i32 = arith.constant 0 : i32
    %c0_i32_1 = arith.constant 0 : i32
    return %add3A_0, %c0_i32 : i32, i32
  }
  func.func @transform_4(%arg0: i32) -> (i32, i32) {
    %c0_i32 = arith.constant 0 : i32
    %c0_i32_0 = arith.constant 0 : i32
    return %arg0, %c0_i32 : i32, i32
  }
  func.func @transform_5(%arg0: i32) -> (i32, i32) {
    %c0_i32 = arith.constant 0 : i32
    %c0_i32_0 = arith.constant 0 : i32
    return %arg0, %c0_i32 : i32, i32
  }
  func.func @transform_6(%arg0: i32) -> (i32, i32) {
    %c0_i32 = arith.constant 0 : i32
    %c0_i32_0 = arith.constant 0 : i32
    return %arg0, %c0_i32 : i32, i32
  }
}

module attributes {stable_mosaic.version = 14 : i64} {
  func.func @_mm2_body(%arg0: i32, %arg1: memref<640x128xf32, #tpu.memory_space<vmem>>, %arg2: memref<640x128xf32, #tpu.memory_space<vmem>>, %arg3: memref<640x128xf32, #tpu.memory_space<vmem>>, %arg4: memref<640x128xf32, #tpu.memory_space<vmem>>, %arg5: memref<1x128xf32, #tpu.memory_space<vmem>>, %arg6: memref<128x128xf32, #tpu.memory_space<vmem>>, %arg7: memref<640x128xf32, #tpu.memory_space<vmem>>, %arg8: memref<640x128xf32, #tpu.memory_space<vmem>>) attributes {dimension_semantics = [#tpu.dimension_semantics<arbitrary>], iteration_bounds = array<i64: 8>, scalar_prefetch = 0 : i64, scratch_operands = 0 : i64, tpu.core_type = #tpu.core_type<tc>, window_params = [{transform_indices = @transform_0, window_bounds = array<i64: 640, 128>}, {transform_indices = @transform_1, window_bounds = array<i64: 640, 128>}, {transform_indices = @transform_2, window_bounds = array<i64: 640, 128>}, {transform_indices = @transform_3, window_bounds = array<i64: 640, 128>}, {pipeline_mode = #tpu.pipeline_mode<synchronous>, transform_indices = @transform_4, window_bounds = array<i64: 1, 128>}, {pipeline_mode = #tpu.pipeline_mode<synchronous>, transform_indices = @transform_5, window_bounds = array<i64: 128, 128>}, {transform_indices = @transform_6, window_bounds = array<i64: 640, 128>}, {transform_indices = @transform_7, window_bounds = array<i64: 640, 128>}]} {
    %get3A = arith.constant 0 : index
    %get3A_0 = arith.constant 0 : index
    %get3A_1 = vector.load %arg4[%get3A, %get3A_0] : memref<640x128xf32, #tpu.memory_space<vmem>>, vector<640x128xf32>
    %get3A_2 = arith.constant 0 : index
    %get3A_3 = arith.constant 0 : index
    %get3A_4 = vector.load %arg1[%get3A_2, %get3A_3] : memref<640x128xf32, #tpu.memory_space<vmem>>, vector<640x128xf32>
    %get3A_5 = arith.constant 0 : index
    %get3A_6 = arith.constant 0 : index
    %get3A_7 = vector.load %arg2[%get3A_5, %get3A_6] : memref<640x128xf32, #tpu.memory_space<vmem>>, vector<640x128xf32>
    %add3A = arith.addf %get3A_4, %get3A_7 : vector<640x128xf32>
    %mul3A = arith.mulf %get3A_1, %add3A : vector<640x128xf32>
    %mul3A_8 = arith.mulf %get3A_1, %get3A_1 : vector<640x128xf32>
    %get3A_9 = arith.constant 0 : index
    %get3A_10 = arith.constant 0 : index
    %get3A_11 = vector.load %arg3[%get3A_9, %get3A_10] : memref<640x128xf32, #tpu.memory_space<vmem>>, vector<640x128xf32>
    %mul3A_12 = arith.mulf %mul3A_8, %get3A_11 : vector<640x128xf32>
    %add3A_13 = arith.addf %mul3A, %mul3A_12 : vector<640x128xf32>
    %get3A_14 = arith.constant 0 : index
    %get3A_15 = arith.constant 0 : index
    %get3A_16 = vector.load %arg5[%get3A_14, %get3A_15] : memref<1x128xf32, #tpu.memory_space<vmem>>, vector<1x128xf32>
    %add3A_17 = vector.broadcast %get3A_16 : vector<1x128xf32> to vector<640x128xf32>
    %add3A_18 = arith.addf %add3A_13, %add3A_17 : vector<640x128xf32>
    %max3A = arith.constant 0.000000e+00 : f32
    %max3A_19 = vector.broadcast %max3A : f32 to vector<640x128xf32>
    %max3A_20 = arith.maximumf %add3A_18, %max3A_19 : vector<640x128xf32>
    %get3A_21 = arith.constant 0 : index
    %get3A_22 = arith.constant 0 : index
    %get3A_23 = vector.load %arg6[%get3A_21, %get3A_22] : memref<128x128xf32, #tpu.memory_space<vmem>>, vector<128x128xf32>
    %dot_general3A = arith.constant dense<0.000000e+00> : vector<640x128xf32>
    %dot_general3A_24 = tpu.matmul %max3A_20, %get3A_23, %dot_general3A {dimension_numbers = #tpu.dot_dimension_numbers<[1], [0], [0], [1], [0, 0, 1, 1], [], []>, transpose_lhs_hint = false} : vector<640x128xf32>, vector<128x128xf32>, vector<640x128xf32> -> vector<640x128xf32>
    %swap3A = arith.constant 0 : index
    %swap3A_25 = arith.constant 0 : index
    %swap3A_26 = vector.load %arg7[%swap3A, %swap3A_25] : memref<640x128xf32, #tpu.memory_space<vmem>>, vector<640x128xf32>
    tpu.vector_store %arg7[%swap3A, %swap3A_25], %dot_general3A_24 {strides = array<i32>} : memref<640x128xf32, #tpu.memory_space<vmem>>, vector<640x128xf32>,
    %mul3A_27 = arith.mulf %dot_general3A_24, %get3A_1 : vector<640x128xf32>
    %swap3A_28 = arith.constant 0 : index
    %swap3A_29 = arith.constant 0 : index
    %swap3A_30 = vector.load %arg8[%swap3A_28, %swap3A_29] : memref<640x128xf32, #tpu.memory_space<vmem>>, vector<640x128xf32>
    tpu.vector_store %arg8[%swap3A_28, %swap3A_29], %mul3A_27 {strides = array<i32>} : memref<640x128xf32, #tpu.memory_space<vmem>>, vector<640x128xf32>,
    return
  }
  func.func @transform_0(%arg0: i32) -> (i32, i32) {
    %c0_i32 = arith.constant 0 : i32
    %c0_i32_0 = arith.constant 0 : i32
    return %arg0, %c0_i32 : i32, i32
  }
  func.func @transform_1(%arg0: i32) -> (i32, i32) {
    %add3A = arith.constant 8 : i32
    %add3A_0 = arith.addi %arg0, %add3A : i32
    %c0_i32 = arith.constant 0 : i32
    %c0_i32_1 = arith.constant 0 : i32
    return %add3A_0, %c0_i32 : i32, i32
  }
  func.func @transform_2(%arg0: i32) -> (i32, i32) {
    %c0_i32 = arith.constant 0 : i32
    %c0_i32_0 = arith.constant 0 : i32
    return %arg0, %c0_i32 : i32, i32
  }
  func.func @transform_3(%arg0: i32) -> (i32, i32) {
    %c0_i32 = arith.constant 0 : i32
    %c0_i32_0 = arith.constant 0 : i32
    return %arg0, %c0_i32 : i32, i32
  }
  func.func @transform_4(%arg0: i32) -> (i32, i32) {
    %c0_i32 = arith.constant 0 : i32
    %c0_i32_0 = arith.constant 0 : i32
    %c0_i32_1 = arith.constant 0 : i32
    return %c0_i32, %c0_i32_0 : i32, i32
  }
  func.func @transform_5(%arg0: i32) -> (i32, i32) {
    %c0_i32 = arith.constant 0 : i32
    %c0_i32_0 = arith.constant 0 : i32
    %c0_i32_1 = arith.constant 0 : i32
    return %c0_i32, %c0_i32_0 : i32, i32
  }
  func.func @transform_6(%arg0: i32) -> (i32, i32) {
    %c0_i32 = arith.constant 0 : i32
    %c0_i32_0 = arith.constant 0 : i32
    return %arg0, %c0_i32 : i32, i32
  }
  func.func @transform_7(%arg0: i32) -> (i32, i32) {
    %c0_i32 = arith.constant 0 : i32
    %c0_i32_0 = arith.constant 0 : i32
    return %arg0, %c0_i32 : i32, i32
  }
}

module attributes {stable_mosaic.version = 14 : i64} {
  func.func @_fin_body(%arg0: i32, %arg1: memref<2x1000x128xf32, #tpu.memory_space<vmem>>, %arg2: memref<1000x128xf32, #tpu.memory_space<vmem>>, %arg3: memref<1000x128xf32, #tpu.memory_space<vmem>>, %arg4: memref<1x128xf32, #tpu.memory_space<vmem>>, %arg5: memref<1000x128xf32, #tpu.memory_space<vmem>>) attributes {dimension_semantics = [#tpu.dimension_semantics<arbitrary>], iteration_bounds = array<i64: 5>, scalar_prefetch = 0 : i64, scratch_operands = 0 : i64, tpu.core_type = #tpu.core_type<tc>, window_params = [{transform_indices = @transform_0, window_bounds = array<i64: 2, 1000, 128>}, {transform_indices = @transform_1, window_bounds = array<i64: 1000, 128>}, {transform_indices = @transform_2, window_bounds = array<i64: 1000, 128>}, {pipeline_mode = #tpu.pipeline_mode<synchronous>, transform_indices = @transform_3, window_bounds = array<i64: 1, 128>}, {transform_indices = @transform_4, window_bounds = array<i64: 1000, 128>}]} {
    %get3A = arith.constant 0 : index
    %get3A_0 = arith.constant 0 : index
    %get3A_1 = vector.load %arg3[%get3A, %get3A_0] : memref<1000x128xf32, #tpu.memory_space<vmem>>, vector<1000x128xf32>
    %get3A_2 = arith.constant 0 : index
    %get3A_3 = arith.constant 0 : index
    %get3A_4 = arith.constant 0 : index
    %get3A_5 = vector.load %arg1[%get3A_2, %get3A_3, %get3A_4] : memref<2x1000x128xf32, #tpu.memory_space<vmem>>, vector<1x1000x128xf32>
    %get3A_6 = vector.shape_cast %get3A_5 : vector<1x1000x128xf32> to vector<1000x128xf32>
    %get3A_7 = arith.constant 1 : index
    %get3A_8 = arith.constant 0 : index
    %get3A_9 = arith.constant 0 : index
    %get3A_10 = vector.load %arg1[%get3A_7, %get3A_8, %get3A_9] : memref<2x1000x128xf32, #tpu.memory_space<vmem>>, vector<1x1000x128xf32>
    %get3A_11 = vector.shape_cast %get3A_10 : vector<1x1000x128xf32> to vector<1000x128xf32>
    %add3A = arith.addf %get3A_6, %get3A_11 : vector<1000x128xf32>
    %mul3A = arith.mulf %get3A_1, %add3A : vector<1000x128xf32>
    %mul3A_12 = arith.mulf %get3A_1, %get3A_1 : vector<1000x128xf32>
    %get3A_13 = arith.constant 0 : index
    %get3A_14 = arith.constant 0 : index
    %get3A_15 = vector.load %arg2[%get3A_13, %get3A_14] : memref<1000x128xf32, #tpu.memory_space<vmem>>, vector<1000x128xf32>
    %mul3A_16 = arith.mulf %mul3A_12, %get3A_15 : vector<1000x128xf32>
    %add3A_17 = arith.addf %mul3A, %mul3A_16 : vector<1000x128xf32>
    %get3A_18 = arith.constant 0 : index
    %get3A_19 = arith.constant 0 : index
    %get3A_20 = vector.load %arg4[%get3A_18, %get3A_19] : memref<1x128xf32, #tpu.memory_space<vmem>>, vector<1x128xf32>
    %add3A_21 = vector.broadcast %get3A_20 : vector<1x128xf32> to vector<1000x128xf32>
    %add3A_22 = arith.addf %add3A_17, %add3A_21 : vector<1000x128xf32>
    %swap3A = arith.constant 0 : index
    %swap3A_23 = arith.constant 0 : index
    %swap3A_24 = vector.load %arg5[%swap3A, %swap3A_23] : memref<1000x128xf32, #tpu.memory_space<vmem>>, vector<1000x128xf32>
    tpu.vector_store %arg5[%swap3A, %swap3A_23], %add3A_22 {strides = array<i32>} : memref<1000x128xf32, #tpu.memory_space<vmem>>, vector<1000x128xf32>,
    return
  }
  func.func @transform_0(%arg0: i32) -> (i32, i32, i32) {
    %c0_i32 = arith.constant 0 : i32
    %c0_i32_0 = arith.constant 0 : i32
    %c0_i32_1 = arith.constant 0 : i32
    return %c0_i32, %arg0, %c0_i32_0 : i32, i32, i32
  }
  func.func @transform_1(%arg0: i32) -> (i32, i32) {
    %c0_i32 = arith.constant 0 : i32
    %c0_i32_0 = arith.constant 0 : i32
    return %arg0, %c0_i32 : i32, i32
  }
  func.func @transform_2(%arg0: i32) -> (i32, i32) {
    %c0_i32 = arith.constant 0 : i32
    %c0_i32_0 = arith.constant 0 : i32
    return %arg0, %c0_i32 : i32, i32
  }
  func.func @transform_3(%arg0: i32) -> (i32, i32) {
    %c0_i32 = arith.constant 0 : i32
    %c0_i32_0 = arith.constant 0 : i32
    %c0_i32_1 = arith.constant 0 : i32
    return %c0_i32, %c0_i32_0 : i32, i32
  }
  func.func @transform_4(%arg0: i32) -> (i32, i32) {
    %c0_i32 = arith.constant 0 : i32
    %c0_i32_0 = arith.constant 0 : i32
    return %arg0, %c0_i32 : i32, i32
  }
}

</mosaic_0001>

<sc_bundles>
// kernel: kernel.11.cloned.1.call-start
scs
__scs_entry_jumppad:
0x0: {  	(pc) =	sbr.rel $0x88, $3  }
0x1: {  	(tag) =	ssettag $0x0;
	lr =	simm.s32 $0x1  }
0x2: {  	[smem:$0x3F9B] =	sst lr;
	_ =	strace $0xD0000000  }
0x3: {  	_ = 	snop  }
0x4: {  	_ = 	snop  }
0x5: {  	_ = 	snop  }
0x6: {  	_ = 	snop  }
0x7: {  	_ = 	snop  }
__scs_overlays_trampoline_lowered:
0x8: {  	[smem:$0x3FAA] =	sst s0  }
0x9: {  	[smem:$0x3FAB] =	sst s1  }
0xa: {  	[smem:$0x3FAC] =	sst s2  }
0xb: {  	[smem:$0x3FAD] =	sst s3  }
0xc: {  	[smem:$0x3FAE] =	sst s4  }
0xd: {  	[smem:$0x3FAF] =	sst s5  }
0xe: {  	[smem:$0x3FB0] =	sst s6  }
0xf: {  	[smem:$0x3FB1] =	sst s7  }
0x10: {  	[smem:$0x3FB2] =	sst s8  }
0x11: {  	[smem:$0x3FB3] =	sst s9;
	s0 =	simm.s32 @!p0 $0x0  }
0x12: {  	s1 =	sld [smem:$0x3F99];
	s0 =	simm.s32 @p0 $0x1  }
0x13: {  	[smem:$0x3FB4] =	sst s0;
	s0 =	simm.s32 @!p1 $0x0  }
0x14: {  	s2 =	sld [smem:$0x3F98];
	s0 =	simm.s32 @p1 $0x1  }
0x15: {  	[smem:$0x3FB5] =	sst s0;
	s0 =	simm.s32 @!p2 $0x0  }
0x16: {  	s3 =	sld [smem:$0x3FDB];
	s0 =	simm.s32 @p2 $0x1  }
0x17: {  	s4 =	simm.s32 $0x1BF5;
	[smem:$0x3FB7] =	sst s0  }
0x18: {  	s0 =	sld [smem:$0x3F9A];
	_ =	swait.ge [sflag:s4], $0x0  }
0x19: {  	s7 =	sld [smem:$0x3F9B]  }
0x1a: {  	s8 =	sadd.s32 $0xFFFFE003, lr  }
0x1b: {  	s9 =	sadd.s32 $0xFFFFFEF7, lr;
	s5 =	simm.s32 $0xFFFFFFFF;
	p2 =	slt.u32 s8, $0xFFFFF086  }
0x1c: {  	p1 =	slt.u32 s9, $0xF7A;
	s5 =	simm.s32 @!p2 $0x0  }
0x1d: {  	s5 =	simm.s32 @p1 $0x1;
	p0 =	seq.s32 s7, s2  }
0x1e: {  	s7 =	smul.u32 @!p0 $0xF7A, s2;
	p2 =	seq.s32 @!p0 s5, $0x0  }
0x1f: {  	s9 =	smul.u32 $0xF7A, s1;
	s8 =	simm.s32 @!p0 $0x1BF5;
	p2 =	por !p2, p0  }
0x20: {  	[sflag:s8] =	ssyncset.s32 @!p0 $0xFFFFF086;
	s6 =	sadd.s32 @!p0 s3, s7;
	s7 =	simm.s32 @!p0 $0x108  }
0x21: {  	s3 =	sadd.s32 s3, s9;
	s6 =	sadd.s32 @!p0 $0x88, s6;
	s7 =	simm.s32 @p2 $0x1082  }
0x22: {  	[simem:s7], [sflag:s8] =	dma.local @!p0 [hbm:s6], $0xF7A  }
0x23: {  	s9 =	sor.u32 $0xD0000000, s2;
	s6 =	simm.s32 $0x108;
	_ =	swait.ge @!p0 [sflag:s8], $0x0  }
0x24: {  	s3 =	sadd.s32 $0x88, s3;
	s6 =	simm.s32 @!p1 $0x1082;
	[sflag:s4] =	ssyncset.s32 $0xFFFFF086  }
0x25: {  	[simem:s6], [sflag:s4] =	dma.local [hbm:s3], $0xF7A  }
0x26: {  	[smem:$0x3F9B] =	sst s1;
	(tag) =	ssettag s2;
	_ =	strace s9  }
0x27: {  	s1 =	sld [smem:$0x3FAB]  }
0x28: {  	s2 =	sld [smem:$0x3FAC]  }
0x29: {  	s4 =	sld [smem:$0x3FAE]  }
0x2a: {  	p0 =	seq.s32 s5, $0x0;
	s5 =	sld [smem:$0x3FAF]  }
0x2b: {  	s6 =	sld [smem:$0x3FB0]  }
0x2c: {  	s7 =	sld [smem:$0x3FB1]  }
0x2d: {  	s3 =	simm.s32 $0x108;
	s8 =	sld [smem:$0x3FB2]  }
0x2e: {  	s3 =	simm.s32 @!p0 $0x1082;
	s9 =	sld [smem:$0x3FB3]  }
0x2f: {  	lr =	sadd.s32 s0, s3;
	s0 =	sld [smem:$0x3FAA]  }
0x30: {  	s3 =	sld [smem:$0x3FAD]  }
0x31: {  	[smem:$0x3FB6] =	sst s10  }
0x32: {  	s10 =	sld [smem:$0x3FB4];
	_ =	sdelay $0x3  }
0x33: {  	p0 =	seq.s32 s10, $0x1;
	s10 =	sld [smem:$0x3FB6];
	_ =	sdelay $0x3  }
0x34: {  	[smem:$0x3FB6] =	sst s10  }
0x35: {  	s10 =	sld [smem:$0x3FB5];
	_ =	sdelay $0x3  }
0x36: {  	p1 =	seq.s32 s10, $0x1;
	s10 =	sld [smem:$0x3FB6];
	_ =	sdelay $0x3  }
0x37: {  	[smem:$0x3FB6] =	sst s10  }
0x38: {  	s10 =	sld [smem:$0x3FB7]  }
0x39: {  	_ = 	snop;
	(pc) =	sbr.ind lr, $3  }
0x3a: {  	_ = 	snop  }
0x3b: {  	_ = 	snop  }
0x3c: {  	p2 =	seq.s32 s10, $0x1;
	s10 =	sld [smem:$0x3FB6]  }
0x3d: {  	_ =	shalt  }
0x3e: {  	_ =	shalt  }
0x3f: {  	_ =	shalt  }
0x40: {  	_ =	shalt  }
0x41: {  	_ =	shalt  }
0x42: {  	_ =	shalt  }
0x43: {  	_ =	shalt  }
0x44: {  	_ =	shalt  }
0x45: {  	_ =	shalt  }
0x46: {  	_ =	shalt  }
0x47: {  	_ =	shalt  }
0x48: {  	_ =	shalt  }
0x49: {  	_ =	shalt  }
0x4a: {  	_ =	shalt  }
0x4b: {  	_ =	shalt  }
0x4c: {  	_ =	shalt  }
0x4d: {  	_ =	shalt  }
0x4e: {  	_ =	shalt  }
0x4f: {  	_ =	shalt  }
0x50: {  	_ =	shalt  }
0x51: {  	_ =	shalt  }
0x52: {  	_ =	shalt  }
0x53: {  	_ =	shalt  }
0x54: {  	_ =	shalt  }
0x55: {  	_ =	shalt  }
0x56: {  	_ =	shalt  }
0x57: {  	_ =	shalt  }
0x58: {  	_ =	shalt  }
0x59: {  	_ =	shalt  }
0x5a: {  	_ =	shalt  }
0x5b: {  	_ =	shalt  }
0x5c: {  	_ =	shalt  }
0x5d: {  	_ =	shalt  }
0x5e: {  	_ =	shalt  }
0x5f: {  	_ =	shalt  }
0x60: {  	_ =	shalt  }
0x61: {  	_ =	shalt  }
0x62: {  	_ =	shalt  }
0x63: {  	_ =	shalt  }
0x64: {  	_ =	shalt  }
0x65: {  	_ =	shalt  }
0x66: {  	_ =	shalt  }
0x67: {  	_ =	shalt  }
0x68: {  	_ =	shalt  }
0x69: {  	_ =	shalt  }
0x6a: {  	_ =	shalt  }
0x6b: {  	_ =	shalt  }
0x6c: {  	_ =	shalt  }
0x6d: {  	_ =	shalt  }
0x6e: {  	_ =	shalt  }
0x6f: {  	_ =	shalt  }
0x70: {  	_ =	shalt  }
0x71: {  	_ =	shalt  }
0x72: {  	_ =	shalt  }
0x73: {  	_ =	shalt  }
0x74: {  	_ =	shalt  }
0x75: {  	_ =	shalt  }
0x76: {  	_ =	shalt  }
0x77: {  	_ =	shalt  }
0x78: {  	_ =	shalt  }
0x79: {  	_ =	shalt  }
0x7a: {  	_ =	shalt  }
0x7b: {  	_ =	shalt  }
0x7c: {  	_ =	shalt  }
0x7d: {  	_ =	shalt  }
0x7e: {  	_ =	shalt  }
0x7f: {  	_ =	shalt  }
0x80: {  	_ =	shalt  }
0x81: {  	_ =	shalt  }
0x82: {  	_ =	shalt  }
0x83: {  	_ =	shalt  }
0x84: {  	_ =	shalt  }
0x85: {  	_ =	shalt  }
0x86: {  	_ =	shalt  }
0x87: {  	_ =	shalt  }
.Lfunc_end0:
.L_simem_size_0:
called_computation.1_lowered:
.L_overlay_start_0:
0x88: {  	s2 =	sld [smem:$0x3FD9]  }
0x89: {  	s3 =	sld [smem:$0x3FFE];
	_ =	sdelay $0x1  }
0x8a: {  	s1 =	srdreg.scid  }
0x8b: {  	s0 =	sand.u32 $0x1, s1  }
0x8c: {  	s16 =	sshll.u32 s0, $0xA;
	s2 =	sadd.s32 s3, s2  }
0x8d: {  	s2 =	sadd.s32 s2, s16  }
0x8e: {  	[smem:$0x3FC2] =	sst s2  }
0x8f: {  	_ = 	snop  }
0x90: {  	(tm) =	ssettm $0x1  }
0x91: {  	s17 =	sld [smem:$0x3FFB];
	_ =	sdelay $0x3  }
0x92: {  	_ =	strace s17  }
0x93: {  	s2 =	sld [smem:$0x3FFC];
	_ =	sdelay $0x3  }
0x94: {  	_ =	strace s2  }
0x95: {  	s2 =	sld [smem:$0x3FFD];
	_ =	sdelay $0x3  }
0x96: {  	_ =	strace s2  }
0x97: {  	_ =	strace $0x8FFFFFFF  }
0x98: {  	s18 =	sld [smem:$0x3FDB];
	_ =	sdelay $0x1  }
0x99: {  	s19 =	simm.s32 $_scs_section_size  }
0x9a: {  	s4 =	simm.s32 $_size__tile_overlayer_lowered;
	s5 =	simm.s32 $_tile_overlayer_lowered  }
0x9b: {  	s22 =	simm.s32 $0x1BFF;
	s21 =	sshll.u32 s5, $0x1;
	s2 =	sadd.s32 s19, s18  }
0x9c: {  	s6 =	simm.s32 $0x0;
	s20 =	sshll.u32 s4, $0x1;
	s4 =	sadd.s32 s21, s2  }
0x9d: {  	[timem:s6], [sflag:s22] =	dma.local [hbm:s4], s20  }
0x9e: {  	_ =	swait.ge [sflag:s22], s20  }
0x9f: {  	s3 =	ssub.s32 $0x0, s20;
	[sflag:s22] =	ssyncset.done $0x0  }
0xa0: {  	[sflag:s22] =	ssyncadd.s32 s3;
	_ =	sdelay $0x1  }
0xa1: {  	s23 =	simm.s32 $0x1B8B  }
0xa2: {  	_ =	swait.ge [sflag:s23], $0x1  }
0xa3: {  	[sflag:s23] =	ssyncset.done $0x0  }
0xa4: {  	s25 =	simm.s32 $0x1B8E;
	s24 =	sld [smem:$0x3FFE];
	[sflag:s23] =	ssyncadd.s32 $0xFFFFFFFF  }
0xa5: {  	s26 =	simm.s32 $execute0_lowered;
	[smem:$0x3FD2] =	sst s25  }
0xa6: {  	s4 =	sshll.u32 s26, $0x1;
	_ =	strace $0x80000049;
	[dreg:$0x1] =	wrdreg $0xFFFFFFFF  }
0xa7: {  	s28 =	simm.s32 $_size_execute0_lowered;
	s2 =	sadd.s32 s2, s4;
	[dreg:$0x0] =	wrdreg $0x0  }
0xa8: {  	s4 =	sshll.u32 s28, $0x1;
	[dreg:$0x2] =	wrdreg s2  }
0xa9: {  	[dreg:$0x3] =	wrdreg s4  }
0xaa: {  	[dreg:$0x4] =	wrdreg $0xC0  }
0xab: {  	_ =	task [dreg:s6], $0x5FFFF  }
0xac: {  	[dreg:$0x1] =	wrdreg $0xFFFFFFFF  }
0xad: {  	[dreg:$0x0] =	wrdreg $0x60  }
0xae: {  	[dreg:$0x2] =	wrdreg s24  }
0xaf: {  	[dreg:$0x3] =	wrdreg $0x150000  }
0xb0: {  	[dreg:$0x4] =	wrdreg $0x9  }
0xb1: {  	_ =	task.clear_ibuf [dreg:s6], $0x5FFFF;
	_ =	strace $0x90000049  }
0xb2: {  	s29 =	simm.s32 $0x9;
	_ =	strace $0x8000004B  }
0xb3: {  	_ =	swait.ge [sflag:s29], $0x1  }
0xb4: {  	[sflag:s29] =	ssyncadd.s32 $0xFFFFFFFF  }
0xb5: {  	_ =	strace $0x9000004B  }
0xb6: {  	_ =	sfence  }
0xb7: {  	s30 =	sld [smem:$0x0];
	_ =	sdelay $0x2  }
0xb8: {  	s31 =	sshll.u32 s1, $0xD;
	s1 =	sshrl.u32 s1, $0x2  }
0xb9: {  	s3 =	sand.u32 $0x4000, s31;
	s1 =	sadd.s32 s1, s30  }
0xba: {  	s0 =	sor.u32 s3, s0;
	s1 =	sshll.u32 s1, $0x11  }
0xbb: {  	s0 =	sor.u32 s1, s0  }
0xbc: {  	s0 =	sadd.s32 $0x8F2B, s0  }
0xbd: {  	[sflag:s0] =	ssyncadd.remote.s32 $0x1  }
0xbe: {  	_ =	sfence.sel $0xFFFF  }
0xbf: {  	[dreg:$0x0] =	wrdreg $0xFFFFFFFF;
	(pc) =	sbr.abs _section_cstart, $3  }
0xc0: {  	[dreg:$0x1] =	wrdreg $0xFFFFFFFF  }
0xc1: {  	_ =	task.clear_ibuf [dreg:s6], $0x2FFFF;
	_ =	strace $0x9FFFFFFF  }
0xc2: {  	(tm) =	ssettm $0x7FFFFFFF  }
0xc3: {  	_ =	shalt  }
tec
execute0_lowered:
.L_overlay_start_1:
0x0: {  	(tag) =	ssettag $0x1  }
0x1: {  	s6 =	rddreg [dreg:$0x0]  }
0x2: {  	s0 =	srdreg.scid;
	s2 =	rddreg [dreg:$0x1]  }
0x3: {  	s3 =	simm.s32 $0x0;
	s14 =	simm.s32 $0x5000;
	s15 =	simm.s32 $0x3  }
0x4: {  	s16 =	simm.s32 $0x2800;
	s17 =	simm.s32 $0x80;
	s18 =	simm.s32 $0x7000  }
0x5: {  	s19 =	simm.s32 $0x9000;
	s20 =	simm.s32 $0xB000;
	s21 =	simm.s32 $0xD000  }
0x6: {  	s22 =	simm.s32 $0xF000;
	s23 =	simm.s32 $0x11000;
	s24 =	simm.s32 $0x13000  }
0x7: {  	s25 =	simm.s32 $0x1;
	s5 =	sand.u32 $0x1, s0;
	s0 =	stileid.u32  }
0x8: {  	s26 =	simm.s32 $0x2;
	[smem:$0x7FF] =	sst s3;
	s7 =	smul.u32 $0x14000, s5  }
0x9: {  	s1 =	sshll.u32 s5, $0x4;
	s8 =	smul.u32 $0x1400, s0;
	_ =	strace $0x8000004A  }
0xa: {  	s10 =	smul.u32 $0x28000, s0;
	s5 =	ssub.s32 $0x2, s5;
	s1 =	sor.u32 s0, s1  }
0xb: {  	s31 =	sshrl.u32 s5, $0x1;
	s4 =	smul.u32 $0x2800, s1;
	s7 =	sadd.s32 s8, s7  }
0xc: {  	s10 =	sshrl.u32 s10, $0x2;
	s12 =	ssub.s32 s5, s31;
	s11 =	sadd.s32 s7, s6  }
0xd: {  	s5 =	sadd.s32 s10, s2;
	s9 =	sshrl.u32 s4, $0x3;
	s4 =	sadd.s32 $0x16A00, s6  }
0xe: {  	s8 =	sadd.s32 $0x2AA00, s11;
	s10 =	sadd.s32 $0x2000, s5;
	s9 =	sadd.s32 s9, s6  }
0xf: {  	s11 =	sadd.s32 $0x4000, s5;
	s13 =	sadd.s32 $0x8000, s5;
	s6 =	sadd.s32 $0x2A00, s9  }
0x10: {  	v0 =	vimm.f32 $0.0e+00;
	s7 =	sadd.s32 $0xCA00, s9;
	s9 =	smax.u32 s12, $0x1;
	s12 =	sadd.s32 $0x6000, s5  }
.LBB2_1:
0x11: {  	s29 =	simm.s32 $0x100;
	s28 =	simm.s32 $0x0  }
.LBB2_2:
0x12: {  	p0 =	sne.s32 s29, $0x7F00;
	[tilespmem:s28+$0x5030] =	vst v0;
	s30 =	smov.u32 s29;
	s29 =	sadd.s32 $0x100, s29  }
.Ltmp0:
0x13: {  	[tilespmem:s28+$0x5020] =	vst v0;
	(pc) =	sbr.rel @p0 .LBB2_2-.Ltmp0, $3  }
0x14: {  	[tilespmem:s28+$0x5000] =	vst v0  }
0x15: {  	[tilespmem:s28+$0x5010] =	vst v0;
	_ =	sdelay $0x1  }
0x16: {  	s28 =	sshra.s32 s30, $0x2  }
0x17: {  	[tilespmem:s28+$0x5030] =	vst v0  }
0x18: {  	[tilespmem:s28+$0x5020] =	vst v0  }
0x19: {  	[tilespmem:s28+$0x5000] =	vst v0  }
0x1a: {  	[tilespmem:s28+$0x5010] =	vst v0  }
0x1b: {  	[spmem:s5] =	stream.linear.scatter [tilespmem:s14], [sflag:$0x3], $0x2000, $0x38;
	[tilespmem:$0x1F000] =	vst v63  }
0x1c: {  	_ =	swait.ge [sflag:s15], $0x2000  }
0x1d: {  	[sflag:s15] =	ssyncset.done $0x0  }
0x1e: {  	[sflag:s15] =	ssyncadd.s32 $0xFFFFE000  }
0x1f: {  	[spmem:s10] =	stream.linear.scatter [tilespmem:s14], [sflag:$0x3], $0x2000, $0x38;
	[tilespmem:$0x1F000] =	vst v63  }
0x20: {  	_ =	swait.ge [sflag:s15], $0x2000  }
0x21: {  	[sflag:s15] =	ssyncset.done $0x0  }
0x22: {  	[sflag:s15] =	ssyncadd.s32 $0xFFFFE000  }
0x23: {  	[spmem:s11] =	stream.linear.scatter [tilespmem:s14], [sflag:$0x3], $0x2000, $0x38;
	[tilespmem:$0x1F000] =	vst v63  }
0x24: {  	_ =	swait.ge [sflag:s15], $0x2000  }
0x25: {  	[sflag:s15] =	ssyncset.done $0x0  }
0x26: {  	[sflag:s15] =	ssyncadd.s32 $0xFFFFE000  }
0x27: {  	[spmem:s12] =	stream.linear.scatter [tilespmem:s14], [sflag:$0x3], $0x2000, $0x38;
	[tilespmem:$0x1F000] =	vst v63  }
0x28: {  	_ =	swait.ge [sflag:s15], $0x2000  }
0x29: {  	[sflag:s15] =	ssyncset.done $0x0  }
0x2a: {  	[sflag:s15] =	ssyncadd.s32 $0xFFFFE000  }
0x2b: {  	[spmem:s13] =	stream.linear.scatter [tilespmem:s14], [sflag:$0x3], $0x2000, $0x38;
	[tilespmem:$0x1F000] =	vst v63  }
0x2c: {  	_ =	swait.ge [sflag:s15], $0x2000  }
0x2d: {  	[sflag:s15] =	ssyncset.done $0x0  }
0x2e: {  	s28 =	simm.s32 $0x0;
	[sflag:s15] =	ssyncadd.s32 $0xFFFFE000  }
0x2f: {  	[tilespmem:s28], [sflag:$0x3] =	stream.linear.gather [hbm4b:s6+s28], $0x2800, $0x38;
	[tilespmem:$0x1F000] =	vst v63  }
0x30: {  	_ =	swait.ge [sflag:s15], $0x2800  }
0x31: {  	[sflag:s15] =	ssyncset.done $0x0  }
0x32: {  	[sflag:s15] =	ssyncadd.s32 $0xFFFFD800  }
0x33: {  	[tilespmem:s16], [sflag:$0x3] =	stream.linear.gather [hbm4b:s7+s28], $0x2800, $0x38;
	[tilespmem:$0x1F000] =	vst v63  }
0x34: {  	_ =	swait.ge [sflag:s15], $0x2800  }
0x35: {  	[sflag:s15] =	ssyncset.done $0x0  }
0x36: {  	p0 =	por $0x1, $0x1;
	[sflag:s15] =	ssyncadd.s32 $0xFFFFD800  }
0x37: {  	s28 =	simm.s32 @!p0 $0x2;
	[bflag:$0x0] =	sbarrier.arrive $0xFFFF  }
0x38: {  	_ =	swait.ge @!p0 [sflag:s28], $0x2000  }
0x39: {  	[sflag:s28] =	ssyncset.done @!p0 $0x0  }
0x3a: {  	[sflag:s28] =	ssyncadd.s32 @!p0 $0xFFFFE000  }
0x3b: {  	_ =	swait.ge @!p0 [sflag:s28], $0x2000  }
0x3c: {  	[sflag:s28] =	ssyncset.done @!p0 $0x0  }
0x3d: {  	[sflag:s28] =	ssyncadd.s32 @!p0 $0xFFFFE000  }
0x3e: {  	_ =	swait.ge @!p0 [sflag:s28], $0x2000  }
0x3f: {  	[sflag:s28] =	ssyncset.done @!p0 $0x0  }
0x40: {  	[sflag:s28] =	ssyncadd.s32 @!p0 $0xFFFFE000  }
0x41: {  	_ =	swait.ge @!p0 [sflag:s28], $0x2000  }
0x42: {  	[sflag:s28] =	ssyncset.done @!p0 $0x0  }
0x43: {  	[sflag:s28] =	ssyncadd.s32 @!p0 $0xFFFFE000  }
0x44: {  	_ =	swait.ge @!p0 [sflag:s28], $0x2000  }
0x45: {  	[sflag:s28] =	ssyncset.done @!p0 $0x0  }
0x46: {  	[sflag:s28] =	ssyncadd.s32 @!p0 $0xFFFFE000  }
0x47: {  	_ =	swait.ge @!p0 [sflag:s28], $0x2000  }
0x48: {  	[sflag:s28] =	ssyncset.done @!p0 $0x0  }
0x49: {  	[sflag:s28] =	ssyncadd.s32 @!p0 $0xFFFFE000  }
0x4a: {  	_ =	swait.ge @!p0 [sflag:s28], $0x2000  }
0x4b: {  	[sflag:s28] =	ssyncset.done @!p0 $0x0  }
0x4c: {  	[sflag:s28] =	ssyncadd.s32 @!p0 $0xFFFFE000  }
0x4d: {  	_ =	swait.ge @!p0 [sflag:s28], $0x2000  }
0x4e: {  	[sflag:s28] =	ssyncset.done @!p0 $0x0  }
0x4f: {  	[sflag:s28] =	ssyncadd.s32 @!p0 $0xFFFFE000;
	s28 =	simm.s32 $0x0  }
0x50: {  	[tilespmem:s14], [sflag:$0x1] =	stream.indirect.gather [hbm4b:s4+s17], $0x40, s28, s17, $0xb8;
	[tilespmem:$0x1F000] =	vst v63  }
0x51: {  	s28 =	simm.s32 $0x80  }
0x52: {  	[tilespmem:s18], [sflag:$0x1] =	stream.indirect.gather [hbm4b:s4+s17], $0x40, s28, s17, $0xb8;
	[tilespmem:$0x1F000] =	vst v63  }
0x53: {  	s28 =	simm.s32 $0x100  }
0x54: {  	[tilespmem:s19], [sflag:$0x1] =	stream.indirect.gather [hbm4b:s4+s17], $0x40, s28, s17, $0xb8;
	[tilespmem:$0x1F000] =	vst v63  }
0x55: {  	s28 =	simm.s32 $0x180  }
0x56: {  	[tilespmem:s20], [sflag:$0x1] =	stream.indirect.gather [hbm4b:s4+s17], $0x40, s28, s17, $0xb8;
	[tilespmem:$0x1F000] =	vst v63  }
0x57: {  	s28 =	simm.s32 $0x200  }
0x58: {  	[tilespmem:s21], [sflag:$0x1] =	stream.indirect.gather [hbm4b:s4+s17], $0x40, s28, s17, $0xb8;
	[tilespmem:$0x1F000] =	vst v63  }
0x59: {  	s28 =	simm.s32 $0x280  }
0x5a: {  	[tilespmem:s22], [sflag:$0x1] =	stream.indirect.gather [hbm4b:s4+s17], $0x40, s28, s17, $0xb8;
	[tilespmem:$0x1F000] =	vst v63  }
0x5b: {  	s28 =	simm.s32 $0x300  }
0x5c: {  	[tilespmem:s23], [sflag:$0x1] =	stream.indirect.gather [hbm4b:s4+s17], $0x40, s28, s17, $0xb8;
	[tilespmem:$0x1F000] =	vst v63  }
0x5d: {  	s28 =	simm.s32 $0x380  }
0x5e: {  	[tilespmem:s24], [sflag:$0x1] =	stream.indirect.gather [hbm4b:s4+s17], $0x40, s28, s17, $0xb8;
	[tilespmem:$0x1F000] =	vst v63  }
0x5f: {  	_ =	swait.ge [sflag:s25], $0x2000  }
0x60: {  	[sflag:s25] =	ssyncset.done $0x0  }
0x61: {  	s28 =	simm.s32 $0x2800;
	[sflag:s25] =	ssyncadd.s32 $0xFFFFE000  }
0x62: {  	[spmem:s2] =	stream.indirect.scatter.add.f32 [tilespmem:s14], [sflag:$0x2], $0x40, s28, s17, $0xb8;
	[tilespmem:$0x1F000] =	vst v63  }
0x63: {  	_ =	swait.ge [sflag:s25], $0x2000  }
0x64: {  	[sflag:s25] =	ssyncset.done $0x0  }
0x65: {  	s28 =	simm.s32 $0x2880;
	[sflag:s25] =	ssyncadd.s32 $0xFFFFE000  }
0x66: {  	[spmem:s2] =	stream.indirect.scatter.add.f32 [tilespmem:s18], [sflag:$0x2], $0x40, s28, s17, $0xb8;
	[tilespmem:$0x1F000] =	vst v63  }
0x67: {  	_ =	swait.ge [sflag:s25], $0x2000  }
0x68: {  	[sflag:s25] =	ssyncset.done $0x0  }
0x69: {  	s28 =	simm.s32 $0x2900;
	[sflag:s25] =	ssyncadd.s32 $0xFFFFE000  }
0x6a: {  	[spmem:s2] =	stream.indirect.scatter.add.f32 [tilespmem:s19], [sflag:$0x2], $0x40, s28, s17, $0xb8;
	[tilespmem:$0x1F000] =	vst v63  }
0x6b: {  	_ =	swait.ge [sflag:s25], $0x2000  }
0x6c: {  	[sflag:s25] =	ssyncset.done $0x0  }
0x6d: {  	s28 =	simm.s32 $0x2980;
	[sflag:s25] =	ssyncadd.s32 $0xFFFFE000  }
0x6e: {  	[spmem:s2] =	stream.indirect.scatter.add.f32 [tilespmem:s20], [sflag:$0x2], $0x40, s28, s17, $0xb8;
	[tilespmem:$0x1F000] =	vst v63  }
0x6f: {  	_ =	swait.ge [sflag:s25], $0x2000  }
0x70: {  	[sflag:s25] =	ssyncset.done $0x0  }
0x71: {  	s28 =	simm.s32 $0x2A00;
	[sflag:s25] =	ssyncadd.s32 $0xFFFFE000  }
0x72: {  	[spmem:s2] =	stream.indirect.scatter.add.f32 [tilespmem:s21], [sflag:$0x2], $0x40, s28, s17, $0xb8;
	[tilespmem:$0x1F000] =	vst v63  }
0x73: {  	_ =	swait.ge [sflag:s25], $0x2000  }
0x74: {  	[sflag:s25] =	ssyncset.done $0x0  }
0x75: {  	s28 =	simm.s32 $0x2A80;
	[sflag:s25] =	ssyncadd.s32 $0xFFFFE000  }
0x76: {  	[spmem:s2] =	stream.indirect.scatter.add.f32 [tilespmem:s22], [sflag:$0x2], $0x40, s28, s17, $0xb8;
	[tilespmem:$0x1F000] =	vst v63  }
0x77: {  	_ =	swait.ge [sflag:s25], $0x2000  }
0x78: {  	[sflag:s25] =	ssyncset.done $0x0  }
0x79: {  	s28 =	simm.s32 $0x2B00;
	[sflag:s25] =	ssyncadd.s32 $0xFFFFE000  }
0x7a: {  	[spmem:s2] =	stream.indirect.scatter.add.f32 [tilespmem:s23], [sflag:$0x2], $0x40, s28, s17, $0xb8;
	[tilespmem:$0x1F000] =	vst v63  }
0x7b: {  	s29 =	simm.s32 $0x2000;
	p1 =	por $0x0, $0x0;
	_ =	swait.ge [sflag:s25], $0x2000  }
0x7c: {  	s30 =	simm.s32 $0x2B80;
	s28 =	simm.s32 $0x1000;
	[sflag:s25] =	ssyncset.done $0x0  }
.LBB2_4:
0x7d: {  	s31 =	simm.s32 @!p1 $0x2  }
0x7e: {  	[sflag:s25] =	ssyncadd.s32 $0xFFFFE000;
	s1 =	smov.u32 s29;
	s29 =	sadd.s32 $0x1000, s29  }
0x7f: {  	[spmem:s2] =	stream.indirect.scatter.add.f32 [tilespmem:s24], [sflag:$0x2], $0x40, s30, s17, $0xb8;
	[tilespmem:$0x1F000] =	vst v63  }
0x80: {  	p0 =	sne.s32 s29, $0xA000;
	_ =	swait.ge @!p1 [sflag:s31], $0x2000  }
0x81: {  	[sflag:s31] =	ssyncset.done @!p1 $0x0  }
0x82: {  	[sflag:s31] =	ssyncadd.s32 @!p1 $0xFFFFE000  }
0x83: {  	_ =	swait.ge @!p1 [sflag:s31], $0x2000  }
0x84: {  	[sflag:s31] =	ssyncset.done @!p1 $0x0  }
0x85: {  	[sflag:s31] =	ssyncadd.s32 @!p1 $0xFFFFE000  }
0x86: {  	_ =	swait.ge @!p1 [sflag:s31], $0x2000  }
0x87: {  	[sflag:s31] =	ssyncset.done @!p1 $0x0  }
0x88: {  	[sflag:s31] =	ssyncadd.s32 @!p1 $0xFFFFE000  }
0x89: {  	_ =	swait.ge @!p1 [sflag:s31], $0x2000  }
0x8a: {  	[sflag:s31] =	ssyncset.done @!p1 $0x0  }
0x8b: {  	[sflag:s31] =	ssyncadd.s32 @!p1 $0xFFFFE000  }
0x8c: {  	_ =	swait.ge @!p1 [sflag:s31], $0x2000  }
0x8d: {  	[sflag:s31] =	ssyncset.done @!p1 $0x0  }
0x8e: {  	[sflag:s31] =	ssyncadd.s32 @!p1 $0xFFFFE000  }
0x8f: {  	_ =	swait.ge @!p1 [sflag:s31], $0x2000  }
0x90: {  	[sflag:s31] =	ssyncset.done @!p1 $0x0  }
0x91: {  	[sflag:s31] =	ssyncadd.s32 @!p1 $0xFFFFE000  }
0x92: {  	_ =	swait.ge @!p1 [sflag:s31], $0x2000  }
0x93: {  	[sflag:s31] =	ssyncset.done @!p1 $0x0  }
0x94: {  	[sflag:s31] =	ssyncadd.s32 @!p1 $0xFFFFE000  }
0x95: {  	_ =	swait.ge @!p1 [sflag:s31], $0x2000  }
0x96: {  	[sflag:s31] =	ssyncset.done @!p1 $0x0  }
0x97: {  	s30 =	sshra.s32 s28, $0x2;
	s28 =	smov.u32 s1;
	[sflag:s31] =	ssyncadd.s32 @!p1 $0xFFFFE000  }
0x98: {  	[tilespmem:s14], [sflag:$0x1] =	stream.indirect.gather [hbm4b:s4+s17], $0x40, s30, s17, $0xb8;
	[tilespmem:$0x1F000] =	vst v63  }
0x99: {  	s1 =	sadd.s32 $0x80, s30  }
0x9a: {  	[tilespmem:s18], [sflag:$0x1] =	stream.indirect.gather [hbm4b:s4+s17], $0x40, s1, s17, $0xb8;
	[tilespmem:$0x1F000] =	vst v63  }
0x9b: {  	s1 =	sadd.s32 $0x100, s30  }
0x9c: {  	[tilespmem:s19], [sflag:$0x1] =	stream.indirect.gather [hbm4b:s4+s17], $0x40, s1, s17, $0xb8;
	[tilespmem:$0x1F000] =	vst v63  }
0x9d: {  	s1 =	sadd.s32 $0x180, s30  }
0x9e: {  	[tilespmem:s20], [sflag:$0x1] =	stream.indirect.gather [hbm4b:s4+s17], $0x40, s1, s17, $0xb8;
	[tilespmem:$0x1F000] =	vst v63  }
0x9f: {  	s1 =	sadd.s32 $0x200, s30  }
0xa0: {  	[tilespmem:s21], [sflag:$0x1] =	stream.indirect.gather [hbm4b:s4+s17], $0x40, s1, s17, $0xb8;
	[tilespmem:$0x1F000] =	vst v63  }
0xa1: {  	s1 =	sadd.s32 $0x280, s30  }
0xa2: {  	[tilespmem:s22], [sflag:$0x1] =	stream.indirect.gather [hbm4b:s4+s17], $0x40, s1, s17, $0xb8;
	[tilespmem:$0x1F000] =	vst v63  }
0xa3: {  	s1 =	sadd.s32 $0x300, s30  }
0xa4: {  	[tilespmem:s23], [sflag:$0x1] =	stream.indirect.gather [hbm4b:s4+s17], $0x40, s1, s17, $0xb8;
	[tilespmem:$0x1F000] =	vst v63  }
0xa5: {  	s1 =	sadd.s32 $0x380, s30  }
0xa6: {  	[tilespmem:s24], [sflag:$0x1] =	stream.indirect.gather [hbm4b:s4+s17], $0x40, s1, s17, $0xb8;
	[tilespmem:$0x1F000] =	vst v63  }
0xa7: {  	_ =	swait.ge [sflag:s25], $0x2000  }
0xa8: {  	[sflag:s25] =	ssyncset.done $0x0  }
0xa9: {  	s1 =	sadd.s32 $0x2800, s30;
	[sflag:s25] =	ssyncadd.s32 $0xFFFFE000  }
0xaa: {  	[spmem:s2] =	stream.indirect.scatter.add.f32 [tilespmem:s14], [sflag:$0x2], $0x40, s1, s17, $0xb8;
	[tilespmem:$0x1F000] =	vst v63  }
0xab: {  	_ =	swait.ge [sflag:s25], $0x2000  }
0xac: {  	[sflag:s25] =	ssyncset.done $0x0  }
0xad: {  	s1 =	sadd.s32 $0x2880, s30;
	[sflag:s25] =	ssyncadd.s32 $0xFFFFE000  }
0xae: {  	[spmem:s2] =	stream.indirect.scatter.add.f32 [tilespmem:s18], [sflag:$0x2], $0x40, s1, s17, $0xb8;
	[tilespmem:$0x1F000] =	vst v63  }
0xaf: {  	_ =	swait.ge [sflag:s25], $0x2000  }
0xb0: {  	[sflag:s25] =	ssyncset.done $0x0  }
0xb1: {  	s1 =	sadd.s32 $0x2900, s30;
	[sflag:s25] =	ssyncadd.s32 $0xFFFFE000  }
0xb2: {  	[spmem:s2] =	stream.indirect.scatter.add.f32 [tilespmem:s19], [sflag:$0x2], $0x40, s1, s17, $0xb8;
	[tilespmem:$0x1F000] =	vst v63  }
0xb3: {  	_ =	swait.ge [sflag:s25], $0x2000  }
0xb4: {  	[sflag:s25] =	ssyncset.done $0x0  }
0xb5: {  	s1 =	sadd.s32 $0x2980, s30;
	[sflag:s25] =	ssyncadd.s32 $0xFFFFE000  }
0xb6: {  	[spmem:s2] =	stream.indirect.scatter.add.f32 [tilespmem:s20], [sflag:$0x2], $0x40, s1, s17, $0xb8;
	[tilespmem:$0x1F000] =	vst v63  }
0xb7: {  	_ =	swait.ge [sflag:s25], $0x2000  }
0xb8: {  	[sflag:s25] =	ssyncset.done $0x0  }
0xb9: {  	s1 =	sadd.s32 $0x2A00, s30;
	[sflag:s25] =	ssyncadd.s32 $0xFFFFE000  }
0xba: {  	[spmem:s2] =	stream.indirect.scatter.add.f32 [tilespmem:s21], [sflag:$0x2], $0x40, s1, s17, $0xb8;
	[tilespmem:$0x1F000] =	vst v63  }
0xbb: {  	_ =	swait.ge [sflag:s25], $0x2000  }
0xbc: {  	[sflag:s25] =	ssyncset.done $0x0  }
0xbd: {  	s1 =	sadd.s32 $0x2A80, s30;
	[sflag:s25] =	ssyncadd.s32 $0xFFFFE000  }
0xbe: {  	[spmem:s2] =	stream.indirect.scatter.add.f32 [tilespmem:s22], [sflag:$0x2], $0x40, s1, s17, $0xb8;
	[tilespmem:$0x1F000] =	vst v63  }
0xbf: {  	_ =	swait.ge [sflag:s25], $0x2000  }
.Ltmp1:
0xc0: {  	[sflag:s25] =	ssyncset.done $0x0;
	(pc) =	sbr.rel @p0 .LBB2_4-.Ltmp1, $4  }
0xc1: {  	s1 =	sadd.s32 $0x2B00, s30;
	[sflag:s25] =	ssyncadd.s32 $0xFFFFE000  }
0xc2: {  	[spmem:s2] =	stream.indirect.scatter.add.f32 [tilespmem:s23], [sflag:$0x2], $0x40, s1, s17, $0xb8;
	[tilespmem:$0x1F000] =	vst v63  }
0xc3: {  	_ =	swait.ge [sflag:s25], $0x2000  }
0xc4: {  	p1 =	seq.s32 s28, $0x0;
	s30 =	sadd.s32 $0x2B80, s30;
	[sflag:s25] =	ssyncset.done $0x0  }
0xc5: {  	s1 =	simm.s32 @!p1 $0x2;
	[sflag:s25] =	ssyncadd.s32 $0xFFFFE000  }
0xc6: {  	[spmem:s2] =	stream.indirect.scatter.add.f32 [tilespmem:s24], [sflag:$0x2], $0x40, s30, s17, $0xb8;
	[tilespmem:$0x1F000] =	vst v63  }
0xc7: {  	_ =	swait.ge @!p1 [sflag:s1], $0x2000  }
0xc8: {  	[sflag:s1] =	ssyncset.done @!p1 $0x0  }
0xc9: {  	[sflag:s1] =	ssyncadd.s32 @!p1 $0xFFFFE000  }
0xca: {  	_ =	swait.ge @!p1 [sflag:s1], $0x2000  }
0xcb: {  	[sflag:s1] =	ssyncset.done @!p1 $0x0  }
0xcc: {  	[sflag:s1] =	ssyncadd.s32 @!p1 $0xFFFFE000  }
0xcd: {  	_ =	swait.ge @!p1 [sflag:s1], $0x2000  }
0xce: {  	[sflag:s1] =	ssyncset.done @!p1 $0x0  }
0xcf: {  	[sflag:s1] =	ssyncadd.s32 @!p1 $0xFFFFE000  }
0xd0: {  	_ =	swait.ge @!p1 [sflag:s1], $0x2000  }
0xd1: {  	[sflag:s1] =	ssyncset.done @!p1 $0x0  }
0xd2: {  	[sflag:s1] =	ssyncadd.s32 @!p1 $0xFFFFE000  }
0xd3: {  	_ =	swait.ge @!p1 [sflag:s1], $0x2000  }
0xd4: {  	[sflag:s1] =	ssyncset.done @!p1 $0x0  }
0xd5: {  	[sflag:s1] =	ssyncadd.s32 @!p1 $0xFFFFE000  }
0xd6: {  	_ =	swait.ge @!p1 [sflag:s1], $0x2000  }
0xd7: {  	[sflag:s1] =	ssyncset.done @!p1 $0x0  }
0xd8: {  	[sflag:s1] =	ssyncadd.s32 @!p1 $0xFFFFE000  }
0xd9: {  	_ =	swait.ge @!p1 [sflag:s1], $0x2000  }
0xda: {  	[sflag:s1] =	ssyncset.done @!p1 $0x0  }
0xdb: {  	[sflag:s1] =	ssyncadd.s32 @!p1 $0xFFFFE000  }
0xdc: {  	_ =	swait.ge @!p1 [sflag:s1], $0x2000  }
0xdd: {  	[sflag:s1] =	ssyncset.done @!p1 $0x0  }
0xde: {  	[sflag:s1] =	ssyncadd.s32 @!p1 $0xFFFFE000;
	s1 =	sshra.s32 s28, $0x2  }
0xdf: {  	[tilespmem:s14], [sflag:$0x1] =	stream.indirect.gather [hbm4b:s4+s17], $0x40, s1, s17, $0xb8;
	[tilespmem:$0x1F000] =	vst v63  }
0xe0: {  	s28 =	sadd.s32 $0x80, s1  }
0xe1: {  	[tilespmem:s18], [sflag:$0x1] =	stream.indirect.gather [hbm4b:s4+s17], $0x40, s28, s17, $0xb8;
	[tilespmem:$0x1F000] =	vst v63  }
0xe2: {  	s29 =	sadd.s32 $0x100, s1  }
0xe3: {  	[tilespmem:s19], [sflag:$0x1] =	stream.indirect.gather [hbm4b:s4+s17], $0x40, s29, s17, $0xb8;
	[tilespmem:$0x1F000] =	vst v63  }
0xe4: {  	s30 =	sadd.s32 $0x180, s1  }
0xe5: {  	[tilespmem:s20], [sflag:$0x1] =	stream.indirect.gather [hbm4b:s4+s17], $0x40, s30, s17, $0xb8;
	[tilespmem:$0x1F000] =	vst v63  }
0xe6: {  	s31 =	sadd.s32 $0x200, s1  }
0xe7: {  	[tilespmem:s21], [sflag:$0x1] =	stream.indirect.gather [hbm4b:s4+s17], $0x40, s31, s17, $0xb8;
	[tilespmem:$0x1F000] =	vst v63  }
0xe8: {  	s29 =	sadd.s32 $0x280, s1  }
0xe9: {  	[tilespmem:s22], [sflag:$0x1] =	stream.indirect.gather [hbm4b:s4+s17], $0x40, s29, s17, $0xb8;
	[tilespmem:$0x1F000] =	vst v63  }
0xea: {  	s30 =	sadd.s32 $0x300, s1  }
0xeb: {  	[tilespmem:s23], [sflag:$0x1] =	stream.indirect.gather [hbm4b:s4+s17], $0x40, s30, s17, $0xb8;
	[tilespmem:$0x1F000] =	vst v63  }
0xec: {  	s31 =	sadd.s32 $0x380, s1  }
0xed: {  	[tilespmem:s24], [sflag:$0x1] =	stream.indirect.gather [hbm4b:s4+s17], $0x40, s31, s17, $0xb8;
	[tilespmem:$0x1F000] =	vst v63  }
0xee: {  	_ =	swait.ge [sflag:s25], $0x2000  }
0xef: {  	[sflag:s25] =	ssyncset.done $0x0  }
0xf0: {  	s29 =	sadd.s32 $0x2800, s1;
	[sflag:s25] =	ssyncadd.s32 $0xFFFFE000  }
0xf1: {  	[spmem:s2] =	stream.indirect.scatter.add.f32 [tilespmem:s14], [sflag:$0x2], $0x40, s29, s17, $0xb8;
	[tilespmem:$0x1F000] =	vst v63  }
0xf2: {  	_ =	swait.ge [sflag:s25], $0x2000  }
0xf3: {  	[sflag:s25] =	ssyncset.done $0x0  }
0xf4: {  	s30 =	sadd.s32 $0x2880, s1;
	[sflag:s25] =	ssyncadd.s32 $0xFFFFE000  }
0xf5: {  	[spmem:s2] =	stream.indirect.scatter.add.f32 [tilespmem:s18], [sflag:$0x2], $0x40, s30, s17, $0xb8;
	[tilespmem:$0x1F000] =	vst v63  }
0xf6: {  	_ =	swait.ge [sflag:s25], $0x2000  }
0xf7: {  	[sflag:s25] =	ssyncset.done $0x0  }
0xf8: {  	s31 =	sadd.s32 $0x2900, s1;
	[sflag:s25] =	ssyncadd.s32 $0xFFFFE000  }
0xf9: {  	[spmem:s2] =	stream.indirect.scatter.add.f32 [tilespmem:s19], [sflag:$0x2], $0x40, s31, s17, $0xb8;
	[tilespmem:$0x1F000] =	vst v63  }
0xfa: {  	_ =	swait.ge [sflag:s25], $0x2000  }
0xfb: {  	[sflag:s25] =	ssyncset.done $0x0  }
0xfc: {  	s29 =	sadd.s32 $0x2980, s1;
	[sflag:s25] =	ssyncadd.s32 $0xFFFFE000  }
0xfd: {  	[spmem:s2] =	stream.indirect.scatter.add.f32 [tilespmem:s20], [sflag:$0x2], $0x40, s29, s17, $0xb8;
	[tilespmem:$0x1F000] =	vst v63  }
0xfe: {  	_ =	swait.ge [sflag:s25], $0x2000  }
0xff: {  	[sflag:s25] =	ssyncset.done $0x0  }
0x100: {  	s30 =	sadd.s32 $0x2A00, s1;
	[sflag:s25] =	ssyncadd.s32 $0xFFFFE000  }
0x101: {  	[spmem:s2] =	stream.indirect.scatter.add.f32 [tilespmem:s21], [sflag:$0x2], $0x40, s30, s17, $0xb8;
	[tilespmem:$0x1F000] =	vst v63  }
0x102: {  	_ =	swait.ge [sflag:s25], $0x2000  }
0x103: {  	[sflag:s25] =	ssyncset.done $0x0  }
0x104: {  	s31 =	sadd.s32 $0x2A80, s1;
	[sflag:s25] =	ssyncadd.s32 $0xFFFFE000  }
0x105: {  	[spmem:s2] =	stream.indirect.scatter.add.f32 [tilespmem:s22], [sflag:$0x2], $0x40, s31, s17, $0xb8;
	[tilespmem:$0x1F000] =	vst v63  }
0x106: {  	_ =	swait.ge [sflag:s25], $0x2000  }
0x107: {  	[sflag:s25] =	ssyncset.done $0x0  }
0x108: {  	s29 =	sadd.s32 $0x2B00, s1;
	[sflag:s25] =	ssyncadd.s32 $0xFFFFE000  }
0x109: {  	[spmem:s2] =	stream.indirect.scatter.add.f32 [tilespmem:s23], [sflag:$0x2], $0x40, s29, s17, $0xb8;
	[tilespmem:$0x1F000] =	vst v63  }
0x10a: {  	_ =	swait.ge [sflag:s25], $0x2000  }
0x10b: {  	[sflag:s25] =	ssyncset.done $0x0  }
0x10c: {  	s1 =	sadd.s32 $0x2B80, s1;
	[sflag:s25] =	ssyncadd.s32 $0xFFFFE000  }
0x10d: {  	[spmem:s2] =	stream.indirect.scatter.add.f32 [tilespmem:s24], [sflag:$0x2], $0x40, s1, s17, $0xb8;
	[tilespmem:$0x1F000] =	vst v63  }
0x10e: {  	_ =	swait.ge [sflag:s26], $0x2000  }
0x10f: {  	[sflag:s26] =	ssyncset.done $0x0  }
0x110: {  	[sflag:s26] =	ssyncadd.s32 $0xFFFFE000  }
0x111: {  	_ =	swait.ge [sflag:s26], $0x2000  }
0x112: {  	[sflag:s26] =	ssyncset.done $0x0  }
0x113: {  	[sflag:s26] =	ssyncadd.s32 $0xFFFFE000  }
0x114: {  	_ =	swait.ge [sflag:s26], $0x2000  }
0x115: {  	[sflag:s26] =	ssyncset.done $0x0  }
0x116: {  	[sflag:s26] =	ssyncadd.s32 $0xFFFFE000  }
0x117: {  	_ =	swait.ge [sflag:s26], $0x2000  }
0x118: {  	[sflag:s26] =	ssyncset.done $0x0  }
0x119: {  	[sflag:s26] =	ssyncadd.s32 $0xFFFFE000  }
0x11a: {  	_ =	swait.ge [sflag:s26], $0x2000  }
0x11b: {  	[sflag:s26] =	ssyncset.done $0x0  }
0x11c: {  	[sflag:s26] =	ssyncadd.s32 $0xFFFFE000  }
0x11d: {  	_ =	swait.ge [sflag:s26], $0x2000  }
0x11e: {  	[sflag:s26] =	ssyncset.done $0x0  }
0x11f: {  	[sflag:s26] =	ssyncadd.s32 $0xFFFFE000  }
0x120: {  	_ =	swait.ge [sflag:s26], $0x2000  }
0x121: {  	[sflag:s26] =	ssyncset.done $0x0  }
0x122: {  	[sflag:s26] =	ssyncadd.s32 $0xFFFFE000  }
0x123: {  	s3 =	sadd.s32 $0x1, s3;
	_ =	swait.ge [sflag:s26], $0x2000  }
0x124: {  	p0 =	sne.s32 s3, s9;
	[sflag:s26] =	ssyncset.done $0x0  }
0x125: {  	s30 =	sshll.u32 s0, $0x6;
	s31 =	sshrl.u32 s5, $0x3;
	[sflag:s26] =	ssyncadd.s32 $0xFFFFE000  }
.Ltmp2:
0x126: {  	s1 =	sor.u32 $0x1C03, s30;
	[bflag:$0x0] =	sbarrier.arrive $0xFFFF;
	(pc) =	sbr.rel @p0 .LBB2_1-.Ltmp2, $4  }
0x127: {  	[hbm:s8], [sflag:s1] =	dma.local [spmem:s31], $0x1400  }
0x128: {  	_ =	swait.ge [sflag:s15], $0x1400  }
0x129: {  	[sflag:s15] =	ssyncset.done $0x0  }
0x12a: {  	[sflag:s15] =	ssyncadd.s32 $0xFFFFEC00  }
0x12b: {  	_ =	sfence.sel $0x180000  }
0x12c: {  	[bflag:$0x0] =	sbarrier.arrive $0xFFFF  }
0x12d: {  	_ =	strace $0x9000004A  }
0x12e: {  	[bflag:$0x2] =	sbarrier.arrive $0xFFFF  }
0x12f: {  	p0 =	sne.s32 s0, $0x0;
	s0 =	rddreg [dreg:$0x2]  }
0x130: {  	s0 =	sadd.s32 @!p0 $0x100000, s0  }
0x131: {  	[sflag:s0] =	ssyncadd.tile.s32 @!p0 $0x1;
	_ =	shalt  }
.Lfunc_end2:
_tile_overlayer_lowered:
.L_overlay_start_2:
0x132: {  	(tag) =	ssettag $0x2  }
0x133: {  	s0 =	rddreg [dreg:$0x0];
	s2 =	stileid.u32  }
0x134: {  	s1 =	rddreg [dreg:$0x1];
	p0 =	sne.s32 s2, $0x0  }
0x135: {  	s3 =	rddreg [dreg:$0x2];
	[bflag:$0x3] =	sbarrier.arrive $0xFFFF;
	s2 =	simm.s32 @!p0 $0x1C03  }
0x136: {  	[timem:s3], [sflag:s2] =	dma.local @!p0 [hbm:s0], s1  }
0x137: {  	s0 =	simm.s32 @!p0 $0x3  }
0x138: {  	_ =	swait.ge @!p0 [sflag:s0], s1  }
0x139: {  	s1 =	ssub.s32 @!p0 $0x0, s1;
	[sflag:s0] =	ssyncset.done @!p0 $0x0  }
0x13a: {  	[sflag:s0] =	ssyncadd.s32 @!p0 s1  }
0x13b: {  	[bflag:$0x3] =	sbarrier.arrive $0xFFFF  }
0x13c: {  	_ =	shalt  }

// kernel: kernel.14.cloned.1.call-start
scs
__scs_entry_jumppad:
0x0: {  	(pc) =	sbr.rel $0x88, $3  }
0x1: {  	(tag) =	ssettag $0x0;
	lr =	simm.s32 $0x1  }
0x2: {  	[smem:$0x3F9B] =	sst lr;
	_ =	strace $0xD0000000  }
0x3: {  	_ = 	snop  }
0x4: {  	_ = 	snop  }
0x5: {  	_ = 	snop  }
0x6: {  	_ = 	snop  }
0x7: {  	_ = 	snop  }
__scs_overlays_trampoline_lowered:
0x8: {  	[smem:$0x3FAA] =	sst s0  }
0x9: {  	[smem:$0x3FAB] =	sst s1  }
0xa: {  	[smem:$0x3FAC] =	sst s2  }
0xb: {  	[smem:$0x3FAD] =	sst s3  }
0xc: {  	[smem:$0x3FAE] =	sst s4  }
0xd: {  	[smem:$0x3FAF] =	sst s5  }
0xe: {  	[smem:$0x3FB0] =	sst s6  }
0xf: {  	[smem:$0x3FB1] =	sst s7  }
0x10: {  	[smem:$0x3FB2] =	sst s8  }
0x11: {  	[smem:$0x3FB3] =	sst s9;
	s0 =	simm.s32 @!p0 $0x0  }
0x12: {  	s1 =	sld [smem:$0x3F99];
	s0 =	simm.s32 @p0 $0x1  }
0x13: {  	[smem:$0x3FB4] =	sst s0;
	s0 =	simm.s32 @!p1 $0x0  }
0x14: {  	s2 =	sld [smem:$0x3F98];
	s0 =	simm.s32 @p1 $0x1  }
0x15: {  	[smem:$0x3FB5] =	sst s0;
	s0 =	simm.s32 @!p2 $0x0  }
0x16: {  	s3 =	sld [smem:$0x3FDB];
	s0 =	simm.s32 @p2 $0x1  }
0x17: {  	s4 =	simm.s32 $0x1BF5;
	[smem:$0x3FB7] =	sst s0  }
0x18: {  	s0 =	sld [smem:$0x3F9A];
	_ =	swait.ge [sflag:s4], $0x0  }
0x19: {  	s7 =	sld [smem:$0x3F9B]  }
0x1a: {  	s8 =	sadd.s32 $0xFFFFE003, lr  }
0x1b: {  	s9 =	sadd.s32 $0xFFFFFEF7, lr;
	s5 =	simm.s32 $0xFFFFFFFF;
	p2 =	slt.u32 s8, $0xFFFFF086  }
0x1c: {  	p1 =	slt.u32 s9, $0xF7A;
	s5 =	simm.s32 @!p2 $0x0  }
0x1d: {  	s5 =	simm.s32 @p1 $0x1;
	p0 =	seq.s32 s7, s2  }
0x1e: {  	s7 =	smul.u32 @!p0 $0xF7A, s2;
	p2 =	seq.s32 @!p0 s5, $0x0  }
0x1f: {  	s9 =	smul.u32 $0xF7A, s1;
	s8 =	simm.s32 @!p0 $0x1BF5;
	p2 =	por !p2, p0  }
0x20: {  	[sflag:s8] =	ssyncset.s32 @!p0 $0xFFFFF086;
	s6 =	sadd.s32 @!p0 s3, s7;
	s7 =	simm.s32 @!p0 $0x108  }
0x21: {  	s3 =	sadd.s32 s3, s9;
	s6 =	sadd.s32 @!p0 $0x88, s6;
	s7 =	simm.s32 @p2 $0x1082  }
0x22: {  	[simem:s7], [sflag:s8] =	dma.local @!p0 [hbm:s6], $0xF7A  }
0x23: {  	s9 =	sor.u32 $0xD0000000, s2;
	s6 =	simm.s32 $0x108;
	_ =	swait.ge @!p0 [sflag:s8], $0x0  }
0x24: {  	s3 =	sadd.s32 $0x88, s3;
	s6 =	simm.s32 @!p1 $0x1082;
	[sflag:s4] =	ssyncset.s32 $0xFFFFF086  }
0x25: {  	[simem:s6], [sflag:s4] =	dma.local [hbm:s3], $0xF7A  }
0x26: {  	[smem:$0x3F9B] =	sst s1;
	(tag) =	ssettag s2;
	_ =	strace s9  }
0x27: {  	s1 =	sld [smem:$0x3FAB]  }
0x28: {  	s2 =	sld [smem:$0x3FAC]  }
0x29: {  	s4 =	sld [smem:$0x3FAE]  }
0x2a: {  	p0 =	seq.s32 s5, $0x0;
	s5 =	sld [smem:$0x3FAF]  }
0x2b: {  	s6 =	sld [smem:$0x3FB0]  }
0x2c: {  	s7 =	sld [smem:$0x3FB1]  }
0x2d: {  	s3 =	simm.s32 $0x108;
	s8 =	sld [smem:$0x3FB2]  }
0x2e: {  	s3 =	simm.s32 @!p0 $0x1082;
	s9 =	sld [smem:$0x3FB3]  }
0x2f: {  	lr =	sadd.s32 s0, s3;
	s0 =	sld [smem:$0x3FAA]  }
0x30: {  	s3 =	sld [smem:$0x3FAD]  }
0x31: {  	[smem:$0x3FB6] =	sst s10  }
0x32: {  	s10 =	sld [smem:$0x3FB4];
	_ =	sdelay $0x3  }
0x33: {  	p0 =	seq.s32 s10, $0x1;
	s10 =	sld [smem:$0x3FB6];
	_ =	sdelay $0x3  }
0x34: {  	[smem:$0x3FB6] =	sst s10  }
0x35: {  	s10 =	sld [smem:$0x3FB5];
	_ =	sdelay $0x3  }
0x36: {  	p1 =	seq.s32 s10, $0x1;
	s10 =	sld [smem:$0x3FB6];
	_ =	sdelay $0x3  }
0x37: {  	[smem:$0x3FB6] =	sst s10  }
0x38: {  	s10 =	sld [smem:$0x3FB7]  }
0x39: {  	_ = 	snop;
	(pc) =	sbr.ind lr, $3  }
0x3a: {  	_ = 	snop  }
0x3b: {  	_ = 	snop  }
0x3c: {  	p2 =	seq.s32 s10, $0x1;
	s10 =	sld [smem:$0x3FB6]  }
0x3d: {  	_ =	shalt  }
0x3e: {  	_ =	shalt  }
0x3f: {  	_ =	shalt  }
0x40: {  	_ =	shalt  }
0x41: {  	_ =	shalt  }
0x42: {  	_ =	shalt  }
0x43: {  	_ =	shalt  }
0x44: {  	_ =	shalt  }
0x45: {  	_ =	shalt  }
0x46: {  	_ =	shalt  }
0x47: {  	_ =	shalt  }
0x48: {  	_ =	shalt  }
0x49: {  	_ =	shalt  }
0x4a: {  	_ =	shalt  }
0x4b: {  	_ =	shalt  }
0x4c: {  	_ =	shalt  }
0x4d: {  	_ =	shalt  }
0x4e: {  	_ =	shalt  }
0x4f: {  	_ =	shalt  }
0x50: {  	_ =	shalt  }
0x51: {  	_ =	shalt  }
0x52: {  	_ =	shalt  }
0x53: {  	_ =	shalt  }
0x54: {  	_ =	shalt  }
0x55: {  	_ =	shalt  }
0x56: {  	_ =	shalt  }
0x57: {  	_ =	shalt  }
0x58: {  	_ =	shalt  }
0x59: {  	_ =	shalt  }
0x5a: {  	_ =	shalt  }
0x5b: {  	_ =	shalt  }
0x5c: {  	_ =	shalt  }
0x5d: {  	_ =	shalt  }
0x5e: {  	_ =	shalt  }
0x5f: {  	_ =	shalt  }
0x60: {  	_ =	shalt  }
0x61: {  	_ =	shalt  }
0x62: {  	_ =	shalt  }
0x63: {  	_ =	shalt  }
0x64: {  	_ =	shalt  }
0x65: {  	_ =	shalt  }
0x66: {  	_ =	shalt  }
0x67: {  	_ =	shalt  }
0x68: {  	_ =	shalt  }
0x69: {  	_ =	shalt  }
0x6a: {  	_ =	shalt  }
0x6b: {  	_ =	shalt  }
0x6c: {  	_ =	shalt  }
0x6d: {  	_ =	shalt  }
0x6e: {  	_ =	shalt  }
0x6f: {  	_ =	shalt  }
0x70: {  	_ =	shalt  }
0x71: {  	_ =	shalt  }
0x72: {  	_ =	shalt  }
0x73: {  	_ =	shalt  }
0x74: {  	_ =	shalt  }
0x75: {  	_ =	shalt  }
0x76: {  	_ =	shalt  }
0x77: {  	_ =	shalt  }
0x78: {  	_ =	shalt  }
0x79: {  	_ =	shalt  }
0x7a: {  	_ =	shalt  }
0x7b: {  	_ =	shalt  }
0x7c: {  	_ =	shalt  }
0x7d: {  	_ =	shalt  }
0x7e: {  	_ =	shalt  }
0x7f: {  	_ =	shalt  }
0x80: {  	_ =	shalt  }
0x81: {  	_ =	shalt  }
0x82: {  	_ =	shalt  }
0x83: {  	_ =	shalt  }
0x84: {  	_ =	shalt  }
0x85: {  	_ =	shalt  }
0x86: {  	_ =	shalt  }
0x87: {  	_ =	shalt  }
.Lfunc_end0:
.L_simem_size_0:
called_computation.2_lowered:
.L_overlay_start_0:
0x88: {  	s2 =	sld [smem:$0x3FD9]  }
0x89: {  	s3 =	sld [smem:$0x3FFE];
	_ =	sdelay $0x1  }
0x8a: {  	s1 =	srdreg.scid  }
0x8b: {  	s0 =	sand.u32 $0x1, s1  }
0x8c: {  	s16 =	sshll.u32 s0, $0xA;
	s2 =	sadd.s32 s3, s2  }
0x8d: {  	s2 =	sadd.s32 s2, s16  }
0x8e: {  	[smem:$0x3FC2] =	sst s2  }
0x8f: {  	_ = 	snop  }
0x90: {  	(tm) =	ssettm $0x1  }
0x91: {  	s17 =	sld [smem:$0x3FFB];
	_ =	sdelay $0x3  }
0x92: {  	_ =	strace s17  }
0x93: {  	s2 =	sld [smem:$0x3FFC];
	_ =	sdelay $0x3  }
0x94: {  	_ =	strace s2  }
0x95: {  	s2 =	sld [smem:$0x3FFD];
	_ =	sdelay $0x3  }
0x96: {  	_ =	strace s2  }
0x97: {  	_ =	strace $0x8FFFFFFF  }
0x98: {  	s18 =	sld [smem:$0x3FDB];
	_ =	sdelay $0x1  }
0x99: {  	s19 =	simm.s32 $_scs_section_size  }
0x9a: {  	s4 =	simm.s32 $_size__tile_overlayer_lowered;
	s5 =	simm.s32 $_tile_overlayer_lowered  }
0x9b: {  	s22 =	simm.s32 $0x1BFF;
	s21 =	sshll.u32 s5, $0x1;
	s2 =	sadd.s32 s19, s18  }
0x9c: {  	s6 =	simm.s32 $0x0;
	s20 =	sshll.u32 s4, $0x1;
	s4 =	sadd.s32 s21, s2  }
0x9d: {  	[timem:s6], [sflag:s22] =	dma.local [hbm:s4], s20  }
0x9e: {  	_ =	swait.ge [sflag:s22], s20  }
0x9f: {  	s3 =	ssub.s32 $0x0, s20;
	[sflag:s22] =	ssyncset.done $0x0  }
0xa0: {  	[sflag:s22] =	ssyncadd.s32 s3;
	_ =	sdelay $0x1  }
0xa1: {  	s23 =	simm.s32 $0x1B8B  }
0xa2: {  	_ =	swait.ge [sflag:s23], $0x1  }
0xa3: {  	[sflag:s23] =	ssyncset.done $0x0  }
0xa4: {  	s25 =	simm.s32 $0x1B8E;
	s24 =	sld [smem:$0x3FFE];
	[sflag:s23] =	ssyncadd.s32 $0xFFFFFFFF  }
0xa5: {  	s26 =	simm.s32 $execute0_lowered;
	[smem:$0x3FD2] =	sst s25  }
0xa6: {  	s4 =	sshll.u32 s26, $0x1;
	_ =	strace $0x8000004C;
	[dreg:$0x1] =	wrdreg $0xFFFFFFFF  }
0xa7: {  	s28 =	simm.s32 $_size_execute0_lowered;
	s2 =	sadd.s32 s2, s4;
	[dreg:$0x0] =	wrdreg $0x0  }
0xa8: {  	s4 =	sshll.u32 s28, $0x1;
	[dreg:$0x2] =	wrdreg s2  }
0xa9: {  	[dreg:$0x3] =	wrdreg s4  }
0xaa: {  	[dreg:$0x4] =	wrdreg $0xC0  }
0xab: {  	_ =	task [dreg:s6], $0x5FFFF  }
0xac: {  	[dreg:$0x1] =	wrdreg $0xFFFFFFFF  }
0xad: {  	[dreg:$0x0] =	wrdreg $0x60  }
0xae: {  	[dreg:$0x2] =	wrdreg s24  }
0xaf: {  	[dreg:$0x3] =	wrdreg $0x150000  }
0xb0: {  	[dreg:$0x4] =	wrdreg $0x9  }
0xb1: {  	_ =	task.clear_ibuf [dreg:s6], $0x5FFFF;
	_ =	strace $0x9000004C  }
0xb2: {  	s29 =	simm.s32 $0x9;
	_ =	strace $0x8000004E  }
0xb3: {  	_ =	swait.ge [sflag:s29], $0x1  }
0xb4: {  	[sflag:s29] =	ssyncadd.s32 $0xFFFFFFFF  }
0xb5: {  	_ =	strace $0x9000004E  }
0xb6: {  	_ =	sfence  }
0xb7: {  	s30 =	sld [smem:$0x0];
	_ =	sdelay $0x2  }
0xb8: {  	s31 =	sshll.u32 s1, $0xD;
	s1 =	sshrl.u32 s1, $0x2  }
0xb9: {  	s3 =	sand.u32 $0x4000, s31;
	s1 =	sadd.s32 s1, s30  }
0xba: {  	s0 =	sor.u32 s3, s0;
	s1 =	sshll.u32 s1, $0x11  }
0xbb: {  	s0 =	sor.u32 s1, s0  }
0xbc: {  	s0 =	sadd.s32 $0x8F2B, s0  }
0xbd: {  	[sflag:s0] =	ssyncadd.remote.s32 $0x1  }
0xbe: {  	_ =	sfence.sel $0xFFFF  }
0xbf: {  	[dreg:$0x0] =	wrdreg $0xFFFFFFFF;
	(pc) =	sbr.abs _section_cstart, $3  }
0xc0: {  	[dreg:$0x1] =	wrdreg $0xFFFFFFFF  }
0xc1: {  	_ =	task.clear_ibuf [dreg:s6], $0x2FFFF;
	_ =	strace $0x9FFFFFFF  }
0xc2: {  	(tm) =	ssettm $0x7FFFFFFF  }
0xc3: {  	_ =	shalt  }
tec
execute0_lowered:
.L_overlay_start_1:
0x0: {  	(tag) =	ssettag $0x1  }
0x1: {  	s6 =	rddreg [dreg:$0x0]  }
0x2: {  	s0 =	srdreg.scid;
	s2 =	rddreg [dreg:$0x1]  }
0x3: {  	s3 =	simm.s32 $0x0;
	s14 =	simm.s32 $0x5000;
	s15 =	simm.s32 $0x3  }
0x4: {  	s16 =	simm.s32 $0x2800;
	s17 =	simm.s32 $0x80;
	s18 =	simm.s32 $0x7000  }
0x5: {  	s19 =	simm.s32 $0x9000;
	s20 =	simm.s32 $0xB000;
	s21 =	simm.s32 $0xD000  }
0x6: {  	s22 =	simm.s32 $0xF000;
	s23 =	simm.s32 $0x11000;
	s24 =	simm.s32 $0x13000  }
0x7: {  	s25 =	simm.s32 $0x1;
	s5 =	sand.u32 $0x1, s0;
	s0 =	stileid.u32  }
0x8: {  	s26 =	simm.s32 $0x2;
	[smem:$0x7FF] =	sst s3;
	s7 =	smul.u32 $0x14000, s5  }
0x9: {  	s1 =	sshll.u32 s5, $0x4;
	s8 =	smul.u32 $0x1400, s0;
	_ =	strace $0x8000004D  }
0xa: {  	s10 =	smul.u32 $0x28000, s0;
	s5 =	ssub.s32 $0x2, s5;
	s1 =	sor.u32 s0, s1  }
0xb: {  	s31 =	sshrl.u32 s5, $0x1;
	s4 =	smul.u32 $0x2800, s1;
	s7 =	sadd.s32 s8, s7  }
0xc: {  	s10 =	sshrl.u32 s10, $0x2;
	s12 =	ssub.s32 s5, s31;
	s11 =	sadd.s32 s7, s6  }
0xd: {  	s5 =	sadd.s32 s10, s2;
	s9 =	sshrl.u32 s4, $0x3;
	s4 =	sadd.s32 $0x16A00, s6  }
0xe: {  	s8 =	sadd.s32 $0x2AA00, s11;
	s10 =	sadd.s32 $0x2000, s5;
	s9 =	sadd.s32 s9, s6  }
0xf: {  	s11 =	sadd.s32 $0x4000, s5;
	s13 =	sadd.s32 $0x8000, s5;
	s6 =	sadd.s32 $0x2A00, s9  }
0x10: {  	v0 =	vimm.f32 $0.0e+00;
	s7 =	sadd.s32 $0xCA00, s9;
	s9 =	smax.u32 s12, $0x1;
	s12 =	sadd.s32 $0x6000, s5  }
.LBB2_1:
0x11: {  	s29 =	simm.s32 $0x100;
	s28 =	simm.s32 $0x0  }
.LBB2_2:
0x12: {  	p0 =	sne.s32 s29, $0x7F00;
	[tilespmem:s28+$0x5030] =	vst v0;
	s30 =	smov.u32 s29;
	s29 =	sadd.s32 $0x100, s29  }
.Ltmp0:
0x13: {  	[tilespmem:s28+$0x5020] =	vst v0;
	(pc) =	sbr.rel @p0 .LBB2_2-.Ltmp0, $3  }
0x14: {  	[tilespmem:s28+$0x5000] =	vst v0  }
0x15: {  	[tilespmem:s28+$0x5010] =	vst v0;
	_ =	sdelay $0x1  }
0x16: {  	s28 =	sshra.s32 s30, $0x2  }
0x17: {  	[tilespmem:s28+$0x5030] =	vst v0  }
0x18: {  	[tilespmem:s28+$0x5020] =	vst v0  }
0x19: {  	[tilespmem:s28+$0x5000] =	vst v0  }
0x1a: {  	[tilespmem:s28+$0x5010] =	vst v0  }
0x1b: {  	[spmem:s5] =	stream.linear.scatter [tilespmem:s14], [sflag:$0x3], $0x2000, $0x38;
	[tilespmem:$0x1F000] =	vst v63  }
0x1c: {  	_ =	swait.ge [sflag:s15], $0x2000  }
0x1d: {  	[sflag:s15] =	ssyncset.done $0x0  }
0x1e: {  	[sflag:s15] =	ssyncadd.s32 $0xFFFFE000  }
0x1f: {  	[spmem:s10] =	stream.linear.scatter [tilespmem:s14], [sflag:$0x3], $0x2000, $0x38;
	[tilespmem:$0x1F000] =	vst v63  }
0x20: {  	_ =	swait.ge [sflag:s15], $0x2000  }
0x21: {  	[sflag:s15] =	ssyncset.done $0x0  }
0x22: {  	[sflag:s15] =	ssyncadd.s32 $0xFFFFE000  }
0x23: {  	[spmem:s11] =	stream.linear.scatter [tilespmem:s14], [sflag:$0x3], $0x2000, $0x38;
	[tilespmem:$0x1F000] =	vst v63  }
0x24: {  	_ =	swait.ge [sflag:s15], $0x2000  }
0x25: {  	[sflag:s15] =	ssyncset.done $0x0  }
0x26: {  	[sflag:s15] =	ssyncadd.s32 $0xFFFFE000  }
0x27: {  	[spmem:s12] =	stream.linear.scatter [tilespmem:s14], [sflag:$0x3], $0x2000, $0x38;
	[tilespmem:$0x1F000] =	vst v63  }
0x28: {  	_ =	swait.ge [sflag:s15], $0x2000  }
0x29: {  	[sflag:s15] =	ssyncset.done $0x0  }
0x2a: {  	[sflag:s15] =	ssyncadd.s32 $0xFFFFE000  }
0x2b: {  	[spmem:s13] =	stream.linear.scatter [tilespmem:s14], [sflag:$0x3], $0x2000, $0x38;
	[tilespmem:$0x1F000] =	vst v63  }
0x2c: {  	_ =	swait.ge [sflag:s15], $0x2000  }
0x2d: {  	[sflag:s15] =	ssyncset.done $0x0  }
0x2e: {  	s28 =	simm.s32 $0x0;
	[sflag:s15] =	ssyncadd.s32 $0xFFFFE000  }
0x2f: {  	[tilespmem:s28], [sflag:$0x3] =	stream.linear.gather [hbm4b:s6+s28], $0x2800, $0x38;
	[tilespmem:$0x1F000] =	vst v63  }
0x30: {  	_ =	swait.ge [sflag:s15], $0x2800  }
0x31: {  	[sflag:s15] =	ssyncset.done $0x0  }
0x32: {  	[sflag:s15] =	ssyncadd.s32 $0xFFFFD800  }
0x33: {  	[tilespmem:s16], [sflag:$0x3] =	stream.linear.gather [hbm4b:s7+s28], $0x2800, $0x38;
	[tilespmem:$0x1F000] =	vst v63  }
0x34: {  	_ =	swait.ge [sflag:s15], $0x2800  }
0x35: {  	[sflag:s15] =	ssyncset.done $0x0  }
0x36: {  	p0 =	por $0x1, $0x1;
	[sflag:s15] =	ssyncadd.s32 $0xFFFFD800  }
0x37: {  	s28 =	simm.s32 @!p0 $0x2;
	[bflag:$0x0] =	sbarrier.arrive $0xFFFF  }
0x38: {  	_ =	swait.ge @!p0 [sflag:s28], $0x2000  }
0x39: {  	[sflag:s28] =	ssyncset.done @!p0 $0x0  }
0x3a: {  	[sflag:s28] =	ssyncadd.s32 @!p0 $0xFFFFE000  }
0x3b: {  	_ =	swait.ge @!p0 [sflag:s28], $0x2000  }
0x3c: {  	[sflag:s28] =	ssyncset.done @!p0 $0x0  }
0x3d: {  	[sflag:s28] =	ssyncadd.s32 @!p0 $0xFFFFE000  }
0x3e: {  	_ =	swait.ge @!p0 [sflag:s28], $0x2000  }
0x3f: {  	[sflag:s28] =	ssyncset.done @!p0 $0x0  }
0x40: {  	[sflag:s28] =	ssyncadd.s32 @!p0 $0xFFFFE000  }
0x41: {  	_ =	swait.ge @!p0 [sflag:s28], $0x2000  }
0x42: {  	[sflag:s28] =	ssyncset.done @!p0 $0x0  }
0x43: {  	[sflag:s28] =	ssyncadd.s32 @!p0 $0xFFFFE000  }
0x44: {  	_ =	swait.ge @!p0 [sflag:s28], $0x2000  }
0x45: {  	[sflag:s28] =	ssyncset.done @!p0 $0x0  }
0x46: {  	[sflag:s28] =	ssyncadd.s32 @!p0 $0xFFFFE000  }
0x47: {  	_ =	swait.ge @!p0 [sflag:s28], $0x2000  }
0x48: {  	[sflag:s28] =	ssyncset.done @!p0 $0x0  }
0x49: {  	[sflag:s28] =	ssyncadd.s32 @!p0 $0xFFFFE000  }
0x4a: {  	_ =	swait.ge @!p0 [sflag:s28], $0x2000  }
0x4b: {  	[sflag:s28] =	ssyncset.done @!p0 $0x0  }
0x4c: {  	[sflag:s28] =	ssyncadd.s32 @!p0 $0xFFFFE000  }
0x4d: {  	_ =	swait.ge @!p0 [sflag:s28], $0x2000  }
0x4e: {  	[sflag:s28] =	ssyncset.done @!p0 $0x0  }
0x4f: {  	[sflag:s28] =	ssyncadd.s32 @!p0 $0xFFFFE000;
	s28 =	simm.s32 $0x0  }
0x50: {  	[tilespmem:s14], [sflag:$0x1] =	stream.indirect.gather [hbm4b:s4+s17], $0x40, s28, s17, $0xb8;
	[tilespmem:$0x1F000] =	vst v63  }
0x51: {  	s28 =	simm.s32 $0x80  }
0x52: {  	[tilespmem:s18], [sflag:$0x1] =	stream.indirect.gather [hbm4b:s4+s17], $0x40, s28, s17, $0xb8;
	[tilespmem:$0x1F000] =	vst v63  }
0x53: {  	s28 =	simm.s32 $0x100  }
0x54: {  	[tilespmem:s19], [sflag:$0x1] =	stream.indirect.gather [hbm4b:s4+s17], $0x40, s28, s17, $0xb8;
	[tilespmem:$0x1F000] =	vst v63  }
0x55: {  	s28 =	simm.s32 $0x180  }
0x56: {  	[tilespmem:s20], [sflag:$0x1] =	stream.indirect.gather [hbm4b:s4+s17], $0x40, s28, s17, $0xb8;
	[tilespmem:$0x1F000] =	vst v63  }
0x57: {  	s28 =	simm.s32 $0x200  }
0x58: {  	[tilespmem:s21], [sflag:$0x1] =	stream.indirect.gather [hbm4b:s4+s17], $0x40, s28, s17, $0xb8;
	[tilespmem:$0x1F000] =	vst v63  }
0x59: {  	s28 =	simm.s32 $0x280  }
0x5a: {  	[tilespmem:s22], [sflag:$0x1] =	stream.indirect.gather [hbm4b:s4+s17], $0x40, s28, s17, $0xb8;
	[tilespmem:$0x1F000] =	vst v63  }
0x5b: {  	s28 =	simm.s32 $0x300  }
0x5c: {  	[tilespmem:s23], [sflag:$0x1] =	stream.indirect.gather [hbm4b:s4+s17], $0x40, s28, s17, $0xb8;
	[tilespmem:$0x1F000] =	vst v63  }
0x5d: {  	s28 =	simm.s32 $0x380  }
0x5e: {  	[tilespmem:s24], [sflag:$0x1] =	stream.indirect.gather [hbm4b:s4+s17], $0x40, s28, s17, $0xb8;
	[tilespmem:$0x1F000] =	vst v63  }
0x5f: {  	_ =	swait.ge [sflag:s25], $0x2000  }
0x60: {  	[sflag:s25] =	ssyncset.done $0x0  }
0x61: {  	s28 =	simm.s32 $0x2800;
	[sflag:s25] =	ssyncadd.s32 $0xFFFFE000  }
0x62: {  	[spmem:s2] =	stream.indirect.scatter.add.f32 [tilespmem:s14], [sflag:$0x2], $0x40, s28, s17, $0xb8;
	[tilespmem:$0x1F000] =	vst v63  }
0x63: {  	_ =	swait.ge [sflag:s25], $0x2000  }
0x64: {  	[sflag:s25] =	ssyncset.done $0x0  }
0x65: {  	s28 =	simm.s32 $0x2880;
	[sflag:s25] =	ssyncadd.s32 $0xFFFFE000  }
0x66: {  	[spmem:s2] =	stream.indirect.scatter.add.f32 [tilespmem:s18], [sflag:$0x2], $0x40, s28, s17, $0xb8;
	[tilespmem:$0x1F000] =	vst v63  }
0x67: {  	_ =	swait.ge [sflag:s25], $0x2000  }
0x68: {  	[sflag:s25] =	ssyncset.done $0x0  }
0x69: {  	s28 =	simm.s32 $0x2900;
	[sflag:s25] =	ssyncadd.s32 $0xFFFFE000  }
0x6a: {  	[spmem:s2] =	stream.indirect.scatter.add.f32 [tilespmem:s19], [sflag:$0x2], $0x40, s28, s17, $0xb8;
	[tilespmem:$0x1F000] =	vst v63  }
0x6b: {  	_ =	swait.ge [sflag:s25], $0x2000  }
0x6c: {  	[sflag:s25] =	ssyncset.done $0x0  }
0x6d: {  	s28 =	simm.s32 $0x2980;
	[sflag:s25] =	ssyncadd.s32 $0xFFFFE000  }
0x6e: {  	[spmem:s2] =	stream.indirect.scatter.add.f32 [tilespmem:s20], [sflag:$0x2], $0x40, s28, s17, $0xb8;
	[tilespmem:$0x1F000] =	vst v63  }
0x6f: {  	_ =	swait.ge [sflag:s25], $0x2000  }
0x70: {  	[sflag:s25] =	ssyncset.done $0x0  }
0x71: {  	s28 =	simm.s32 $0x2A00;
	[sflag:s25] =	ssyncadd.s32 $0xFFFFE000  }
0x72: {  	[spmem:s2] =	stream.indirect.scatter.add.f32 [tilespmem:s21], [sflag:$0x2], $0x40, s28, s17, $0xb8;
	[tilespmem:$0x1F000] =	vst v63  }
0x73: {  	_ =	swait.ge [sflag:s25], $0x2000  }
0x74: {  	[sflag:s25] =	ssyncset.done $0x0  }
0x75: {  	s28 =	simm.s32 $0x2A80;
	[sflag:s25] =	ssyncadd.s32 $0xFFFFE000  }
0x76: {  	[spmem:s2] =	stream.indirect.scatter.add.f32 [tilespmem:s22], [sflag:$0x2], $0x40, s28, s17, $0xb8;
	[tilespmem:$0x1F000] =	vst v63  }
0x77: {  	_ =	swait.ge [sflag:s25], $0x2000  }
0x78: {  	[sflag:s25] =	ssyncset.done $0x0  }
0x79: {  	s28 =	simm.s32 $0x2B00;
	[sflag:s25] =	ssyncadd.s32 $0xFFFFE000  }
0x7a: {  	[spmem:s2] =	stream.indirect.scatter.add.f32 [tilespmem:s23], [sflag:$0x2], $0x40, s28, s17, $0xb8;
	[tilespmem:$0x1F000] =	vst v63  }
0x7b: {  	s29 =	simm.s32 $0x2000;
	p1 =	por $0x0, $0x0;
	_ =	swait.ge [sflag:s25], $0x2000  }
0x7c: {  	s30 =	simm.s32 $0x2B80;
	s28 =	simm.s32 $0x1000;
	[sflag:s25] =	ssyncset.done $0x0  }
.LBB2_4:
0x7d: {  	s31 =	simm.s32 @!p1 $0x2  }
0x7e: {  	[sflag:s25] =	ssyncadd.s32 $0xFFFFE000;
	s1 =	smov.u32 s29;
	s29 =	sadd.s32 $0x1000, s29  }
0x7f: {  	[spmem:s2] =	stream.indirect.scatter.add.f32 [tilespmem:s24], [sflag:$0x2], $0x40, s30, s17, $0xb8;
	[tilespmem:$0x1F000] =	vst v63  }
0x80: {  	p0 =	sne.s32 s29, $0xA000;
	_ =	swait.ge @!p1 [sflag:s31], $0x2000  }
0x81: {  	[sflag:s31] =	ssyncset.done @!p1 $0x0  }
0x82: {  	[sflag:s31] =	ssyncadd.s32 @!p1 $0xFFFFE000  }
0x83: {  	_ =	swait.ge @!p1 [sflag:s31], $0x2000  }
0x84: {  	[sflag:s31] =	ssyncset.done @!p1 $0x0  }
0x85: {  	[sflag:s31] =	ssyncadd.s32 @!p1 $0xFFFFE000  }
0x86: {  	_ =	swait.ge @!p1 [sflag:s31], $0x2000  }
0x87: {  	[sflag:s31] =	ssyncset.done @!p1 $0x0  }
0x88: {  	[sflag:s31] =	ssyncadd.s32 @!p1 $0xFFFFE000  }
0x89: {  	_ =	swait.ge @!p1 [sflag:s31], $0x2000  }
0x8a: {  	[sflag:s31] =	ssyncset.done @!p1 $0x0  }
0x8b: {  	[sflag:s31] =	ssyncadd.s32 @!p1 $0xFFFFE000  }
0x8c: {  	_ =	swait.ge @!p1 [sflag:s31], $0x2000  }
0x8d: {  	[sflag:s31] =	ssyncset.done @!p1 $0x0  }
0x8e: {  	[sflag:s31] =	ssyncadd.s32 @!p1 $0xFFFFE000  }
0x8f: {  	_ =	swait.ge @!p1 [sflag:s31], $0x2000  }
0x90: {  	[sflag:s31] =	ssyncset.done @!p1 $0x0  }
0x91: {  	[sflag:s31] =	ssyncadd.s32 @!p1 $0xFFFFE000  }
0x92: {  	_ =	swait.ge @!p1 [sflag:s31], $0x2000  }
0x93: {  	[sflag:s31] =	ssyncset.done @!p1 $0x0  }
0x94: {  	[sflag:s31] =	ssyncadd.s32 @!p1 $0xFFFFE000  }
0x95: {  	_ =	swait.ge @!p1 [sflag:s31], $0x2000  }
0x96: {  	[sflag:s31] =	ssyncset.done @!p1 $0x0  }
0x97: {  	s30 =	sshra.s32 s28, $0x2;
	s28 =	smov.u32 s1;
	[sflag:s31] =	ssyncadd.s32 @!p1 $0xFFFFE000  }
0x98: {  	[tilespmem:s14], [sflag:$0x1] =	stream.indirect.gather [hbm4b:s4+s17], $0x40, s30, s17, $0xb8;
	[tilespmem:$0x1F000] =	vst v63  }
0x99: {  	s1 =	sadd.s32 $0x80, s30  }
0x9a: {  	[tilespmem:s18], [sflag:$0x1] =	stream.indirect.gather [hbm4b:s4+s17], $0x40, s1, s17, $0xb8;
	[tilespmem:$0x1F000] =	vst v63  }
0x9b: {  	s1 =	sadd.s32 $0x100, s30  }
0x9c: {  	[tilespmem:s19], [sflag:$0x1] =	stream.indirect.gather [hbm4b:s4+s17], $0x40, s1, s17, $0xb8;
	[tilespmem:$0x1F000] =	vst v63  }
0x9d: {  	s1 =	sadd.s32 $0x180, s30  }
0x9e: {  	[tilespmem:s20], [sflag:$0x1] =	stream.indirect.gather [hbm4b:s4+s17], $0x40, s1, s17, $0xb8;
	[tilespmem:$0x1F000] =	vst v63  }
0x9f: {  	s1 =	sadd.s32 $0x200, s30  }
0xa0: {  	[tilespmem:s21], [sflag:$0x1] =	stream.indirect.gather [hbm4b:s4+s17], $0x40, s1, s17, $0xb8;
	[tilespmem:$0x1F000] =	vst v63  }
0xa1: {  	s1 =	sadd.s32 $0x280, s30  }
0xa2: {  	[tilespmem:s22], [sflag:$0x1] =	stream.indirect.gather [hbm4b:s4+s17], $0x40, s1, s17, $0xb8;
	[tilespmem:$0x1F000] =	vst v63  }
0xa3: {  	s1 =	sadd.s32 $0x300, s30  }
0xa4: {  	[tilespmem:s23], [sflag:$0x1] =	stream.indirect.gather [hbm4b:s4+s17], $0x40, s1, s17, $0xb8;
	[tilespmem:$0x1F000] =	vst v63  }
0xa5: {  	s1 =	sadd.s32 $0x380, s30  }
0xa6: {  	[tilespmem:s24], [sflag:$0x1] =	stream.indirect.gather [hbm4b:s4+s17], $0x40, s1, s17, $0xb8;
	[tilespmem:$0x1F000] =	vst v63  }
0xa7: {  	_ =	swait.ge [sflag:s25], $0x2000  }
0xa8: {  	[sflag:s25] =	ssyncset.done $0x0  }
0xa9: {  	s1 =	sadd.s32 $0x2800, s30;
	[sflag:s25] =	ssyncadd.s32 $0xFFFFE000  }
0xaa: {  	[spmem:s2] =	stream.indirect.scatter.add.f32 [tilespmem:s14], [sflag:$0x2], $0x40, s1, s17, $0xb8;
	[tilespmem:$0x1F000] =	vst v63  }
0xab: {  	_ =	swait.ge [sflag:s25], $0x2000  }
0xac: {  	[sflag:s25] =	ssyncset.done $0x0  }
0xad: {  	s1 =	sadd.s32 $0x2880, s30;
	[sflag:s25] =	ssyncadd.s32 $0xFFFFE000  }
0xae: {  	[spmem:s2] =	stream.indirect.scatter.add.f32 [tilespmem:s18], [sflag:$0x2], $0x40, s1, s17, $0xb8;
	[tilespmem:$0x1F000] =	vst v63  }
0xaf: {  	_ =	swait.ge [sflag:s25], $0x2000  }
0xb0: {  	[sflag:s25] =	ssyncset.done $0x0  }
0xb1: {  	s1 =	sadd.s32 $0x2900, s30;
	[sflag:s25] =	ssyncadd.s32 $0xFFFFE000  }
0xb2: {  	[spmem:s2] =	stream.indirect.scatter.add.f32 [tilespmem:s19], [sflag:$0x2], $0x40, s1, s17, $0xb8;
	[tilespmem:$0x1F000] =	vst v63  }
0xb3: {  	_ =	swait.ge [sflag:s25], $0x2000  }
0xb4: {  	[sflag:s25] =	ssyncset.done $0x0  }
0xb5: {  	s1 =	sadd.s32 $0x2980, s30;
	[sflag:s25] =	ssyncadd.s32 $0xFFFFE000  }
0xb6: {  	[spmem:s2] =	stream.indirect.scatter.add.f32 [tilespmem:s20], [sflag:$0x2], $0x40, s1, s17, $0xb8;
	[tilespmem:$0x1F000] =	vst v63  }
0xb7: {  	_ =	swait.ge [sflag:s25], $0x2000  }
0xb8: {  	[sflag:s25] =	ssyncset.done $0x0  }
0xb9: {  	s1 =	sadd.s32 $0x2A00, s30;
	[sflag:s25] =	ssyncadd.s32 $0xFFFFE000  }
0xba: {  	[spmem:s2] =	stream.indirect.scatter.add.f32 [tilespmem:s21], [sflag:$0x2], $0x40, s1, s17, $0xb8;
	[tilespmem:$0x1F000] =	vst v63  }
0xbb: {  	_ =	swait.ge [sflag:s25], $0x2000  }
0xbc: {  	[sflag:s25] =	ssyncset.done $0x0  }
0xbd: {  	s1 =	sadd.s32 $0x2A80, s30;
	[sflag:s25] =	ssyncadd.s32 $0xFFFFE000  }
0xbe: {  	[spmem:s2] =	stream.indirect.scatter.add.f32 [tilespmem:s22], [sflag:$0x2], $0x40, s1, s17, $0xb8;
	[tilespmem:$0x1F000] =	vst v63  }
0xbf: {  	_ =	swait.ge [sflag:s25], $0x2000  }
.Ltmp1:
0xc0: {  	[sflag:s25] =	ssyncset.done $0x0;
	(pc) =	sbr.rel @p0 .LBB2_4-.Ltmp1, $4  }
0xc1: {  	s1 =	sadd.s32 $0x2B00, s30;
	[sflag:s25] =	ssyncadd.s32 $0xFFFFE000  }
0xc2: {  	[spmem:s2] =	stream.indirect.scatter.add.f32 [tilespmem:s23], [sflag:$0x2], $0x40, s1, s17, $0xb8;
	[tilespmem:$0x1F000] =	vst v63  }
0xc3: {  	_ =	swait.ge [sflag:s25], $0x2000  }
0xc4: {  	p1 =	seq.s32 s28, $0x0;
	s30 =	sadd.s32 $0x2B80, s30;
	[sflag:s25] =	ssyncset.done $0x0  }
0xc5: {  	s1 =	simm.s32 @!p1 $0x2;
	[sflag:s25] =	ssyncadd.s32 $0xFFFFE000  }
0xc6: {  	[spmem:s2] =	stream.indirect.scatter.add.f32 [tilespmem:s24], [sflag:$0x2], $0x40, s30, s17, $0xb8;
	[tilespmem:$0x1F000] =	vst v63  }
0xc7: {  	_ =	swait.ge @!p1 [sflag:s1], $0x2000  }
0xc8: {  	[sflag:s1] =	ssyncset.done @!p1 $0x0  }
0xc9: {  	[sflag:s1] =	ssyncadd.s32 @!p1 $0xFFFFE000  }
0xca: {  	_ =	swait.ge @!p1 [sflag:s1], $0x2000  }
0xcb: {  	[sflag:s1] =	ssyncset.done @!p1 $0x0  }
0xcc: {  	[sflag:s1] =	ssyncadd.s32 @!p1 $0xFFFFE000  }
0xcd: {  	_ =	swait.ge @!p1 [sflag:s1], $0x2000  }
0xce: {  	[sflag:s1] =	ssyncset.done @!p1 $0x0  }
0xcf: {  	[sflag:s1] =	ssyncadd.s32 @!p1 $0xFFFFE000  }
0xd0: {  	_ =	swait.ge @!p1 [sflag:s1], $0x2000  }
0xd1: {  	[sflag:s1] =	ssyncset.done @!p1 $0x0  }
0xd2: {  	[sflag:s1] =	ssyncadd.s32 @!p1 $0xFFFFE000  }
0xd3: {  	_ =	swait.ge @!p1 [sflag:s1], $0x2000  }
0xd4: {  	[sflag:s1] =	ssyncset.done @!p1 $0x0  }
0xd5: {  	[sflag:s1] =	ssyncadd.s32 @!p1 $0xFFFFE000  }
0xd6: {  	_ =	swait.ge @!p1 [sflag:s1], $0x2000  }
0xd7: {  	[sflag:s1] =	ssyncset.done @!p1 $0x0  }
0xd8: {  	[sflag:s1] =	ssyncadd.s32 @!p1 $0xFFFFE000  }
0xd9: {  	_ =	swait.ge @!p1 [sflag:s1], $0x2000  }
0xda: {  	[sflag:s1] =	ssyncset.done @!p1 $0x0  }
0xdb: {  	[sflag:s1] =	ssyncadd.s32 @!p1 $0xFFFFE000  }
0xdc: {  	_ =	swait.ge @!p1 [sflag:s1], $0x2000  }
0xdd: {  	[sflag:s1] =	ssyncset.done @!p1 $0x0  }
0xde: {  	[sflag:s1] =	ssyncadd.s32 @!p1 $0xFFFFE000;
	s1 =	sshra.s32 s28, $0x2  }
0xdf: {  	[tilespmem:s14], [sflag:$0x1] =	stream.indirect.gather [hbm4b:s4+s17], $0x40, s1, s17, $0xb8;
	[tilespmem:$0x1F000] =	vst v63  }
0xe0: {  	s28 =	sadd.s32 $0x80, s1  }
0xe1: {  	[tilespmem:s18], [sflag:$0x1] =	stream.indirect.gather [hbm4b:s4+s17], $0x40, s28, s17, $0xb8;
	[tilespmem:$0x1F000] =	vst v63  }
0xe2: {  	s29 =	sadd.s32 $0x100, s1  }
0xe3: {  	[tilespmem:s19], [sflag:$0x1] =	stream.indirect.gather [hbm4b:s4+s17], $0x40, s29, s17, $0xb8;
	[tilespmem:$0x1F000] =	vst v63  }
0xe4: {  	s30 =	sadd.s32 $0x180, s1  }
0xe5: {  	[tilespmem:s20], [sflag:$0x1] =	stream.indirect.gather [hbm4b:s4+s17], $0x40, s30, s17, $0xb8;
	[tilespmem:$0x1F000] =	vst v63  }
0xe6: {  	s31 =	sadd.s32 $0x200, s1  }
0xe7: {  	[tilespmem:s21], [sflag:$0x1] =	stream.indirect.gather [hbm4b:s4+s17], $0x40, s31, s17, $0xb8;
	[tilespmem:$0x1F000] =	vst v63  }
0xe8: {  	s29 =	sadd.s32 $0x280, s1  }
0xe9: {  	[tilespmem:s22], [sflag:$0x1] =	stream.indirect.gather [hbm4b:s4+s17], $0x40, s29, s17, $0xb8;
	[tilespmem:$0x1F000] =	vst v63  }
0xea: {  	s30 =	sadd.s32 $0x300, s1  }
0xeb: {  	[tilespmem:s23], [sflag:$0x1] =	stream.indirect.gather [hbm4b:s4+s17], $0x40, s30, s17, $0xb8;
	[tilespmem:$0x1F000] =	vst v63  }
0xec: {  	s31 =	sadd.s32 $0x380, s1  }
0xed: {  	[tilespmem:s24], [sflag:$0x1] =	stream.indirect.gather [hbm4b:s4+s17], $0x40, s31, s17, $0xb8;
	[tilespmem:$0x1F000] =	vst v63  }
0xee: {  	_ =	swait.ge [sflag:s25], $0x2000  }
0xef: {  	[sflag:s25] =	ssyncset.done $0x0  }
0xf0: {  	s29 =	sadd.s32 $0x2800, s1;
	[sflag:s25] =	ssyncadd.s32 $0xFFFFE000  }
0xf1: {  	[spmem:s2] =	stream.indirect.scatter.add.f32 [tilespmem:s14], [sflag:$0x2], $0x40, s29, s17, $0xb8;
	[tilespmem:$0x1F000] =	vst v63  }
0xf2: {  	_ =	swait.ge [sflag:s25], $0x2000  }
0xf3: {  	[sflag:s25] =	ssyncset.done $0x0  }
0xf4: {  	s30 =	sadd.s32 $0x2880, s1;
	[sflag:s25] =	ssyncadd.s32 $0xFFFFE000  }
0xf5: {  	[spmem:s2] =	stream.indirect.scatter.add.f32 [tilespmem:s18], [sflag:$0x2], $0x40, s30, s17, $0xb8;
	[tilespmem:$0x1F000] =	vst v63  }
0xf6: {  	_ =	swait.ge [sflag:s25], $0x2000  }
0xf7: {  	[sflag:s25] =	ssyncset.done $0x0  }
0xf8: {  	s31 =	sadd.s32 $0x2900, s1;
	[sflag:s25] =	ssyncadd.s32 $0xFFFFE000  }
0xf9: {  	[spmem:s2] =	stream.indirect.scatter.add.f32 [tilespmem:s19], [sflag:$0x2], $0x40, s31, s17, $0xb8;
	[tilespmem:$0x1F000] =	vst v63  }
0xfa: {  	_ =	swait.ge [sflag:s25], $0x2000  }
0xfb: {  	[sflag:s25] =	ssyncset.done $0x0  }
0xfc: {  	s29 =	sadd.s32 $0x2980, s1;
	[sflag:s25] =	ssyncadd.s32 $0xFFFFE000  }
0xfd: {  	[spmem:s2] =	stream.indirect.scatter.add.f32 [tilespmem:s20], [sflag:$0x2], $0x40, s29, s17, $0xb8;
	[tilespmem:$0x1F000] =	vst v63  }
0xfe: {  	_ =	swait.ge [sflag:s25], $0x2000  }
0xff: {  	[sflag:s25] =	ssyncset.done $0x0  }
0x100: {  	s30 =	sadd.s32 $0x2A00, s1;
	[sflag:s25] =	ssyncadd.s32 $0xFFFFE000  }
0x101: {  	[spmem:s2] =	stream.indirect.scatter.add.f32 [tilespmem:s21], [sflag:$0x2], $0x40, s30, s17, $0xb8;
	[tilespmem:$0x1F000] =	vst v63  }
0x102: {  	_ =	swait.ge [sflag:s25], $0x2000  }
0x103: {  	[sflag:s25] =	ssyncset.done $0x0  }
0x104: {  	s31 =	sadd.s32 $0x2A80, s1;
	[sflag:s25] =	ssyncadd.s32 $0xFFFFE000  }
0x105: {  	[spmem:s2] =	stream.indirect.scatter.add.f32 [tilespmem:s22], [sflag:$0x2], $0x40, s31, s17, $0xb8;
	[tilespmem:$0x1F000] =	vst v63  }
0x106: {  	_ =	swait.ge [sflag:s25], $0x2000  }
0x107: {  	[sflag:s25] =	ssyncset.done $0x0  }
0x108: {  	s29 =	sadd.s32 $0x2B00, s1;
	[sflag:s25] =	ssyncadd.s32 $0xFFFFE000  }
0x109: {  	[spmem:s2] =	stream.indirect.scatter.add.f32 [tilespmem:s23], [sflag:$0x2], $0x40, s29, s17, $0xb8;
	[tilespmem:$0x1F000] =	vst v63  }
0x10a: {  	_ =	swait.ge [sflag:s25], $0x2000  }
0x10b: {  	[sflag:s25] =	ssyncset.done $0x0  }
0x10c: {  	s1 =	sadd.s32 $0x2B80, s1;
	[sflag:s25] =	ssyncadd.s32 $0xFFFFE000  }
0x10d: {  	[spmem:s2] =	stream.indirect.scatter.add.f32 [tilespmem:s24], [sflag:$0x2], $0x40, s1, s17, $0xb8;
	[tilespmem:$0x1F000] =	vst v63  }
0x10e: {  	_ =	swait.ge [sflag:s26], $0x2000  }
0x10f: {  	[sflag:s26] =	ssyncset.done $0x0  }
0x110: {  	[sflag:s26] =	ssyncadd.s32 $0xFFFFE000  }
0x111: {  	_ =	swait.ge [sflag:s26], $0x2000  }
0x112: {  	[sflag:s26] =	ssyncset.done $0x0  }
0x113: {  	[sflag:s26] =	ssyncadd.s32 $0xFFFFE000  }
0x114: {  	_ =	swait.ge [sflag:s26], $0x2000  }
0x115: {  	[sflag:s26] =	ssyncset.done $0x0  }
0x116: {  	[sflag:s26] =	ssyncadd.s32 $0xFFFFE000  }
0x117: {  	_ =	swait.ge [sflag:s26], $0x2000  }
0x118: {  	[sflag:s26] =	ssyncset.done $0x0  }
0x119: {  	[sflag:s26] =	ssyncadd.s32 $0xFFFFE000  }
0x11a: {  	_ =	swait.ge [sflag:s26], $0x2000  }
0x11b: {  	[sflag:s26] =	ssyncset.done $0x0  }
0x11c: {  	[sflag:s26] =	ssyncadd.s32 $0xFFFFE000  }
0x11d: {  	_ =	swait.ge [sflag:s26], $0x2000  }
0x11e: {  	[sflag:s26] =	ssyncset.done $0x0  }
0x11f: {  	[sflag:s26] =	ssyncadd.s32 $0xFFFFE000  }
0x120: {  	_ =	swait.ge [sflag:s26], $0x2000  }
0x121: {  	[sflag:s26] =	ssyncset.done $0x0  }
0x122: {  	[sflag:s26] =	ssyncadd.s32 $0xFFFFE000  }
0x123: {  	s3 =	sadd.s32 $0x1, s3;
	_ =	swait.ge [sflag:s26], $0x2000  }
0x124: {  	p0 =	sne.s32 s3, s9;
	[sflag:s26] =	ssyncset.done $0x0  }
0x125: {  	s30 =	sshll.u32 s0, $0x6;
	s31 =	sshrl.u32 s5, $0x3;
	[sflag:s26] =	ssyncadd.s32 $0xFFFFE000  }
.Ltmp2:
0x126: {  	s1 =	sor.u32 $0x1C03, s30;
	[bflag:$0x0] =	sbarrier.arrive $0xFFFF;
	(pc) =	sbr.rel @p0 .LBB2_1-.Ltmp2, $4  }
0x127: {  	[hbm:s8], [sflag:s1] =	dma.local [spmem:s31], $0x1400  }
0x128: {  	_ =	swait.ge [sflag:s15], $0x1400  }
0x129: {  	[sflag:s15] =	ssyncset.done $0x0  }
0x12a: {  	[sflag:s15] =	ssyncadd.s32 $0xFFFFEC00  }
0x12b: {  	_ =	sfence.sel $0x180000  }
0x12c: {  	[bflag:$0x0] =	sbarrier.arrive $0xFFFF  }
0x12d: {  	_ =	strace $0x9000004D  }
0x12e: {  	[bflag:$0x2] =	sbarrier.arrive $0xFFFF  }
0x12f: {  	p0 =	sne.s32 s0, $0x0;
	s0 =	rddreg [dreg:$0x2]  }
0x130: {  	s0 =	sadd.s32 @!p0 $0x100000, s0  }
0x131: {  	[sflag:s0] =	ssyncadd.tile.s32 @!p0 $0x1;
	_ =	shalt  }
.Lfunc_end2:
_tile_overlayer_lowered:
.L_overlay_start_2:
0x132: {  	(tag) =	ssettag $0x2  }
0x133: {  	s0 =	rddreg [dreg:$0x0];
	s2 =	stileid.u32  }
0x134: {  	s1 =	rddreg [dreg:$0x1];
	p0 =	sne.s32 s2, $0x0  }
0x135: {  	s3 =	rddreg [dreg:$0x2];
	[bflag:$0x3] =	sbarrier.arrive $0xFFFF;
	s2 =	simm.s32 @!p0 $0x1C03  }
0x136: {  	[timem:s3], [sflag:s2] =	dma.local @!p0 [hbm:s0], s1  }
0x137: {  	s0 =	simm.s32 @!p0 $0x3  }
0x138: {  	_ =	swait.ge @!p0 [sflag:s0], s1  }
0x139: {  	s1 =	ssub.s32 @!p0 $0x0, s1;
	[sflag:s0] =	ssyncset.done @!p0 $0x0  }
0x13a: {  	[sflag:s0] =	ssyncadd.s32 @!p0 s1  }
0x13b: {  	[bflag:$0x3] =	sbarrier.arrive $0xFFFF  }
0x13c: {  	_ =	shalt  }

// kernel: kernel.8.cloned.1.call-start
scs
__scs_entry_jumppad:
0x0: {  	(pc) =	sbr.rel $0x88, $3  }
0x1: {  	(tag) =	ssettag $0x0;
	lr =	simm.s32 $0x1  }
0x2: {  	[smem:$0x3F9B] =	sst lr;
	_ =	strace $0xD0000000  }
0x3: {  	_ = 	snop  }
0x4: {  	_ = 	snop  }
0x5: {  	_ = 	snop  }
0x6: {  	_ = 	snop  }
0x7: {  	_ = 	snop  }
__scs_overlays_trampoline_lowered:
0x8: {  	[smem:$0x3FAA] =	sst s0  }
0x9: {  	[smem:$0x3FAB] =	sst s1  }
0xa: {  	[smem:$0x3FAC] =	sst s2  }
0xb: {  	[smem:$0x3FAD] =	sst s3  }
0xc: {  	[smem:$0x3FAE] =	sst s4  }
0xd: {  	[smem:$0x3FAF] =	sst s5  }
0xe: {  	[smem:$0x3FB0] =	sst s6  }
0xf: {  	[smem:$0x3FB1] =	sst s7  }
0x10: {  	[smem:$0x3FB2] =	sst s8  }
0x11: {  	[smem:$0x3FB3] =	sst s9;
	s0 =	simm.s32 @!p0 $0x0  }
0x12: {  	s1 =	sld [smem:$0x3F99];
	s0 =	simm.s32 @p0 $0x1  }
0x13: {  	[smem:$0x3FB4] =	sst s0;
	s0 =	simm.s32 @!p1 $0x0  }
0x14: {  	s2 =	sld [smem:$0x3F98];
	s0 =	simm.s32 @p1 $0x1  }
0x15: {  	[smem:$0x3FB5] =	sst s0;
	s0 =	simm.s32 @!p2 $0x0  }
0x16: {  	s3 =	sld [smem:$0x3FDB];
	s0 =	simm.s32 @p2 $0x1  }
0x17: {  	s4 =	simm.s32 $0x1BF5;
	[smem:$0x3FB7] =	sst s0  }
0x18: {  	s0 =	sld [smem:$0x3F9A];
	_ =	swait.ge [sflag:s4], $0x0  }
0x19: {  	s7 =	sld [smem:$0x3F9B]  }
0x1a: {  	s8 =	sadd.s32 $0xFFFFE003, lr  }
0x1b: {  	s9 =	sadd.s32 $0xFFFFFEF7, lr;
	s5 =	simm.s32 $0xFFFFFFFF;
	p2 =	slt.u32 s8, $0xFFFFF086  }
0x1c: {  	p1 =	slt.u32 s9, $0xF7A;
	s5 =	simm.s32 @!p2 $0x0  }
0x1d: {  	s5 =	simm.s32 @p1 $0x1;
	p0 =	seq.s32 s7, s2  }
0x1e: {  	s7 =	smul.u32 @!p0 $0xF7A, s2;
	p2 =	seq.s32 @!p0 s5, $0x0  }
0x1f: {  	s9 =	smul.u32 $0xF7A, s1;
	s8 =	simm.s32 @!p0 $0x1BF5;
	p2 =	por !p2, p0  }
0x20: {  	[sflag:s8] =	ssyncset.s32 @!p0 $0xFFFFF086;
	s6 =	sadd.s32 @!p0 s3, s7;
	s7 =	simm.s32 @!p0 $0x108  }
0x21: {  	s3 =	sadd.s32 s3, s9;
	s6 =	sadd.s32 @!p0 $0x88, s6;
	s7 =	simm.s32 @p2 $0x1082  }
0x22: {  	[simem:s7], [sflag:s8] =	dma.local @!p0 [hbm:s6], $0xF7A  }
0x23: {  	s9 =	sor.u32 $0xD0000000, s2;
	s6 =	simm.s32 $0x108;
	_ =	swait.ge @!p0 [sflag:s8], $0x0  }
0x24: {  	s3 =	sadd.s32 $0x88, s3;
	s6 =	simm.s32 @!p1 $0x1082;
	[sflag:s4] =	ssyncset.s32 $0xFFFFF086  }
0x25: {  	[simem:s6], [sflag:s4] =	dma.local [hbm:s3], $0xF7A  }
0x26: {  	[smem:$0x3F9B] =	sst s1;
	(tag) =	ssettag s2;
	_ =	strace s9  }
0x27: {  	s1 =	sld [smem:$0x3FAB]  }
0x28: {  	s2 =	sld [smem:$0x3FAC]  }
0x29: {  	s4 =	sld [smem:$0x3FAE]  }
0x2a: {  	p0 =	seq.s32 s5, $0x0;
	s5 =	sld [smem:$0x3FAF]  }
0x2b: {  	s6 =	sld [smem:$0x3FB0]  }
0x2c: {  	s7 =	sld [smem:$0x3FB1]  }
0x2d: {  	s3 =	simm.s32 $0x108;
	s8 =	sld [smem:$0x3FB2]  }
0x2e: {  	s3 =	simm.s32 @!p0 $0x1082;
	s9 =	sld [smem:$0x3FB3]  }
0x2f: {  	lr =	sadd.s32 s0, s3;
	s0 =	sld [smem:$0x3FAA]  }
0x30: {  	s3 =	sld [smem:$0x3FAD]  }
0x31: {  	[smem:$0x3FB6] =	sst s10  }
0x32: {  	s10 =	sld [smem:$0x3FB4];
	_ =	sdelay $0x3  }
0x33: {  	p0 =	seq.s32 s10, $0x1;
	s10 =	sld [smem:$0x3FB6];
	_ =	sdelay $0x3  }
0x34: {  	[smem:$0x3FB6] =	sst s10  }
0x35: {  	s10 =	sld [smem:$0x3FB5];
	_ =	sdelay $0x3  }
0x36: {  	p1 =	seq.s32 s10, $0x1;
	s10 =	sld [smem:$0x3FB6];
	_ =	sdelay $0x3  }
0x37: {  	[smem:$0x3FB6] =	sst s10  }
0x38: {  	s10 =	sld [smem:$0x3FB7]  }
0x39: {  	_ = 	snop;
	(pc) =	sbr.ind lr, $3  }
0x3a: {  	_ = 	snop  }
0x3b: {  	_ = 	snop  }
0x3c: {  	p2 =	seq.s32 s10, $0x1;
	s10 =	sld [smem:$0x3FB6]  }
0x3d: {  	_ =	shalt  }
0x3e: {  	_ =	shalt  }
0x3f: {  	_ =	shalt  }
0x40: {  	_ =	shalt  }
0x41: {  	_ =	shalt  }
0x42: {  	_ =	shalt  }
0x43: {  	_ =	shalt  }
0x44: {  	_ =	shalt  }
0x45: {  	_ =	shalt  }
0x46: {  	_ =	shalt  }
0x47: {  	_ =	shalt  }
0x48: {  	_ =	shalt  }
0x49: {  	_ =	shalt  }
0x4a: {  	_ =	shalt  }
0x4b: {  	_ =	shalt  }
0x4c: {  	_ =	shalt  }
0x4d: {  	_ =	shalt  }
0x4e: {  	_ =	shalt  }
0x4f: {  	_ =	shalt  }
0x50: {  	_ =	shalt  }
0x51: {  	_ =	shalt  }
0x52: {  	_ =	shalt  }
0x53: {  	_ =	shalt  }
0x54: {  	_ =	shalt  }
0x55: {  	_ =	shalt  }
0x56: {  	_ =	shalt  }
0x57: {  	_ =	shalt  }
0x58: {  	_ =	shalt  }
0x59: {  	_ =	shalt  }
0x5a: {  	_ =	shalt  }
0x5b: {  	_ =	shalt  }
0x5c: {  	_ =	shalt  }
0x5d: {  	_ =	shalt  }
0x5e: {  	_ =	shalt  }
0x5f: {  	_ =	shalt  }
0x60: {  	_ =	shalt  }
0x61: {  	_ =	shalt  }
0x62: {  	_ =	shalt  }
0x63: {  	_ =	shalt  }
0x64: {  	_ =	shalt  }
0x65: {  	_ =	shalt  }
0x66: {  	_ =	shalt  }
0x67: {  	_ =	shalt  }
0x68: {  	_ =	shalt  }
0x69: {  	_ =	shalt  }
0x6a: {  	_ =	shalt  }
0x6b: {  	_ =	shalt  }
0x6c: {  	_ =	shalt  }
0x6d: {  	_ =	shalt  }
0x6e: {  	_ =	shalt  }
0x6f: {  	_ =	shalt  }
0x70: {  	_ =	shalt  }
0x71: {  	_ =	shalt  }
0x72: {  	_ =	shalt  }
0x73: {  	_ =	shalt  }
0x74: {  	_ =	shalt  }
0x75: {  	_ =	shalt  }
0x76: {  	_ =	shalt  }
0x77: {  	_ =	shalt  }
0x78: {  	_ =	shalt  }
0x79: {  	_ =	shalt  }
0x7a: {  	_ =	shalt  }
0x7b: {  	_ =	shalt  }
0x7c: {  	_ =	shalt  }
0x7d: {  	_ =	shalt  }
0x7e: {  	_ =	shalt  }
0x7f: {  	_ =	shalt  }
0x80: {  	_ =	shalt  }
0x81: {  	_ =	shalt  }
0x82: {  	_ =	shalt  }
0x83: {  	_ =	shalt  }
0x84: {  	_ =	shalt  }
0x85: {  	_ =	shalt  }
0x86: {  	_ =	shalt  }
0x87: {  	_ =	shalt  }
.Lfunc_end0:
.L_simem_size_0:
called_computation_lowered:
.L_overlay_start_0:
0x88: {  	s2 =	sld [smem:$0x3FD9]  }
0x89: {  	s3 =	sld [smem:$0x3FFE];
	_ =	sdelay $0x1  }
0x8a: {  	s1 =	srdreg.scid  }
0x8b: {  	s0 =	sand.u32 $0x1, s1  }
0x8c: {  	s16 =	sshll.u32 s0, $0xA;
	s2 =	sadd.s32 s3, s2  }
0x8d: {  	s2 =	sadd.s32 s2, s16  }
0x8e: {  	[smem:$0x3FC2] =	sst s2  }
0x8f: {  	_ = 	snop  }
0x90: {  	(tm) =	ssettm $0x1  }
0x91: {  	s17 =	sld [smem:$0x3FFB];
	_ =	sdelay $0x3  }
0x92: {  	_ =	strace s17  }
0x93: {  	s2 =	sld [smem:$0x3FFC];
	_ =	sdelay $0x3  }
0x94: {  	_ =	strace s2  }
0x95: {  	s2 =	sld [smem:$0x3FFD];
	_ =	sdelay $0x3  }
0x96: {  	_ =	strace s2  }
0x97: {  	_ =	strace $0x8FFFFFFF  }
0x98: {  	s18 =	sld [smem:$0x3FDB];
	_ =	sdelay $0x1  }
0x99: {  	s19 =	simm.s32 $_scs_section_size  }
0x9a: {  	s4 =	simm.s32 $_size__tile_overlayer_lowered;
	s5 =	simm.s32 $_tile_overlayer_lowered  }
0x9b: {  	s22 =	simm.s32 $0x1BFF;
	s21 =	sshll.u32 s5, $0x1;
	s2 =	sadd.s32 s19, s18  }
0x9c: {  	s6 =	simm.s32 $0x0;
	s20 =	sshll.u32 s4, $0x1;
	s4 =	sadd.s32 s21, s2  }
0x9d: {  	[timem:s6], [sflag:s22] =	dma.local [hbm:s4], s20  }
0x9e: {  	_ =	swait.ge [sflag:s22], s20  }
0x9f: {  	s3 =	ssub.s32 $0x0, s20;
	[sflag:s22] =	ssyncset.done $0x0  }
0xa0: {  	[sflag:s22] =	ssyncadd.s32 s3;
	_ =	sdelay $0x1  }
0xa1: {  	s23 =	simm.s32 $0x1B8B  }
0xa2: {  	_ =	swait.ge [sflag:s23], $0x1  }
0xa3: {  	[sflag:s23] =	ssyncset.done $0x0  }
0xa4: {  	s25 =	simm.s32 $0x1B8E;
	s24 =	sld [smem:$0x3FFE];
	[sflag:s23] =	ssyncadd.s32 $0xFFFFFFFF  }
0xa5: {  	s26 =	simm.s32 $execute0_lowered;
	[smem:$0x3FD2] =	sst s25  }
0xa6: {  	s4 =	sshll.u32 s26, $0x1;
	_ =	strace $0x80000046;
	[dreg:$0x1] =	wrdreg $0xFFFFFFFF  }
0xa7: {  	s28 =	simm.s32 $_size_execute0_lowered;
	s2 =	sadd.s32 s2, s4;
	[dreg:$0x0] =	wrdreg $0x0  }
0xa8: {  	s4 =	sshll.u32 s28, $0x1;
	[dreg:$0x2] =	wrdreg s2  }
0xa9: {  	[dreg:$0x3] =	wrdreg s4  }
0xaa: {  	[dreg:$0x4] =	wrdreg $0xC0  }
0xab: {  	_ =	task [dreg:s6], $0x5FFFF  }
0xac: {  	[dreg:$0x1] =	wrdreg $0xFFFFFFFF  }
0xad: {  	[dreg:$0x0] =	wrdreg $0x60  }
0xae: {  	[dreg:$0x2] =	wrdreg s24  }
0xaf: {  	[dreg:$0x3] =	wrdreg $0xCB000  }
0xb0: {  	[dreg:$0x4] =	wrdreg $0x9  }
0xb1: {  	_ =	task.clear_ibuf [dreg:s6], $0x5FFFF;
	_ =	strace $0x90000046  }
0xb2: {  	s29 =	simm.s32 $0x9;
	_ =	strace $0x80000048  }
0xb3: {  	_ =	swait.ge [sflag:s29], $0x1  }
0xb4: {  	[sflag:s29] =	ssyncadd.s32 $0xFFFFFFFF  }
0xb5: {  	_ =	strace $0x90000048  }
0xb6: {  	_ =	sfence  }
0xb7: {  	s30 =	sld [smem:$0x0];
	_ =	sdelay $0x2  }
0xb8: {  	s31 =	sshll.u32 s1, $0xD;
	s1 =	sshrl.u32 s1, $0x2  }
0xb9: {  	s3 =	sand.u32 $0x4000, s31;
	s1 =	sadd.s32 s1, s30  }
0xba: {  	s0 =	sor.u32 s3, s0;
	s1 =	sshll.u32 s1, $0x11  }
0xbb: {  	s0 =	sor.u32 s1, s0  }
0xbc: {  	s0 =	sadd.s32 $0x8F2B, s0  }
0xbd: {  	[sflag:s0] =	ssyncadd.remote.s32 $0x1  }
0xbe: {  	_ =	sfence.sel $0xFFFF  }
0xbf: {  	[dreg:$0x0] =	wrdreg $0xFFFFFFFF;
	(pc) =	sbr.abs _section_cstart, $3  }
0xc0: {  	[dreg:$0x1] =	wrdreg $0xFFFFFFFF  }
0xc1: {  	_ =	task.clear_ibuf [dreg:s6], $0x2FFFF;
	_ =	strace $0x9FFFFFFF  }
0xc2: {  	(tm) =	ssettm $0x7FFFFFFF  }
0xc3: {  	_ =	shalt  }
tec
execute0_lowered:
.L_overlay_start_1:
0x0: {  	(tag) =	ssettag $0x1  }
0x1: {  	s4 =	rddreg [dreg:$0x0]  }
0x2: {  	s2 =	rddreg [dreg:$0x1]  }
0x3: {  	s1 =	srdreg.scid;
	s0 =	rddreg [dreg:$0x2]  }
0x4: {  	s3 =	simm.s32 $0x0;
	s10 =	simm.s32 $0x80;
	s11 =	simm.s32 $0x2A80  }
0x5: {  	s12 =	simm.s32 $0x1;
	s13 =	simm.s32 $0x2B00;
	s5 =	sand.u32 $0x1, s1  }
0x6: {  	s14 =	simm.s32 $0x0;
	s1 =	stileid.u32;
	s6 =	smul.u32 $0x14000, s5  }
0x7: {  	[smem:$0x7FF] =	sst s3;
	s7 =	sshll.u32 s5, $0x4;
	s8 =	smul.u32 $0x1400, s1  }
0x8: {  	_ =	strace $0x80000047;
	s31 =	smul.u32 $0xA00, s1;
	s7 =	sor.u32 s1, s7  }
0x9: {  	s5 =	ssub.s32 $0x2, s5;
	s7 =	smul.u32 $0x2800, s7;
	s6 =	sadd.s32 s8, s6  }
0xa: {  	s9 =	sshrl.u32 s5, $0x1;
	s8 =	sshrl.u32 s31, $0x2;
	s6 =	sadd.s32 s6, s4  }
0xb: {  	s9 =	ssub.s32 s5, s9;
	s7 =	sshrl.u32 s7, $0x3;
	s6 =	sadd.s32 $0x16A00, s6  }
0xc: {  	s7 =	sadd.s32 s4, s7;
	s4 =	sadd.s32 s8, s2;
	s8 =	simm.s32 $0x2800  }
0xd: {  	v0 =	vimm.f32 $0.0e+00;
	v1 =	vimm.f32 $1.000000000e+00;
	s5 =	sadd.s32 $0xCA00, s7;
	s7 =	smax.u32 s9, $0x1;
	s9 =	simm.s32 $0x2  }
.LBB2_1:
0xe: {  	[tilespmem:$0x2800] =	vst v0  }
0xf: {  	[tilespmem:$0x2810] =	vst v0  }
0x10: {  	[tilespmem:$0x2820] =	vst v0  }
0x11: {  	[tilespmem:$0x2830] =	vst v0  }
0x12: {  	[tilespmem:$0x2840] =	vst v0  }
0x13: {  	[tilespmem:$0x2850] =	vst v0  }
0x14: {  	[tilespmem:$0x2860] =	vst v0  }
0x15: {  	[tilespmem:$0x2870] =	vst v0  }
0x16: {  	[tilespmem:$0x2880] =	vst v0  }
0x17: {  	[tilespmem:$0x2890] =	vst v0  }
0x18: {  	[tilespmem:$0x28A0] =	vst v0  }
0x19: {  	[tilespmem:$0x28B0] =	vst v0  }
0x1a: {  	[tilespmem:$0x28C0] =	vst v0  }
0x1b: {  	[tilespmem:$0x28D0] =	vst v0  }
0x1c: {  	[tilespmem:$0x28E0] =	vst v0  }
0x1d: {  	[tilespmem:$0x28F0] =	vst v0  }
0x1e: {  	[tilespmem:$0x2900] =	vst v0  }
0x1f: {  	[tilespmem:$0x2910] =	vst v0  }
0x20: {  	[tilespmem:$0x2920] =	vst v0  }
0x21: {  	[tilespmem:$0x2930] =	vst v0  }
0x22: {  	[tilespmem:$0x2940] =	vst v0  }
0x23: {  	[tilespmem:$0x2950] =	vst v0  }
0x24: {  	[tilespmem:$0x2960] =	vst v0  }
0x25: {  	[tilespmem:$0x2970] =	vst v0  }
0x26: {  	[tilespmem:$0x2980] =	vst v0  }
0x27: {  	[tilespmem:$0x2990] =	vst v0  }
0x28: {  	[tilespmem:$0x29A0] =	vst v0  }
0x29: {  	[tilespmem:$0x29B0] =	vst v0  }
0x2a: {  	[tilespmem:$0x29C0] =	vst v0  }
0x2b: {  	[tilespmem:$0x29D0] =	vst v0  }
0x2c: {  	[tilespmem:$0x29E0] =	vst v0  }
0x2d: {  	[tilespmem:$0x29F0] =	vst v0  }
0x2e: {  	[tilespmem:$0x2A00] =	vst v0  }
0x2f: {  	[tilespmem:$0x2A10] =	vst v0  }
0x30: {  	[tilespmem:$0x2A20] =	vst v0  }
0x31: {  	[tilespmem:$0x2A30] =	vst v0  }
0x32: {  	[tilespmem:$0x2A40] =	vst v0  }
0x33: {  	[tilespmem:$0x2A50] =	vst v0  }
0x34: {  	[tilespmem:$0x2A60] =	vst v0  }
0x35: {  	[tilespmem:$0x2A70] =	vst v0  }
0x36: {  	[tilespmem:$0x2A80] =	vst v1  }
0x37: {  	[tilespmem:$0x2A90] =	vst v1  }
0x38: {  	[tilespmem:$0x2AA0] =	vst v1  }
0x39: {  	[tilespmem:$0x2AB0] =	vst v1  }
0x3a: {  	[tilespmem:$0x2AC0] =	vst v1  }
0x3b: {  	[tilespmem:$0x2AD0] =	vst v1  }
0x3c: {  	[tilespmem:$0x2AE0] =	vst v1  }
0x3d: {  	[tilespmem:$0x2AF0] =	vst v1  }
0x3e: {  	[spmem:s4] =	stream.linear.scatter [tilespmem:s8], [sflag:$0x2], $0x280, $0x38;
	[tilespmem:$0xCD80] =	vst v63  }
0x3f: {  	_ =	swait.ge [sflag:s9], $0x280  }
0x40: {  	[sflag:s9] =	ssyncset.done $0x0  }
0x41: {  	[sflag:s9] =	ssyncadd.s32 $0xFFFFFD80  }
0x42: {  	[tilespmem:s3], [sflag:$0x2] =	stream.linear.gather [hbm4b:s5+s3], $0x2800, $0x38;
	[tilespmem:$0xCD80] =	vst v63  }
0x43: {  	_ =	swait.ge [sflag:s9], $0x2800  }
0x44: {  	[sflag:s9] =	ssyncset.done $0x0  }
0x45: {  	[sflag:s9] =	ssyncadd.s32 $0xFFFFD800  }
0x46: {  	s15 =	simm.s32 $0x0;
	[bflag:$0x0] =	sbarrier.arrive $0xFFFF  }
.LBB2_2:
0x47: {  	p0 =	sne.s32 s15, $0x9E00  }
.Ltmp0:
0x48: {  	_ = 	snop;
	(pc) =	sbr.rel @p0 .LBB2_2-.Ltmp0, $3  }
0x49: {  	_ =	sdelay $0x1  }
0x4a: {  	s16 =	sshra.s32 s15, $0x2;
	s15 =	sadd.s32 $0x200, s15  }
0x4b: {  	[spmem:s2] =	stream.indirect.scatter.add.f32 [tilespmem:s11], [sflag:$0x1], $0x1, s16, s10, $0xb8;
	[tilespmem:$0xCD80] =	vst v63  }
0x4c: {  	_ =	swait.ge [sflag:s12], $0x80  }
0x4d: {  	s15 =	simm.s32 $0x4F;
	[sflag:s12] =	ssyncset.done $0x0  }
.LBB2_4:
0x4e: {  	p0 =	sne.s32 s15, $0x1;
	s15 =	sadd.s32 $0xFFFFFFFF, s15;
	[sflag:s12] =	ssyncadd.s32 $0xFFFFFF80  }
.Ltmp1:
0x4f: {  	(pc) =	sbr.rel @p0 .LBB2_4-.Ltmp1, $3  }
0x50: {  	_ =	sdelay $0x1  }
0x51: {  	_ =	swait.ge [sflag:s12], $0x80  }
0x52: {  	[sflag:s12] =	ssyncset.done $0x0  }
0x53: {  	[sflag:s12] =	ssyncadd.s32 $0xFFFFFF80  }
0x54: {  	[bflag:$0x0] =	sbarrier.arrive $0xFFFF  }
0x55: {  	[tilespmem:s8], [sflag:$0x2] =	stream.linear.gather [spmem:s4], $0x280, $0x38;
	[tilespmem:$0xCD80] =	vst v63  }
0x56: {  	_ =	swait.ge [sflag:s9], $0x280  }
0x57: {  	[sflag:s9] =	ssyncset.done $0x0  }
0x58: {  	s15 =	simm.s32 $0x0;
	[sflag:s9] =	ssyncadd.s32 $0xFFFFFD80  }
0x59: {  	v2 =	vld [tilespmem:s15+$0x2800];
	_ =	sdelay $0x4  }
0x5a: {  	v3 =	vbroadcast v2, $0x0  }
0x5b: {  	s15 =	simm.s32 $0x2D00  }
0x5c: {  	[tilespmem:s15+$0xFFFFFE00] =	vst v3  }
0x5d: {  	[tilespmem:s15+$0xFFFFFE10] =	vst v3  }
0x5e: {  	v4 =	vbroadcast v2, $0x1;
	[tilespmem:s15+$0xFFFFFE20] =	vst v3  }
0x5f: {  	[tilespmem:s15+$0xFFFFFE30] =	vst v3  }
0x60: {  	[tilespmem:s15+$0xFFFFFE40] =	vst v4  }
0x61: {  	[tilespmem:s15+$0xFFFFFE50] =	vst v4  }
0x62: {  	v58 =	vbroadcast v2, $0x3;
	[tilespmem:s15+$0xFFFFFE60] =	vst v4  }
0x63: {  	[tilespmem:s15+$0xFFFFFE70] =	vst v4  }
0x64: {  	[tilespmem:s15+$0xFFFFFEC0] =	vst v58  }
0x65: {  	[tilespmem:s15+$0xFFFFFED0] =	vst v58  }
0x66: {  	v59 =	vbroadcast v2, $0x5;
	[tilespmem:s15+$0xFFFFFEE0] =	vst v58  }
0x67: {  	[tilespmem:s15+$0xFFFFFEF0] =	vst v58  }
0x68: {  	[tilespmem:s15+$0xFFFFFF40] =	vst v59  }
0x69: {  	[tilespmem:s15+$0xFFFFFF50] =	vst v59  }
0x6a: {  	v60 =	vbroadcast v2, $0x7;
	[tilespmem:s15+$0xFFFFFF60] =	vst v59  }
0x6b: {  	[tilespmem:s15+$0xFFFFFF70] =	vst v59  }
0x6c: {  	[tilespmem:s15+$0xFFFFFFC0] =	vst v60  }
0x6d: {  	[tilespmem:s15+$0xFFFFFFD0] =	vst v60  }
0x6e: {  	v61 =	vbroadcast v2, $0x9;
	[tilespmem:s15+$0xFFFFFFE0] =	vst v60  }
0x6f: {  	[tilespmem:s15+$0xFFFFFFF0] =	vst v60  }
0x70: {  	[tilespmem:s15+$0x40] =	vst v61  }
0x71: {  	[tilespmem:s15+$0x50] =	vst v61  }
0x72: {  	v62 =	vbroadcast v2, $0xB;
	[tilespmem:s15+$0x60] =	vst v61  }
0x73: {  	[tilespmem:s15+$0x70] =	vst v61  }
0x74: {  	v3 =	vbroadcast v2, $0x2;
	[tilespmem:s15+$0xC0] =	vst v62  }
0x75: {  	[tilespmem:s15+$0xD0] =	vst v62  }
0x76: {  	[tilespmem:s15+$0xFFFFFE80] =	vst v3  }
0x77: {  	[tilespmem:s15+$0xFFFFFE90] =	vst v3  }
0x78: {  	[tilespmem:s15+$0xFFFFFEA0] =	vst v3  }
0x79: {  	[tilespmem:s15+$0xFFFFFEB0] =	vst v3;
	v3 =	vbroadcast v2, $0x4  }
0x7a: {  	[tilespmem:s15+$0xE0] =	vst v62  }
0x7b: {  	[tilespmem:s15+$0xFFFFFF00] =	vst v3  }
0x7c: {  	[tilespmem:s15+$0xFFFFFF10] =	vst v3  }
0x7d: {  	[tilespmem:s15+$0xFFFFFF20] =	vst v3  }
0x7e: {  	[tilespmem:s15+$0xFFFFFF30] =	vst v3;
	v3 =	vbroadcast v2, $0x6  }
0x7f: {  	[tilespmem:s15+$0xF0] =	vst v62  }
0x80: {  	[tilespmem:s15+$0xFFFFFF80] =	vst v3  }
0x81: {  	[tilespmem:s15+$0xFFFFFF90] =	vst v3  }
0x82: {  	v63 =	vbroadcast v2, $0xD;
	[tilespmem:s15+$0xFFFFFFA0] =	vst v3  }
0x83: {  	[tilespmem:s15+$0xFFFFFFB0] =	vst v3;
	v3 =	vbroadcast v2, $0x8  }
0x84: {  	[tilespmem:s15+$0x140] =	vst v63  }
0x85: {  	[tilespmem:s15+$0x0] =	vst v3  }
0x86: {  	[tilespmem:s15+$0x10] =	vst v3  }
0x87: {  	[tilespmem:s15+$0x20] =	vst v3  }
0x88: {  	[tilespmem:s15+$0x30] =	vst v3;
	v3 =	vbroadcast v2, $0xA  }
0x89: {  	[tilespmem:s15+$0x150] =	vst v63  }
0x8a: {  	[tilespmem:s15+$0x80] =	vst v3  }
0x8b: {  	[tilespmem:s15+$0x90] =	vst v3  }
0x8c: {  	[tilespmem:s15+$0xA0] =	vst v3  }
0x8d: {  	[tilespmem:s15+$0xB0] =	vst v3;
	v3 =	vbroadcast v2, $0xC  }
0x8e: {  	[tilespmem:s15+$0x160] =	vst v63  }
0x8f: {  	[tilespmem:s15+$0x100] =	vst v3  }
0x90: {  	[tilespmem:s15+$0x110] =	vst v3  }
0x91: {  	[tilespmem:s15+$0x120] =	vst v3  }
0x92: {  	[tilespmem:s15+$0x130] =	vst v3;
	v3 =	vbroadcast v2, $0xE  }
0x93: {  	[tilespmem:s15+$0x170] =	vst v63  }
0x94: {  	[tilespmem:s15+$0x180] =	vst v3  }
0x95: {  	[tilespmem:s15+$0x190] =	vst v3  }
0x96: {  	v2 =	vbroadcast v2, $0xF;
	[tilespmem:s15+$0x1A0] =	vst v3  }
0x97: {  	[tilespmem:s15+$0x1B0] =	vst v3  }
0x98: {  	[tilespmem:s15+$0x1C0] =	vst v2  }
0x99: {  	[tilespmem:s15+$0x1D0] =	vst v2  }
0x9a: {  	[tilespmem:s15+$0x1E0] =	vst v2  }
0x9b: {  	s17 =	simm.s32 $0x10;
	s16 =	simm.s32 $0x80;
	[tilespmem:s15+$0x1F0] =	vst v2  }
.LBB2_6:
0x9c: {  	p0 =	sne.s32 s16, $0x9C0;
	v2 =	vld [tilespmem:s17+$0x2800];
	_ =	sdelay $0x4  }
0x9d: {  	v3 =	vbroadcast v2, $0x0;
	v4 =	vbroadcast v2, $0x1  }
0x9e: {  	s15 =	sadd.s32 $0x400, s15;
	v5 =	vbroadcast v2, $0x2;
	v6 =	vbroadcast v2, $0x3  }
0x9f: {  	v7 =	vbroadcast v2, $0x4;
	v8 =	vbroadcast v2, $0x5;
	[tilespmem:s15+$0xFFFFFE00] =	vst v3  }
0xa0: {  	v9 =	vbroadcast v2, $0x6;
	v10 =	vbroadcast v2, $0x7;
	[tilespmem:s15+$0xFFFFFE10] =	vst v3  }
0xa1: {  	v11 =	vbroadcast v2, $0x8;
	v12 =	vbroadcast v2, $0x9;
	[tilespmem:s15+$0xFFFFFE20] =	vst v3  }
0xa2: {  	v13 =	vbroadcast v2, $0xB;
	[tilespmem:s15+$0xFFFFFE30] =	vst v3;
	v3 =	vbroadcast v2, $0xA  }
0xa3: {  	v14 =	vbroadcast v2, $0xC;
	v15 =	vbroadcast v2, $0xD;
	[tilespmem:s15+$0xFFFFFE40] =	vst v4  }
0xa4: {  	v16 =	vbroadcast v2, $0xE;
	v2 =	vbroadcast v2, $0xF;
	[tilespmem:s15+$0xFFFFFE50] =	vst v4  }
0xa5: {  	[tilespmem:s15+$0xFFFFFE60] =	vst v4  }
0xa6: {  	[tilespmem:s15+$0xFFFFFE70] =	vst v4  }
0xa7: {  	[tilespmem:s15+$0xFFFFFE80] =	vst v5  }
0xa8: {  	[tilespmem:s15+$0xFFFFFE90] =	vst v5  }
0xa9: {  	[tilespmem:s15+$0xFFFFFEA0] =	vst v5  }
0xaa: {  	[tilespmem:s15+$0xFFFFFEB0] =	vst v5  }
0xab: {  	[tilespmem:s15+$0xFFFFFEC0] =	vst v6  }
0xac: {  	[tilespmem:s15+$0xFFFFFED0] =	vst v6  }
0xad: {  	[tilespmem:s15+$0xFFFFFEE0] =	vst v6  }
0xae: {  	[tilespmem:s15+$0xFFFFFEF0] =	vst v6  }
0xaf: {  	[tilespmem:s15+$0xFFFFFF00] =	vst v7  }
0xb0: {  	[tilespmem:s15+$0xFFFFFF10] =	vst v7  }
0xb1: {  	[tilespmem:s15+$0xFFFFFF20] =	vst v7  }
0xb2: {  	[tilespmem:s15+$0xFFFFFF30] =	vst v7  }
0xb3: {  	[tilespmem:s15+$0xFFFFFF40] =	vst v8  }
0xb4: {  	[tilespmem:s15+$0xFFFFFF50] =	vst v8  }
0xb5: {  	[tilespmem:s15+$0xFFFFFF60] =	vst v8  }
0xb6: {  	[tilespmem:s15+$0xFFFFFF70] =	vst v8  }
0xb7: {  	[tilespmem:s15+$0xFFFFFF80] =	vst v9  }
0xb8: {  	[tilespmem:s15+$0xFFFFFF90] =	vst v9  }
0xb9: {  	[tilespmem:s15+$0xFFFFFFA0] =	vst v9  }
0xba: {  	[tilespmem:s15+$0xFFFFFFB0] =	vst v9  }
0xbb: {  	[tilespmem:s15+$0xFFFFFFC0] =	vst v10  }
0xbc: {  	[tilespmem:s15+$0xFFFFFFD0] =	vst v10  }
0xbd: {  	[tilespmem:s15+$0xFFFFFFE0] =	vst v10  }
0xbe: {  	[tilespmem:s15+$0xFFFFFFF0] =	vst v10  }
0xbf: {  	[tilespmem:s15+$0x0] =	vst v11  }
0xc0: {  	[tilespmem:s15+$0x10] =	vst v11  }
0xc1: {  	[tilespmem:s15+$0x20] =	vst v11  }
0xc2: {  	[tilespmem:s15+$0x30] =	vst v11  }
0xc3: {  	[tilespmem:s15+$0x40] =	vst v12  }
0xc4: {  	[tilespmem:s15+$0x50] =	vst v12  }
0xc5: {  	[tilespmem:s15+$0x60] =	vst v12  }
0xc6: {  	[tilespmem:s15+$0x70] =	vst v12  }
0xc7: {  	[tilespmem:s15+$0x80] =	vst v3  }
0xc8: {  	[tilespmem:s15+$0x90] =	vst v3  }
0xc9: {  	[tilespmem:s15+$0xA0] =	vst v3  }
0xca: {  	[tilespmem:s15+$0xB0] =	vst v3  }
0xcb: {  	[tilespmem:s15+$0xC0] =	vst v13  }
0xcc: {  	[tilespmem:s15+$0xD0] =	vst v13  }
0xcd: {  	[tilespmem:s15+$0xE0] =	vst v13  }
0xce: {  	[tilespmem:s15+$0xF0] =	vst v13  }
0xcf: {  	[tilespmem:s15+$0x100] =	vst v14  }
0xd0: {  	[tilespmem:s15+$0x110] =	vst v14  }
0xd1: {  	[tilespmem:s15+$0x120] =	vst v14  }
0xd2: {  	[tilespmem:s15+$0x130] =	vst v14  }
0xd3: {  	[tilespmem:s15+$0x140] =	vst v15  }
0xd4: {  	[tilespmem:s15+$0x150] =	vst v15  }
0xd5: {  	[tilespmem:s15+$0x160] =	vst v15  }
0xd6: {  	[tilespmem:s15+$0x170] =	vst v15  }
0xd7: {  	[tilespmem:s15+$0x180] =	vst v16  }
0xd8: {  	[tilespmem:s15+$0x190] =	vst v16  }
0xd9: {  	[tilespmem:s15+$0x1A0] =	vst v16  }
.Ltmp2:
0xda: {  	[tilespmem:s15+$0x1B0] =	vst v16;
	(pc) =	sbr.rel @p0 .LBB2_6-.Ltmp2, $4  }
0xdb: {  	[tilespmem:s15+$0x1C0] =	vst v2  }
0xdc: {  	[tilespmem:s15+$0x1D0] =	vst v2  }
0xdd: {  	[tilespmem:s15+$0x1E0] =	vst v2  }
0xde: {  	s17 =	sshra.s32 s16, $0x2;
	s16 =	sadd.s32 $0x40, s16;
	[tilespmem:s15+$0x1F0] =	vst v2  }
0xdf: {  	v2 =	vld [tilespmem:s17+$0x2800];
	_ =	sdelay $0x4  }
0xe0: {  	v3 =	vbroadcast v2, $0x0  }
0xe1: {  	s15 =	sadd.s32 $0x400, s15  }
0xe2: {  	[tilespmem:s15+$0xFFFFFE00] =	vst v3  }
0xe3: {  	[tilespmem:s15+$0xFFFFFE10] =	vst v3  }
0xe4: {  	v4 =	vbroadcast v2, $0x1;
	[tilespmem:s15+$0xFFFFFE20] =	vst v3  }
0xe5: {  	[tilespmem:s15+$0xFFFFFE30] =	vst v3  }
0xe6: {  	[tilespmem:s15+$0xFFFFFE40] =	vst v4  }
0xe7: {  	[tilespmem:s15+$0xFFFFFE50] =	vst v4  }
0xe8: {  	v58 =	vbroadcast v2, $0x3;
	[tilespmem:s15+$0xFFFFFE60] =	vst v4  }
0xe9: {  	[tilespmem:s15+$0xFFFFFE70] =	vst v4  }
0xea: {  	[tilespmem:s15+$0xFFFFFEC0] =	vst v58  }
0xeb: {  	[tilespmem:s15+$0xFFFFFED0] =	vst v58  }
0xec: {  	v59 =	vbroadcast v2, $0x5;
	[tilespmem:s15+$0xFFFFFEE0] =	vst v58  }
0xed: {  	[tilespmem:s15+$0xFFFFFEF0] =	vst v58  }
0xee: {  	[tilespmem:s15+$0xFFFFFF40] =	vst v59  }
0xef: {  	[tilespmem:s15+$0xFFFFFF50] =	vst v59  }
0xf0: {  	v60 =	vbroadcast v2, $0x7;
	[tilespmem:s15+$0xFFFFFF60] =	vst v59  }
0xf1: {  	[tilespmem:s15+$0xFFFFFF70] =	vst v59  }
0xf2: {  	[tilespmem:s15+$0xFFFFFFC0] =	vst v60  }
0xf3: {  	[tilespmem:s15+$0xFFFFFFD0] =	vst v60  }
0xf4: {  	v61 =	vbroadcast v2, $0x9;
	[tilespmem:s15+$0xFFFFFFE0] =	vst v60  }
0xf5: {  	[tilespmem:s15+$0xFFFFFFF0] =	vst v60  }
0xf6: {  	[tilespmem:s15+$0x40] =	vst v61  }
0xf7: {  	[tilespmem:s15+$0x50] =	vst v61  }
0xf8: {  	v62 =	vbroadcast v2, $0xB;
	[tilespmem:s15+$0x60] =	vst v61  }
0xf9: {  	[tilespmem:s15+$0x70] =	vst v61  }
0xfa: {  	v3 =	vbroadcast v2, $0x2;
	[tilespmem:s15+$0xC0] =	vst v62  }
0xfb: {  	[tilespmem:s15+$0xD0] =	vst v62  }
0xfc: {  	[tilespmem:s15+$0xFFFFFE80] =	vst v3  }
0xfd: {  	[tilespmem:s15+$0xFFFFFE90] =	vst v3  }
0xfe: {  	[tilespmem:s15+$0xFFFFFEA0] =	vst v3  }
0xff: {  	[tilespmem:s15+$0xFFFFFEB0] =	vst v3;
	v3 =	vbroadcast v2, $0x4  }
0x100: {  	[tilespmem:s15+$0xE0] =	vst v62  }
0x101: {  	[tilespmem:s15+$0xFFFFFF00] =	vst v3  }
0x102: {  	[tilespmem:s15+$0xFFFFFF10] =	vst v3  }
0x103: {  	[tilespmem:s15+$0xFFFFFF20] =	vst v3  }
0x104: {  	[tilespmem:s15+$0xFFFFFF30] =	vst v3;
	v3 =	vbroadcast v2, $0x6  }
0x105: {  	[tilespmem:s15+$0xF0] =	vst v62  }
0x106: {  	[tilespmem:s15+$0xFFFFFF80] =	vst v3  }
0x107: {  	[tilespmem:s15+$0xFFFFFF90] =	vst v3  }
0x108: {  	v63 =	vbroadcast v2, $0xD;
	[tilespmem:s15+$0xFFFFFFA0] =	vst v3  }
0x109: {  	[tilespmem:s15+$0xFFFFFFB0] =	vst v3;
	v3 =	vbroadcast v2, $0x8  }
0x10a: {  	[tilespmem:s15+$0x140] =	vst v63  }
0x10b: {  	[tilespmem:s15+$0x0] =	vst v3  }
0x10c: {  	[tilespmem:s15+$0x10] =	vst v3  }
0x10d: {  	[tilespmem:s15+$0x20] =	vst v3  }
0x10e: {  	[tilespmem:s15+$0x30] =	vst v3;
	v3 =	vbroadcast v2, $0xA  }
0x10f: {  	[tilespmem:s15+$0x150] =	vst v63  }
0x110: {  	[tilespmem:s15+$0x80] =	vst v3  }
0x111: {  	[tilespmem:s15+$0x90] =	vst v3  }
0x112: {  	[tilespmem:s15+$0xA0] =	vst v3  }
0x113: {  	[tilespmem:s15+$0xB0] =	vst v3;
	v3 =	vbroadcast v2, $0xC  }
0x114: {  	[tilespmem:s15+$0x160] =	vst v63  }
0x115: {  	[tilespmem:s15+$0x100] =	vst v3  }
0x116: {  	[tilespmem:s15+$0x110] =	vst v3  }
0x117: {  	[tilespmem:s15+$0x120] =	vst v3  }
0x118: {  	[tilespmem:s15+$0x130] =	vst v3;
	v3 =	vbroadcast v2, $0xE  }
0x119: {  	[tilespmem:s15+$0x170] =	vst v63  }
0x11a: {  	[tilespmem:s15+$0x180] =	vst v3  }
0x11b: {  	[tilespmem:s15+$0x190] =	vst v3  }
0x11c: {  	v2 =	vbroadcast v2, $0xF;
	[tilespmem:s15+$0x1A0] =	vst v3  }
0x11d: {  	[tilespmem:s15+$0x1B0] =	vst v3  }
0x11e: {  	[tilespmem:s15+$0x1C0] =	vst v2  }
0x11f: {  	s14 =	sadd.s32 $0x1, s14;
	[tilespmem:s15+$0x1D0] =	vst v2  }
0x120: {  	p0 =	sne.s32 s14, s7;
	[tilespmem:s15+$0x1E0] =	vst v2  }
.Ltmp3:
0x121: {  	[tilespmem:s15+$0x1F0] =	vst v2;
	(pc) =	sbr.rel @p0 .LBB2_1-.Ltmp3, $4  }
0x122: {  	[hbm4b:s6+s3] =	stream.linear.scatter [tilespmem:s13], [sflag:$0x2], $0xA000, $0x38;
	[tilespmem:$0xCD80] =	vst v63  }
0x123: {  	_ =	swait.ge [sflag:s9], $0xA000  }
0x124: {  	[sflag:s9] =	ssyncset.done $0x0  }
0x125: {  	[sflag:s9] =	ssyncadd.s32 $0xFFFF6000  }
0x126: {  	_ =	sfence.sel $0x180000  }
0x127: {  	[bflag:$0x0] =	sbarrier.arrive $0xFFFF  }
0x128: {  	p0 =	sne.s32 s1, $0x0;
	_ =	strace $0x90000047  }
0x129: {  	s0 =	sadd.s32 @!p0 $0x100000, s0;
	[bflag:$0x2] =	sbarrier.arrive $0xFFFF  }
0x12a: {  	[sflag:s0] =	ssyncadd.tile.s32 @!p0 $0x1;
	_ =	shalt  }
.Lfunc_end2:
_tile_overlayer_lowered:
.L_overlay_start_2:
0x12b: {  	(tag) =	ssettag $0x2  }
0x12c: {  	s0 =	rddreg [dreg:$0x0];
	s2 =	stileid.u32  }
0x12d: {  	s1 =	rddreg [dreg:$0x1];
	p0 =	sne.s32 s2, $0x0  }
0x12e: {  	s3 =	rddreg [dreg:$0x2];
	[bflag:$0x3] =	sbarrier.arrive $0xFFFF;
	s2 =	simm.s32 @!p0 $0x1C02  }
0x12f: {  	[timem:s3], [sflag:s2] =	dma.local @!p0 [hbm:s0], s1  }
0x130: {  	s0 =	simm.s32 @!p0 $0x2  }
0x131: {  	_ =	swait.ge @!p0 [sflag:s0], s1  }
0x132: {  	s1 =	ssub.s32 @!p0 $0x0, s1;
	[sflag:s0] =	ssyncset.done @!p0 $0x0  }
0x133: {  	[sflag:s0] =	ssyncadd.s32 @!p0 s1  }
0x134: {  	[bflag:$0x3] =	sbarrier.arrive $0xFFFF  }
0x135: {  	_ =	shalt  }

</sc_bundles>
